<compile_context>
chip_gen: v7x
topology: tpu7x:2x2x1
jax: 0.10.2.dev20260603
libtpu: 0.0.44.dev20260713+nightly
codegen_flags: <defaults>
</compile_context>

<pallas_src>
import functools

import jax
import jax.numpy as jnp
from jax import lax
from jax.experimental import pallas as pl
from jax.experimental.pallas import tpu as pltpu
from jax.experimental.pallas import tpu_sc as plsc

N = 10000
E = 320000
H = 8
C = 16
D = H * C
EN = E + N
NEG = 0.1

Np = 10048
CH = 2048
NCH = 42
EPT = CH * NCH
ENp = 4 * EPT


def _tc_proj(x, A):

    def body(x_ref, A_ref, a_ref, mx_ref):
        a = jnp.dot(x_ref[...], A_ref[...], preferred_element_type=jnp.float32)
        a_ref[...] = a
        mx_ref[...] = jnp.max(a, axis=0, keepdims=True)

    return pl.pallas_call(
        body,
        out_shape=(
            jax.ShapeDtypeStruct((N, 16), jnp.float32),
            jax.ShapeDtypeStruct((1, 16), jnp.float32),
        ),
    )(x, A)


@functools.partial(
    pl.kernel,
    out_type=jax.ShapeDtypeStruct((8, ENp), jnp.float32),
    mesh=plsc.VectorSubcoreMesh(core_axis_name="c", subcore_axis_name="s"),
    compiler_params=pltpu.CompilerParams(needs_layout_passes=False),
    scratch_types=[
        pltpu.VMEM((Np,), jnp.float32),
        pltpu.VMEM((Np,), jnp.float32),
        pltpu.VMEM((Np,), jnp.float32),
        pltpu.VMEM((Np,), jnp.float32),
        pltpu.VMEM((CH,), jnp.int32),
        pltpu.VMEM((CH,), jnp.int32),
        pltpu.VMEM((CH,), jnp.int32),
        pltpu.VMEM((CH,), jnp.int32),
        pltpu.VMEM((CH,), jnp.float32),
        pltpu.VMEM((CH,), jnp.float32),
        pltpu.VMEM((CH,), jnp.float32),
        pltpu.VMEM((CH,), jnp.float32),
        pltpu.VMEM((CH,), jnp.float32),
        pltpu.VMEM((CH,), jnp.float32),
        pltpu.VMEM((16,), jnp.float32),
        pltpu.VMEM_SHARED((16 * Np,), jnp.float32),
        pltpu.SemaphoreType.DMA,
        pltpu.SemaphoreType.DMA,
        pltpu.SemaphoreType.DMA,
        pltpu.SemaphoreType.DMA,
    ],
)
def _sc_attn(aT, m16, znp, srcF, dstF, ewF, out,
             asrc, adst, acc, tmp, ua0, ua1, ub0, ub1, ew0, ew1, p_c0, p_c1,
             ab0, ab1, mbuf, slab, sem_i0, sem_i1, sem_o0, sem_o1):
    c = lax.axis_index("c")
    s = lax.axis_index("s")
    hl = s // 4
    q = s % 4
    h = 4 * c + hl
    ebase = q * EPT

    pltpu.sync_copy(aT.at[h], asrc)
    pltpu.sync_copy(aT.at[8 + h], adst)
    pltpu.sync_copy(znp, acc)
    pltpu.sync_copy(m16, mbuf)
    mv = plsc.load_gather(mbuf, [jnp.full((16,), h, jnp.int32)])
    lane = lax.iota(jnp.int32, 16)
    lane15 = lane == 15
    notl15 = lane != 15
    lanep1 = jnp.minimum(lane + 1, 15)
    gdn = lax.GatherDimensionNumbers(
        offset_dims=(), collapsed_slice_dims=(0,), start_index_map=(0,))
    nvec = Np // 16

    def p1_in_desc(j, sbuf, dbuf, sem):
        off = ebase + j * CH
        return (pltpu.make_async_copy(srcF.at[pl.ds(off, CH)], sbuf, sem),
                pltpu.make_async_copy(dstF.at[pl.ds(off, CH)], dbuf, sem))

    def p1_compute(sbuf, dbuf, pbuf):
        @plsc.parallel_loop(0, CH // 16, unroll=8)
        def _(i):
            sidx = sbuf[pl.ds(i * 16, 16)]
            didx = dbuf[pl.ds(i * 16, 16)]
            e = plsc.load_gather(asrc, [sidx]) + plsc.load_gather(adst, [didx])
            e = jnp.maximum(e, NEG * e)
            p = jnp.exp(e - mv)
            pbuf[pl.ds(i * 16, 16)] = p
            ks, vs = plsc.sort_key_val(didx, p)
            nxt = lax.gather(ks, lanep1[:, None], gdn, (1,),
                             mode=lax.GatherScatterMode.PROMISE_IN_BOUNDS)
            mlast = (ks != nxt) | lane15
            css = plsc.cumsum(vs)
            plsc.addupdate_scatter(acc, [ks], css, mask=mlast)
            plsc.addupdate_scatter(acc, [nxt], -css, mask=mlast & notl15)

    def p1_out_desc(j, pbuf, sem):
        off = ebase + j * CH
        return pltpu.make_async_copy(pbuf, out.at[h, pl.ds(off, CH)], sem)

    def p1_slot(g, j, sbuf, dbuf, pbuf, sem_i, sem_o):
        d1, d2 = p1_in_desc(j, sbuf, dbuf, sem_i)
        d1.wait()
        d2.wait()

        @pl.when(g > 0)
        def _():
            p1_out_desc(j, pbuf, sem_o).wait()

        p1_compute(sbuf, dbuf, pbuf)
        p1_out_desc(j, pbuf, sem_o).start()

        @pl.when(j + 2 < NCH)
        def _():
            n1, n2 = p1_in_desc(j + 2, sbuf, dbuf, sem_i)
            n1.start()
            n2.start()

    d1, d2 = p1_in_desc(0, ua0, ub0, sem_i0)
    d1.start()
    d2.start()
    d1, d2 = p1_in_desc(1, ua1, ub1, sem_i1)
    d1.start()
    d2.start()

    def pair1(g, _):
        p1_slot(g, 2 * g, ua0, ub0, p_c0, sem_i0, sem_o0)
        p1_slot(g, 2 * g + 1, ua1, ub1, p_c1, sem_i1, sem_o1)
        return 0

    lax.fori_loop(0, NCH // 2, pair1, 0)
    p1_out_desc(NCH - 2, p_c0, sem_o0).wait()
    p1_out_desc(NCH - 1, p_c1, sem_o1).wait()

    pltpu.sync_copy(acc, slab.at[pl.ds(s * Np, Np)])
    plsc.subcore_barrier()
    pltpu.sync_copy(slab.at[pl.ds(hl * 4 * Np, Np)], acc)

    def addrow(qq):
        pltpu.sync_copy(slab.at[pl.ds((hl * 4 + qq) * Np, Np)], tmp)

        @plsc.parallel_loop(0, nvec, unroll=8)
        def _(i):
            acc[pl.ds(i * 16, 16)] = acc[pl.ds(i * 16, 16)] + tmp[pl.ds(i * 16, 16)]

    addrow(1)
    addrow(2)
    addrow(3)

    @plsc.parallel_loop(0, nvec, unroll=8)
    def _(i):
        acc[pl.ds(i * 16, 16)] = 1.0 / (acc[pl.ds(i * 16, 16)] + 1e-30)

    def p2_in_desc(j, ebuf, dbuf, pbuf, sem):
        off = ebase + j * CH
        return (pltpu.make_async_copy(ewF.at[pl.ds(off, CH)], ebuf, sem),
                pltpu.make_async_copy(dstF.at[pl.ds(off, CH)], dbuf, sem),
                pltpu.make_async_copy(out.at[h, pl.ds(off, CH)], pbuf, sem))

    def p2_out_desc(j, abuf, sem):
        off = ebase + j * CH
        return pltpu.make_async_copy(abuf, out.at[h, pl.ds(off, CH)], sem)

    def p2_slot(g, j, ebuf, dbuf, pbuf, abuf, sem_i, sem_o):
        for d in p2_in_desc(j, ebuf, dbuf, pbuf, sem_i):
            d.wait()

        @pl.when(g > 0)
        def _():
            p2_out_desc(j, abuf, sem_o).wait()

        @plsc.parallel_loop(0, CH // 16, unroll=8)
        def _(i):
            didx = dbuf[pl.ds(i * 16, 16)]
            inv = plsc.load_gather(acc, [didx])
            sl = pl.ds(i * 16, 16)
            abuf[sl] = pbuf[sl] * ebuf[sl] * inv

        p2_out_desc(j, abuf, sem_o).start()

        @pl.when(j + 2 < NCH)
        def _():
            for d in p2_in_desc(j + 2, ebuf, dbuf, pbuf, sem_i):
                d.start()

    for d in p2_in_desc(0, ew0, ub0, p_c0, sem_i0):
        d.start()
    for d in p2_in_desc(1, ew1, ub1, p_c1, sem_i1):
        d.start()

    def pair2(g, _):
        p2_slot(g, 2 * g, ew0, ub0, p_c0, ab0, sem_i0, sem_o0)
        p2_slot(g, 2 * g + 1, ew1, ub1, p_c1, ab1, sem_i1, sem_o1)
        return 0

    lax.fori_loop(0, NCH // 2, pair2, 0)
    p2_out_desc(NCH - 2, ab0, sem_o0).wait()
    p2_out_desc(NCH - 1, ab1, sem_o1).wait()


def kernel(x, W_src, W_dst, att_src, att_dst, edge_weights, edge_index):
    A_s = jnp.einsum("dhc,hc->dh", W_src.reshape(D, H, C), att_src)
    A_d = jnp.einsum("dhc,hc->dh", W_dst.reshape(D, H, C), att_dst)
    A = jnp.concatenate([A_s, A_d], axis=1)

    a, mx = _tc_proj(x, A)
    ub = mx[0, :8] + mx[0, 8:]
    m8 = jnp.maximum(ub, NEG * ub)
    m16 = jnp.concatenate([m8, m8])

    aT = jnp.zeros((16, Np), jnp.float32).at[:, :N].set(a.T)

    loop = jnp.arange(N, dtype=edge_index.dtype)
    padE = ENp - EN
    dummy = jnp.full((padE,), N, dtype=edge_index.dtype)
    srcF = jnp.concatenate([edge_index[0], loop, dummy])
    dstF = jnp.concatenate([edge_index[1], loop, dummy])
    ewF = jnp.concatenate([
        edge_weights,
        jnp.ones((N,), jnp.float32),
        jnp.zeros((padE,), jnp.float32),
    ])
    znp = jnp.zeros((Np,), jnp.float32)

    alphaT = _sc_attn(aT, m16, znp, srcF, dstF, ewF)
    return alphaT[:, :EN].T

# --- scband reference (transcript-rebuilt; emitter-appended) ---
"""Pipeline reference for scband-icon-gat-41850161332738 (READ-ONLY COPY).

The authoritative reference and input builder live on the scoring server;
editing this copy changes nothing except your own understanding.
"""

import jax, jax.numpy as jnp
import numpy as np

N = 10000
E = 320000
H = 8
C = 16
D = H * C
NEG_SLOPE = 0.1


def setup_inputs(seed: int = 0) -> dict:
    key = jax.random.key(seed)
    ks = jax.random.split(key, 6)
    x = jax.random.normal(ks[0], (N, D), dtype=jnp.float32)
    edge_index = jax.random.randint(ks[1], (2, E), 0, N, dtype=jnp.int32)
    edge_weights = jax.random.uniform(ks[2], (E,), dtype=jnp.float32)
    W_src = jax.random.normal(ks[3], (D, H * C), dtype=jnp.float32) * (1.0 / np.sqrt(D))
    W_dst = jax.random.normal(ks[4], (D, H * C), dtype=jnp.float32) * (1.0 / np.sqrt(D))
    att = jax.random.normal(ks[5], (2, H, C), dtype=jnp.float32) * (1.0 / np.sqrt(C))
    return {
        "x": x,
        "W_src": W_src,
        "W_dst": W_dst,
        "att_src": att[0],
        "att_dst": att[1],
        "edge_weights": edge_weights,
        "edge_index": edge_index,
    }


def _gat_attn(x, W_src, W_dst, att_src, att_dst, edge_weights, edge_index):
    # WGATConv (BIONIC) attention: PyG GATConv with edge-weight-scaled softmax coefficients.
    src = edge_index[0]
    dst = edge_index[1]
    # add_self_loops=True on the dst node set (size[1] == N), self-loop weight = 1.0
    loop = jnp.arange(N, dtype=edge_index.dtype)
    src_full = jnp.concatenate([src, loop])
    dst_full = jnp.concatenate([dst, loop])
    ew_full = jnp.concatenate([edge_weights, jnp.ones((N,), dtype=edge_weights.dtype)])
    # bipartite linear projections: lin_src on x, lin_dst on x[:size[1]] (== x here)
    h_src = (x @ W_src).reshape(N, H, C)
    h_dst = (x @ W_dst).reshape(N, H, C)
    a_src = jnp.sum(h_src * att_src[None], axis=-1)  # [N, H]
    a_dst = jnp.sum(h_dst * att_dst[None], axis=-1)  # [N, H]
    e = a_src[src_full] + a_dst[dst_full]            # [E+N, H]
    e = jnp.where(e >= 0, e, NEG_SLOPE * e)          # leaky_relu
    # softmax over incoming edges of each dst node (segment softmax)
    e_max = jax.ops.segment_max(e, dst_full, num_segments=N)
    e_max = jax.lax.stop_gradient(jnp.where(jnp.isfinite(e_max), e_max, 0.0))
    e_exp = jnp.exp(e - e_max[dst_full])
    denom = jax.ops.segment_sum(e_exp, dst_full, num_segments=N)
    alpha = e_exp / (denom[dst_full] + 1e-16)
    # WGATConv: scale attention by the provided edge weights
    alpha = alpha * ew_full[:, None]
    return alpha


def reference(x, W_src, W_dst, att_src, att_dst, edge_weights, edge_index):
    # forward(...) returns attn (the attention coefficients, dropout=0.0)
    return _gat_attn(x, W_src, W_dst, att_src, att_dst, edge_weights, edge_index)

if __name__ == "__main__":
    import jax
    _d = setup_inputs()
    print(jax.jit(kernel)(*tuple(_d.values())))

</pallas_src>

<mosaic_0001>
#map = affine_map<(d0, d1) -> (0, 0)>
#map1 = affine_map<(d0, d1) -> (0)>
module attributes {stable_mosaic.version = 14 : i64} {
  func.func @_sc_attn(%arg0: i32, %arg1: i32, %arg2: memref<16x10048xf32, #tpu.memory_space<hbm>>, %arg3: memref<16xf32, #tpu.memory_space<hbm>>, %arg4: memref<10048xf32, #tpu.memory_space<hbm>>, %arg5: memref<344064xi32, #tpu.memory_space<hbm>>, %arg6: memref<344064xi32, #tpu.memory_space<hbm>>, %arg7: memref<344064xf32, #tpu.memory_space<hbm>>, %arg8: memref<8x344064xf32, #tpu.memory_space<hbm>>, %arg9: memref<10048xf32, #tpu.memory_space<vmem>>, %arg10: memref<10048xf32, #tpu.memory_space<vmem>>, %arg11: memref<10048xf32, #tpu.memory_space<vmem>>, %arg12: memref<10048xf32, #tpu.memory_space<vmem>>, %arg13: memref<2048xi32, #tpu.memory_space<vmem>>, %arg14: memref<2048xi32, #tpu.memory_space<vmem>>, %arg15: memref<2048xi32, #tpu.memory_space<vmem>>, %arg16: memref<2048xi32, #tpu.memory_space<vmem>>, %arg17: memref<2048xf32, #tpu.memory_space<vmem>>, %arg18: memref<2048xf32, #tpu.memory_space<vmem>>, %arg19: memref<2048xf32, #tpu.memory_space<vmem>>, %arg20: memref<2048xf32, #tpu.memory_space<vmem>>, %arg21: memref<2048xf32, #tpu.memory_space<vmem>>, %arg22: memref<2048xf32, #tpu.memory_space<vmem>>, %arg23: memref<16xf32, #tpu.memory_space<vmem>>, %arg24: memref<160768xf32, #tpu.memory_space<vmem_shared>>, %arg25: memref<!tpu.dma_semaphore, #tpu.memory_space<semaphore_mem>>, %arg26: memref<!tpu.dma_semaphore, #tpu.memory_space<semaphore_mem>>, %arg27: memref<!tpu.dma_semaphore, #tpu.memory_space<semaphore_mem>>, %arg28: memref<!tpu.dma_semaphore, #tpu.memory_space<semaphore_mem>>) attributes {dimension_semantics = [#tpu.dimension_semantics<core_parallel>, #tpu.dimension_semantics<subcore_parallel>], iteration_bounds = array<i64: 2, 16>, scalar_prefetch = 0 : i64, scratch_operands = 20 : i64, tpu.core_type = #tpu.core_type<sc_vector_subcore>, window_params = [{transform_indices = #map}, {transform_indices = #map1}, {transform_indices = #map1}, {transform_indices = #map1}, {transform_indices = #map1}, {transform_indices = #map1}, {transform_indices = #map}]} {
    %jit3A = arith.constant 4 : i32
    %div3A = arith.divsi %arg1, %jit3A : i32
    %sign3A = arith.constant 0 : i32
    %sign3A_0 = arith.cmpi sgt, %arg1, %sign3A : i32
    %sign3A_1 = arith.extui %sign3A_0 : i1 to i32
    %sign3A_2 = arith.constant 0 : i32
    %sign3A_3 = arith.cmpi slt, %arg1, %sign3A_2 : i32
    %sign3A_4 = arith.extui %sign3A_3 : i1 to i32
    %sign3A_5 = arith.subi %sign3A_1, %sign3A_4 : i32
    %sign3A_6 = arith.constant 0 : i32
    %sign3A_7 = arith.cmpi sgt, %jit3A, %sign3A_6 : i32
    %sign3A_8 = arith.extui %sign3A_7 : i1 to i32
    %sign3A_9 = arith.constant 0 : i32
    %sign3A_10 = arith.cmpi slt, %jit3A, %sign3A_9 : i32
    %sign3A_11 = arith.extui %sign3A_10 : i1 to i32
    %sign3A_12 = arith.subi %sign3A_8, %sign3A_11 : i32
    %ne3A = arith.cmpi ne, %sign3A_5, %sign3A_12 : i32
    %rem3A = arith.remsi %arg1, %jit3A : i32
    %ne3A_13 = arith.constant 0 : i32
    %ne3A_14 = arith.cmpi ne, %rem3A, %ne3A_13 : i32
    %and3A = arith.andi %ne3A, %ne3A_14 : i1
    %sub3A = arith.constant 1 : i32
    %sub3A_15 = arith.subi %div3A, %sub3A : i32
    %select_n3A = arith.select %and3A, %sub3A_15, %div3A : i32
    %jit3A_16 = arith.constant 4 : i32
    %eq3A = arith.constant 0 : i32
    %eq3A_17 = arith.cmpi eq, %jit3A_16, %eq3A : i32
    %jit3A_18 = arith.constant 1 : i32
    %select_n3A_19 = arith.select %eq3A_17, %jit3A_18, %jit3A_16 : i32
    %rem3A_20 = arith.remsi %arg1, %select_n3A_19 : i32
    %ne3A_21 = arith.constant 0 : i32
    %ne3A_22 = arith.cmpi ne, %rem3A_20, %ne3A_21 : i32
    %lt3A = arith.constant 0 : i32
    %lt3A_23 = arith.cmpi slt, %rem3A_20, %lt3A : i32
    %lt3A_24 = arith.constant 0 : i32
    %lt3A_25 = arith.cmpi slt, %select_n3A_19, %lt3A_24 : i32
    %ne3A_26 = arith.xori %lt3A_23, %lt3A_25 : i1
    %and3A_27 = arith.andi %ne3A_26, %ne3A_22 : i1
    %add3A = arith.addi %rem3A_20, %select_n3A_19 : i32
    %select_n3A_28 = arith.select %and3A_27, %add3A, %rem3A_20 : i32
    %mul3A = arith.constant 4 : i32
    %mul3A_29 = arith.muli %mul3A, %arg0 : i32
    %add3A_30 = arith.addi %mul3A_29, %select_n3A : i32
    %mul3A_31 = arith.constant 86016 : i32
    %mul3A_32 = arith.muli %select_n3A_28, %mul3A_31 : i32
    "tpu.region"() ({
      %run_scoped3A = tpu.sem_alloc : memref<!tpu.dma_semaphore, #tpu.memory_space<semaphore_mem>>
      %dma_start3A_148 = arith.constant 0 : i32
      %dma_start3A_149 = tpu.memref_slice %arg2[%add3A_30, %dma_start3A_148] : memref<16x10048xf32, #tpu.memory_space<hbm>> -> memref<1x10048xf32, #tpu.memory_space<hbm>>
      %dma_start3A_150 = tpu.memref_squeeze %dma_start3A_149 : memref<1x10048xf32, #tpu.memory_space<hbm>> -> memref<10048xf32, #tpu.memory_space<hbm>>
      %dma_start3A_151 = arith.constant 0 : i32
      %dma_start3A_152 = tpu.memref_slice %arg2[%add3A_30, %dma_start3A_151] : memref<16x10048xf32, #tpu.memory_space<hbm>> -> memref<1x10048xf32, #tpu.memory_space<hbm>>
      %dma_start3A_153 = tpu.memref_squeeze %dma_start3A_152 : memref<1x10048xf32, #tpu.memory_space<hbm>> -> memref<10048xf32, #tpu.memory_space<hbm>>
      tpu.enqueue_dma source(%dma_start3A_153 : memref<10048xf32, #tpu.memory_space<hbm>>) target(%arg9 : memref<10048xf32, #tpu.memory_space<vmem>>) target_semaphore(%run_scoped3A : memref<!tpu.dma_semaphore, #tpu.memory_space<semaphore_mem>>)
      %dma_wait3A_154 = arith.constant 0 : i32
      %dma_wait3A_155 = tpu.memref_slice %arg2[%add3A_30, %dma_wait3A_154] : memref<16x10048xf32, #tpu.memory_space<hbm>> -> memref<1x10048xf32, #tpu.memory_space<hbm>>
      %dma_wait3A_156 = tpu.memref_squeeze %dma_wait3A_155 : memref<1x10048xf32, #tpu.memory_space<hbm>> -> memref<10048xf32, #tpu.memory_space<hbm>>
      %dma_wait3A_157 = arith.constant 0 : i32
      %dma_wait3A_158 = tpu.memref_slice %arg2[%add3A_30, %dma_wait3A_157] : memref<16x10048xf32, #tpu.memory_space<hbm>> -> memref<1x10048xf32, #tpu.memory_space<hbm>>
      %dma_wait3A_159 = tpu.memref_squeeze %dma_wait3A_158 : memref<1x10048xf32, #tpu.memory_space<hbm>> -> memref<10048xf32, #tpu.memory_space<hbm>>
      tpu.wait_dma2 semaphore(%run_scoped3A : memref<!tpu.dma_semaphore, #tpu.memory_space<semaphore_mem>>) src(%dma_wait3A_159 : memref<10048xf32, #tpu.memory_space<hbm>>) dst(%arg9 : memref<10048xf32, #tpu.memory_space<vmem>>)
      tpu.yield
    }) : () -> ()
    %add3A_33 = arith.constant 8 : i32
    %add3A_34 = arith.addi %add3A_33, %add3A_30 : i32
    "tpu.region"() ({
      %run_scoped3A = tpu.sem_alloc : memref<!tpu.dma_semaphore, #tpu.memory_space<semaphore_mem>>
      %dma_start3A_148 = arith.constant 0 : i32
      %dma_start3A_149 = tpu.memref_slice %arg2[%add3A_34, %dma_start3A_148] : memref<16x10048xf32, #tpu.memory_space<hbm>> -> memref<1x10048xf32, #tpu.memory_space<hbm>>
      %dma_start3A_150 = tpu.memref_squeeze %dma_start3A_149 : memref<1x10048xf32, #tpu.memory_space<hbm>> -> memref<10048xf32, #tpu.memory_space<hbm>>
      %dma_start3A_151 = arith.constant 0 : i32
      %dma_start3A_152 = tpu.memref_slice %arg2[%add3A_34, %dma_start3A_151] : memref<16x10048xf32, #tpu.memory_space<hbm>> -> memref<1x10048xf32, #tpu.memory_space<hbm>>
      %dma_start3A_153 = tpu.memref_squeeze %dma_start3A_152 : memref<1x10048xf32, #tpu.memory_space<hbm>> -> memref<10048xf32, #tpu.memory_space<hbm>>
      tpu.enqueue_dma source(%dma_start3A_153 : memref<10048xf32, #tpu.memory_space<hbm>>) target(%arg10 : memref<10048xf32, #tpu.memory_space<vmem>>) target_semaphore(%run_scoped3A : memref<!tpu.dma_semaphore, #tpu.memory_space<semaphore_mem>>)
      %dma_wait3A_154 = arith.constant 0 : i32
      %dma_wait3A_155 = tpu.memref_slice %arg2[%add3A_34, %dma_wait3A_154] : memref<16x10048xf32, #tpu.memory_space<hbm>> -> memref<1x10048xf32, #tpu.memory_space<hbm>>
      %dma_wait3A_156 = tpu.memref_squeeze %dma_wait3A_155 : memref<1x10048xf32, #tpu.memory_space<hbm>> -> memref<10048xf32, #tpu.memory_space<hbm>>
      %dma_wait3A_157 = arith.constant 0 : i32
      %dma_wait3A_158 = tpu.memref_slice %arg2[%add3A_34, %dma_wait3A_157] : memref<16x10048xf32, #tpu.memory_space<hbm>> -> memref<1x10048xf32, #tpu.memory_space<hbm>>
      %dma_wait3A_159 = tpu.memref_squeeze %dma_wait3A_158 : memref<1x10048xf32, #tpu.memory_space<hbm>> -> memref<10048xf32, #tpu.memory_space<hbm>>
      tpu.wait_dma2 semaphore(%run_scoped3A : memref<!tpu.dma_semaphore, #tpu.memory_space<semaphore_mem>>) src(%dma_wait3A_159 : memref<10048xf32, #tpu.memory_space<hbm>>) dst(%arg10 : memref<10048xf32, #tpu.memory_space<vmem>>)
      tpu.yield
    }) : () -> ()
    "tpu.region"() ({
      %run_scoped3A = tpu.sem_alloc : memref<!tpu.dma_semaphore, #tpu.memory_space<semaphore_mem>>
      tpu.enqueue_dma source(%arg4 : memref<10048xf32, #tpu.memory_space<hbm>>) target(%arg11 : memref<10048xf32, #tpu.memory_space<vmem>>) target_semaphore(%run_scoped3A : memref<!tpu.dma_semaphore, #tpu.memory_space<semaphore_mem>>)
      tpu.wait_dma2 semaphore(%run_scoped3A : memref<!tpu.dma_semaphore, #tpu.memory_space<semaphore_mem>>) src(%arg4 : memref<10048xf32, #tpu.memory_space<hbm>>) dst(%arg11 : memref<10048xf32, #tpu.memory_space<vmem>>)
      tpu.yield
    }) : () -> ()
    "tpu.region"() ({
      %run_scoped3A = tpu.sem_alloc : memref<!tpu.dma_semaphore, #tpu.memory_space<semaphore_mem>>
      tpu.enqueue_dma source(%arg3 : memref<16xf32, #tpu.memory_space<hbm>>) target(%arg23 : memref<16xf32, #tpu.memory_space<vmem>>) target_semaphore(%run_scoped3A : memref<!tpu.dma_semaphore, #tpu.memory_space<semaphore_mem>>)
      tpu.wait_dma2 semaphore(%run_scoped3A : memref<!tpu.dma_semaphore, #tpu.memory_space<semaphore_mem>>) src(%arg3 : memref<16xf32, #tpu.memory_space<hbm>>) dst(%arg23 : memref<16xf32, #tpu.memory_space<vmem>>)
      tpu.yield
    }) : () -> ()
    %broadcast_in_dim3A = vector.broadcast %add3A_30 : i32 to vector<16xi32>
    %gather3A = tpu.vector_load_idx %arg23[%broadcast_in_dim3A] : memref<16xf32, #tpu.memory_space<vmem>>[vector<16xi32>], vector<16xf32>,
    %iota3A = tpu.iota {dimensions = array<i32: 0>} : vector<16xi32>
    %eq3A_35 = arith.constant 15 : i32
    %eq3A_36 = vector.broadcast %eq3A_35 : i32 to vector<16xi32>
    %eq3A_37 = arith.cmpi eq, %iota3A, %eq3A_36 : vector<16xi32>
    %ne3A_38 = arith.constant 15 : i32
    %ne3A_39 = vector.broadcast %ne3A_38 : i32 to vector<16xi32>
    %ne3A_40 = arith.cmpi ne, %iota3A, %ne3A_39 : vector<16xi32>
    %add3A_41 = arith.constant 1 : i32
    %add3A_42 = vector.broadcast %add3A_41 : i32 to vector<16xi32>
    %add3A_43 = arith.addi %iota3A, %add3A_42 : vector<16xi32>
    %min3A = arith.constant 15 : i32
    %min3A_44 = vector.broadcast %min3A : i32 to vector<16xi32>
    %min3A_45 = arith.minsi %add3A_43, %min3A_44 : vector<16xi32>
    %add3A_46 = arith.constant 0 : i32
    %add3A_47 = arith.addi %mul3A_32, %add3A_46 : i32
    %dma_start3A = tpu.memref_slice %arg5[%add3A_47] : memref<344064xi32, #tpu.memory_space<hbm>> -> memref<2048xi32, #tpu.memory_space<hbm>>
    %dma_start3A_48 = tpu.memref_slice %arg5[%add3A_47] : memref<344064xi32, #tpu.memory_space<hbm>> -> memref<2048xi32, #tpu.memory_space<hbm>>
    tpu.enqueue_dma source(%dma_start3A_48 : memref<2048xi32, #tpu.memory_space<hbm>>) target(%arg13 : memref<2048xi32, #tpu.memory_space<vmem>>) target_semaphore(%arg25 : memref<!tpu.dma_semaphore, #tpu.memory_space<semaphore_mem>>)
    %dma_start3A_49 = tpu.memref_slice %arg6[%add3A_47] : memref<344064xi32, #tpu.memory_space<hbm>> -> memref<2048xi32, #tpu.memory_space<hbm>>
    %dma_start3A_50 = tpu.memref_slice %arg6[%add3A_47] : memref<344064xi32, #tpu.memory_space<hbm>> -> memref<2048xi32, #tpu.memory_space<hbm>>
    tpu.enqueue_dma source(%dma_start3A_50 : memref<2048xi32, #tpu.memory_space<hbm>>) target(%arg15 : memref<2048xi32, #tpu.memory_space<vmem>>) target_semaphore(%arg25 : memref<!tpu.dma_semaphore, #tpu.memory_space<semaphore_mem>>)
    %add3A_51 = arith.constant 2048 : i32
    %add3A_52 = arith.addi %mul3A_32, %add3A_51 : i32
    %dma_start3A_53 = tpu.memref_slice %arg5[%add3A_52] : memref<344064xi32, #tpu.memory_space<hbm>> -> memref<2048xi32, #tpu.memory_space<hbm>>
    %dma_start3A_54 = tpu.memref_slice %arg5[%add3A_52] : memref<344064xi32, #tpu.memory_space<hbm>> -> memref<2048xi32, #tpu.memory_space<hbm>>
    tpu.enqueue_dma source(%dma_start3A_54 : memref<2048xi32, #tpu.memory_space<hbm>>) target(%arg14 : memref<2048xi32, #tpu.memory_space<vmem>>) target_semaphore(%arg26 : memref<!tpu.dma_semaphore, #tpu.memory_space<semaphore_mem>>)
    %dma_start3A_55 = tpu.memref_slice %arg6[%add3A_52] : memref<344064xi32, #tpu.memory_space<hbm>> -> memref<2048xi32, #tpu.memory_space<hbm>>
    %dma_start3A_56 = tpu.memref_slice %arg6[%add3A_52] : memref<344064xi32, #tpu.memory_space<hbm>> -> memref<2048xi32, #tpu.memory_space<hbm>>
    tpu.enqueue_dma source(%dma_start3A_56 : memref<2048xi32, #tpu.memory_space<hbm>>) target(%arg16 : memref<2048xi32, #tpu.memory_space<vmem>>) target_semaphore(%arg26 : memref<!tpu.dma_semaphore, #tpu.memory_space<semaphore_mem>>)
    %scan3A = arith.constant 0 : i32
    %scan3A_57 = arith.constant 0 : i32
    %scan3A_58 = arith.constant 21 : i32
    %scan3A_59 = arith.addi %scan3A_57, %scan3A_58 : i32
    %scan3A_60 = arith.constant 1 : i32
    %scan3A_61 = scf.for %scan3A_148 = %scan3A_57 to %scan3A_59 step %scan3A_60 iter_args(%scan3A_149 = %scan3A) -> (i32)  : i32 {
      %mul3A_150 = arith.constant 2 : i32
      %mul3A_151 = arith.muli %mul3A_150, %scan3A_148 : i32
      %mul3A_152 = arith.constant 2048 : i32
      %mul3A_153 = arith.muli %mul3A_151, %mul3A_152 : i32
      %add3A_154 = arith.addi %mul3A_32, %mul3A_153 : i32
      %dma_wait3A_155 = tpu.memref_slice %arg5[%add3A_154] : memref<344064xi32, #tpu.memory_space<hbm>> -> memref<2048xi32, #tpu.memory_space<hbm>>
      %dma_wait3A_156 = tpu.memref_slice %arg5[%add3A_154] : memref<344064xi32, #tpu.memory_space<hbm>> -> memref<2048xi32, #tpu.memory_space<hbm>>
      tpu.wait_dma2 semaphore(%arg25 : memref<!tpu.dma_semaphore, #tpu.memory_space<semaphore_mem>>) src(%dma_wait3A_156 : memref<2048xi32, #tpu.memory_space<hbm>>) dst(%arg13 : memref<2048xi32, #tpu.memory_space<vmem>>)
      %dma_wait3A_157 = tpu.memref_slice %arg6[%add3A_154] : memref<344064xi32, #tpu.memory_space<hbm>> -> memref<2048xi32, #tpu.memory_space<hbm>>
      %dma_wait3A_158 = tpu.memref_slice %arg6[%add3A_154] : memref<344064xi32, #tpu.memory_space<hbm>> -> memref<2048xi32, #tpu.memory_space<hbm>>
      tpu.wait_dma2 semaphore(%arg25 : memref<!tpu.dma_semaphore, #tpu.memory_space<semaphore_mem>>) src(%dma_wait3A_158 : memref<2048xi32, #tpu.memory_space<hbm>>) dst(%arg15 : memref<2048xi32, #tpu.memory_space<vmem>>)
      %gt3A = arith.constant 0 : i32
      %gt3A_159 = arith.cmpi sgt, %scan3A_148, %gt3A : i32
      %convert_element_type3A = arith.extui %gt3A_159 : i1 to i32
      %cond3A = arith.constant 0 : i32
      %cond3A_160 = arith.cmpi ne, %convert_element_type3A, %cond3A : i32
      scf.if %cond3A_160 {
        %mul3A_212 = arith.constant 2048 : i32
        %mul3A_213 = arith.muli %mul3A_151, %mul3A_212 : i32
        %add3A_214 = arith.addi %mul3A_32, %mul3A_213 : i32
        %dma_wait3A_215 = tpu.memref_slice %arg8[%add3A_30, %add3A_214] : memref<8x344064xf32, #tpu.memory_space<hbm>> -> memref<1x2048xf32, #tpu.memory_space<hbm>>
        %dma_wait3A_216 = tpu.memref_squeeze %dma_wait3A_215 : memref<1x2048xf32, #tpu.memory_space<hbm>> -> memref<2048xf32, #tpu.memory_space<hbm>>
        %dma_wait3A_217 = tpu.memref_slice %arg8[%add3A_30, %add3A_214] : memref<8x344064xf32, #tpu.memory_space<hbm>> -> memref<1x2048xf32, #tpu.memory_space<hbm>>
        %dma_wait3A_218 = tpu.memref_squeeze %dma_wait3A_217 : memref<1x2048xf32, #tpu.memory_space<hbm>> -> memref<2048xf32, #tpu.memory_space<hbm>>
        tpu.wait_dma2 semaphore(%arg27 : memref<!tpu.dma_semaphore, #tpu.memory_space<semaphore_mem>>) src(%arg19 : memref<2048xf32, #tpu.memory_space<vmem>>) dst(%dma_wait3A_218 : memref<2048xf32, #tpu.memory_space<hbm>>)
      } else {
      }
      %parallel_loop3A_161 = arith.constant 0 : i32
      %parallel_loop3A_162 = arith.constant 128 : i32
      %parallel_loop3A_163 = arith.constant 1 : i32
      scf.for %parallel_loop3A_212 = %parallel_loop3A_161 to %parallel_loop3A_162 step %parallel_loop3A_163  : i32 {
        %parallel_loop3A_213 = arith.constant 16 : i32
        %parallel_loop3A_214 = arith.muli %parallel_loop3A_212, %parallel_loop3A_213 : i32
        %parallel_loop3A_215 = arith.index_cast %parallel_loop3A_214 : i32 to index
        %parallel_loop3A_216 = tpu.vector_load %arg13[%parallel_loop3A_215] {strides = array<i32>} : memref<2048xi32, #tpu.memory_space<vmem>>, vector<16xi32>,
        %parallel_loop3A_217 = arith.constant 16 : i32
        %parallel_loop3A_218 = arith.muli %parallel_loop3A_212, %parallel_loop3A_217 : i32
        %parallel_loop3A_219 = arith.index_cast %parallel_loop3A_218 : i32 to index
        %parallel_loop3A_220 = tpu.vector_load %arg15[%parallel_loop3A_219] {strides = array<i32>} : memref<2048xi32, #tpu.memory_space<vmem>>, vector<16xi32>,
        %parallel_loop3A_221 = tpu.vector_load_idx %arg9[%parallel_loop3A_216] : memref<10048xf32, #tpu.memory_space<vmem>>[vector<16xi32>], vector<16xf32>,
        %parallel_loop3A_222 = tpu.vector_load_idx %arg10[%parallel_loop3A_220] : memref<10048xf32, #tpu.memory_space<vmem>>[vector<16xi32>], vector<16xf32>,
        %parallel_loop3A_223 = arith.addf %parallel_loop3A_221, %parallel_loop3A_222 : vector<16xf32>
        %parallel_loop3A_224 = arith.constant 1.000000e-01 : f32
        %parallel_loop3A_225 = vector.broadcast %parallel_loop3A_224 : f32 to vector<16xf32>
        %parallel_loop3A_226 = arith.mulf %parallel_loop3A_225, %parallel_loop3A_223 : vector<16xf32>
        %parallel_loop3A_227 = arith.maximumf %parallel_loop3A_223, %parallel_loop3A_226 : vector<16xf32>
        %parallel_loop3A_228 = arith.subf %parallel_loop3A_227, %gather3A : vector<16xf32>
        %parallel_loop3A_229 = math.exp %parallel_loop3A_228 : vector<16xf32>
        %parallel_loop3A_230 = arith.constant 16 : i32
        %parallel_loop3A_231 = arith.muli %parallel_loop3A_212, %parallel_loop3A_230 : i32
        %parallel_loop3A_232 = arith.index_cast %parallel_loop3A_231 : i32 to index
        %parallel_loop3A_233 = tpu.vector_load %arg19[%parallel_loop3A_232] {strides = array<i32>} : memref<2048xf32, #tpu.memory_space<vmem>>, vector<16xf32>,
        tpu.vector_store %arg19[%parallel_loop3A_232], %parallel_loop3A_229 {strides = array<i32>} : memref<2048xf32, #tpu.memory_space<vmem>>, vector<16xf32>,
        %parallel_loop3A_234 = arith.constant dense<true> : vector<16xi1>
        %parallel_loop3A_235 = arith.constant -2147483648 : i32
        %parallel_loop3A_236 = vector.broadcast %parallel_loop3A_235 : i32 to vector<16xi32>
        %parallel_loop3A_237 = arith.xori %parallel_loop3A_220, %parallel_loop3A_236 : vector<16xi32>
        %parallel_loop3A_238, %parallel_loop3A_239, %parallel_loop3A_240 = tpu.sort %parallel_loop3A_237, %parallel_loop3A_229 masked %parallel_loop3A_234 : (vector<16xi32>, vector<16xf32>, vector<16xi1>) -> (vector<16xi1>, vector<16xi32>, vector<16xf32>)
        %parallel_loop3A_241 = arith.xori %parallel_loop3A_239, %parallel_loop3A_236 : vector<16xi32>
        %parallel_loop3A_242 = vector.shape_cast %min3A_45 : vector<16xi32> to vector<16x1xi32>
        %parallel_loop3A_243 = vector.shape_cast %parallel_loop3A_242 : vector<16x1xi32> to vector<16xi32>
        %parallel_loop3A_244 = tpu.dynamic_gather %parallel_loop3A_241[%parallel_loop3A_243] in [0] : vector<16xi32>, vector<16xi32> -> vector<16xi32>
        %parallel_loop3A_245 = arith.cmpi ne, %parallel_loop3A_241, %parallel_loop3A_244 : vector<16xi32>
        %parallel_loop3A_246 = arith.ori %parallel_loop3A_245, %eq3A_37 : vector<16xi1>
        %parallel_loop3A_247 = arith.constant true
        %parallel_loop3A_248 = vector.broadcast %parallel_loop3A_247 : i1 to vector<16xi1>
        %parallel_loop3A_249 = tpu.scan <sum>, %parallel_loop3A_240 masked %parallel_loop3A_248 : vector<16xf32>, vector<16xi1> -> vector<16xf32>
        tpu.vector_store_idx %arg11[%parallel_loop3A_241], %parallel_loop3A_249 masked %parallel_loop3A_246 {add = true} : memref<10048xf32, #tpu.memory_space<vmem>>[vector<16xi32>], vector<16xf32>, vector<16xi1>
        %parallel_loop3A_250 = arith.constant 0.000000e+00 : f32
        %parallel_loop3A_251 = vector.broadcast %parallel_loop3A_250 : f32 to vector<16xf32>
        %parallel_loop3A_252 = arith.subf %parallel_loop3A_251, %parallel_loop3A_249 : vector<16xf32>
        %parallel_loop3A_253 = arith.andi %parallel_loop3A_246, %ne3A_40 : vector<16xi1>
        tpu.vector_store_idx %arg11[%parallel_loop3A_244], %parallel_loop3A_252 masked %parallel_loop3A_253 {add = true} : memref<10048xf32, #tpu.memory_space<vmem>>[vector<16xi32>], vector<16xf32>, vector<16xi1>
      } {sc.loop_unroll_factor = 8 : i64, sc.parallel_access}
      %mul3A_164 = arith.constant 2048 : i32
      %mul3A_165 = arith.muli %mul3A_151, %mul3A_164 : i32
      %add3A_166 = arith.addi %mul3A_32, %mul3A_165 : i32
      %dma_start3A_167 = tpu.memref_slice %arg8[%add3A_30, %add3A_166] : memref<8x344064xf32, #tpu.memory_space<hbm>> -> memref<1x2048xf32, #tpu.memory_space<hbm>>
      %dma_start3A_168 = tpu.memref_squeeze %dma_start3A_167 : memref<1x2048xf32, #tpu.memory_space<hbm>> -> memref<2048xf32, #tpu.memory_space<hbm>>
      %dma_start3A_169 = tpu.memref_slice %arg8[%add3A_30, %add3A_166] : memref<8x344064xf32, #tpu.memory_space<hbm>> -> memref<1x2048xf32, #tpu.memory_space<hbm>>
      %dma_start3A_170 = tpu.memref_squeeze %dma_start3A_169 : memref<1x2048xf32, #tpu.memory_space<hbm>> -> memref<2048xf32, #tpu.memory_space<hbm>>
      tpu.enqueue_dma source(%arg19 : memref<2048xf32, #tpu.memory_space<vmem>>) target(%dma_start3A_170 : memref<2048xf32, #tpu.memory_space<hbm>>) target_semaphore(%arg27 : memref<!tpu.dma_semaphore, #tpu.memory_space<semaphore_mem>>)
      %add3A_171 = arith.constant 2 : i32
      %add3A_172 = arith.addi %mul3A_151, %add3A_171 : i32
      %lt3A_173 = arith.constant 42 : i32
      %lt3A_174 = arith.cmpi slt, %add3A_172, %lt3A_173 : i32
      %convert_element_type3A_175 = arith.extui %lt3A_174 : i1 to i32
      %cond3A_176 = arith.constant 0 : i32
      %cond3A_177 = arith.cmpi ne, %convert_element_type3A_175, %cond3A_176 : i32
      scf.if %cond3A_177 {
        %add3A_212 = arith.constant 2 : i32
        %add3A_213 = arith.addi %mul3A_151, %add3A_212 : i32
        %mul3A_214 = arith.constant 2048 : i32
        %mul3A_215 = arith.muli %add3A_213, %mul3A_214 : i32
        %add3A_216 = arith.addi %mul3A_32, %mul3A_215 : i32
        %dma_start3A_217 = tpu.memref_slice %arg5[%add3A_216] : memref<344064xi32, #tpu.memory_space<hbm>> -> memref<2048xi32, #tpu.memory_space<hbm>>
        %dma_start3A_218 = tpu.memref_slice %arg5[%add3A_216] : memref<344064xi32, #tpu.memory_space<hbm>> -> memref<2048xi32, #tpu.memory_space<hbm>>
        tpu.enqueue_dma source(%dma_start3A_218 : memref<2048xi32, #tpu.memory_space<hbm>>) target(%arg13 : memref<2048xi32, #tpu.memory_space<vmem>>) target_semaphore(%arg25 : memref<!tpu.dma_semaphore, #tpu.memory_space<semaphore_mem>>)
        %dma_start3A_219 = tpu.memref_slice %arg6[%add3A_216] : memref<344064xi32, #tpu.memory_space<hbm>> -> memref<2048xi32, #tpu.memory_space<hbm>>
        %dma_start3A_220 = tpu.memref_slice %arg6[%add3A_216] : memref<344064xi32, #tpu.memory_space<hbm>> -> memref<2048xi32, #tpu.memory_space<hbm>>
        tpu.enqueue_dma source(%dma_start3A_220 : memref<2048xi32, #tpu.memory_space<hbm>>) target(%arg15 : memref<2048xi32, #tpu.memory_space<vmem>>) target_semaphore(%arg25 : memref<!tpu.dma_semaphore, #tpu.memory_space<semaphore_mem>>)
      } else {
      }
      %mul3A_178 = arith.constant 2 : i32
      %mul3A_179 = arith.muli %mul3A_178, %scan3A_148 : i32
      %add3A_180 = arith.constant 1 : i32
      %add3A_181 = arith.addi %mul3A_179, %add3A_180 : i32
      %mul3A_182 = arith.constant 2048 : i32
      %mul3A_183 = arith.muli %add3A_181, %mul3A_182 : i32
      %add3A_184 = arith.addi %mul3A_32, %mul3A_183 : i32
      %dma_wait3A_185 = tpu.memref_slice %arg5[%add3A_184] : memref<344064xi32, #tpu.memory_space<hbm>> -> memref<2048xi32, #tpu.memory_space<hbm>>
      %dma_wait3A_186 = tpu.memref_slice %arg5[%add3A_184] : memref<344064xi32, #tpu.memory_space<hbm>> -> memref<2048xi32, #tpu.memory_space<hbm>>
      tpu.wait_dma2 semaphore(%arg26 : memref<!tpu.dma_semaphore, #tpu.memory_space<semaphore_mem>>) src(%dma_wait3A_186 : memref<2048xi32, #tpu.memory_space<hbm>>) dst(%arg14 : memref<2048xi32, #tpu.memory_space<vmem>>)
      %dma_wait3A_187 = tpu.memref_slice %arg6[%add3A_184] : memref<344064xi32, #tpu.memory_space<hbm>> -> memref<2048xi32, #tpu.memory_space<hbm>>
      %dma_wait3A_188 = tpu.memref_slice %arg6[%add3A_184] : memref<344064xi32, #tpu.memory_space<hbm>> -> memref<2048xi32, #tpu.memory_space<hbm>>
      tpu.wait_dma2 semaphore(%arg26 : memref<!tpu.dma_semaphore, #tpu.memory_space<semaphore_mem>>) src(%dma_wait3A_188 : memref<2048xi32, #tpu.memory_space<hbm>>) dst(%arg16 : memref<2048xi32, #tpu.memory_space<vmem>>)
      %gt3A_189 = arith.constant 0 : i32
      %gt3A_190 = arith.cmpi sgt, %scan3A_148, %gt3A_189 : i32
      %convert_element_type3A_191 = arith.extui %gt3A_190 : i1 to i32
      %cond3A_192 = arith.constant 0 : i32
      %cond3A_193 = arith.cmpi ne, %convert_element_type3A_191, %cond3A_192 : i32
      scf.if %cond3A_193 {
        %mul3A_212 = arith.constant 2048 : i32
        %mul3A_213 = arith.muli %add3A_181, %mul3A_212 : i32
        %add3A_214 = arith.addi %mul3A_32, %mul3A_213 : i32
        %dma_wait3A_215 = tpu.memref_slice %arg8[%add3A_30, %add3A_214] : memref<8x344064xf32, #tpu.memory_space<hbm>> -> memref<1x2048xf32, #tpu.memory_space<hbm>>
        %dma_wait3A_216 = tpu.memref_squeeze %dma_wait3A_215 : memref<1x2048xf32, #tpu.memory_space<hbm>> -> memref<2048xf32, #tpu.memory_space<hbm>>
        %dma_wait3A_217 = tpu.memref_slice %arg8[%add3A_30, %add3A_214] : memref<8x344064xf32, #tpu.memory_space<hbm>> -> memref<1x2048xf32, #tpu.memory_space<hbm>>
        %dma_wait3A_218 = tpu.memref_squeeze %dma_wait3A_217 : memref<1x2048xf32, #tpu.memory_space<hbm>> -> memref<2048xf32, #tpu.memory_space<hbm>>
        tpu.wait_dma2 semaphore(%arg28 : memref<!tpu.dma_semaphore, #tpu.memory_space<semaphore_mem>>) src(%arg20 : memref<2048xf32, #tpu.memory_space<vmem>>) dst(%dma_wait3A_218 : memref<2048xf32, #tpu.memory_space<hbm>>)
      } else {
      }
      %parallel_loop3A_194 = arith.constant 0 : i32
      %parallel_loop3A_195 = arith.constant 128 : i32
      %parallel_loop3A_196 = arith.constant 1 : i32
      scf.for %parallel_loop3A_212 = %parallel_loop3A_194 to %parallel_loop3A_195 step %parallel_loop3A_196  : i32 {
        %parallel_loop3A_213 = arith.constant 16 : i32
        %parallel_loop3A_214 = arith.muli %parallel_loop3A_212, %parallel_loop3A_213 : i32
        %parallel_loop3A_215 = arith.index_cast %parallel_loop3A_214 : i32 to index
        %parallel_loop3A_216 = tpu.vector_load %arg14[%parallel_loop3A_215] {strides = array<i32>} : memref<2048xi32, #tpu.memory_space<vmem>>, vector<16xi32>,
        %parallel_loop3A_217 = arith.constant 16 : i32
        %parallel_loop3A_218 = arith.muli %parallel_loop3A_212, %parallel_loop3A_217 : i32
        %parallel_loop3A_219 = arith.index_cast %parallel_loop3A_218 : i32 to index
        %parallel_loop3A_220 = tpu.vector_load %arg16[%parallel_loop3A_219] {strides = array<i32>} : memref<2048xi32, #tpu.memory_space<vmem>>, vector<16xi32>,
        %parallel_loop3A_221 = tpu.vector_load_idx %arg9[%parallel_loop3A_216] : memref<10048xf32, #tpu.memory_space<vmem>>[vector<16xi32>], vector<16xf32>,
        %parallel_loop3A_222 = tpu.vector_load_idx %arg10[%parallel_loop3A_220] : memref<10048xf32, #tpu.memory_space<vmem>>[vector<16xi32>], vector<16xf32>,
        %parallel_loop3A_223 = arith.addf %parallel_loop3A_221, %parallel_loop3A_222 : vector<16xf32>
        %parallel_loop3A_224 = arith.constant 1.000000e-01 : f32
        %parallel_loop3A_225 = vector.broadcast %parallel_loop3A_224 : f32 to vector<16xf32>
        %parallel_loop3A_226 = arith.mulf %parallel_loop3A_225, %parallel_loop3A_223 : vector<16xf32>
        %parallel_loop3A_227 = arith.maximumf %parallel_loop3A_223, %parallel_loop3A_226 : vector<16xf32>
        %parallel_loop3A_228 = arith.subf %parallel_loop3A_227, %gather3A : vector<16xf32>
        %parallel_loop3A_229 = math.exp %parallel_loop3A_228 : vector<16xf32>
        %parallel_loop3A_230 = arith.constant 16 : i32
        %parallel_loop3A_231 = arith.muli %parallel_loop3A_212, %parallel_loop3A_230 : i32
        %parallel_loop3A_232 = arith.index_cast %parallel_loop3A_231 : i32 to index
        %parallel_loop3A_233 = tpu.vector_load %arg20[%parallel_loop3A_232] {strides = array<i32>} : memref<2048xf32, #tpu.memory_space<vmem>>, vector<16xf32>,
        tpu.vector_store %arg20[%parallel_loop3A_232], %parallel_loop3A_229 {strides = array<i32>} : memref<2048xf32, #tpu.memory_space<vmem>>, vector<16xf32>,
        %parallel_loop3A_234 = arith.constant dense<true> : vector<16xi1>
        %parallel_loop3A_235 = arith.constant -2147483648 : i32
        %parallel_loop3A_236 = vector.broadcast %parallel_loop3A_235 : i32 to vector<16xi32>
        %parallel_loop3A_237 = arith.xori %parallel_loop3A_220, %parallel_loop3A_236 : vector<16xi32>
        %parallel_loop3A_238, %parallel_loop3A_239, %parallel_loop3A_240 = tpu.sort %parallel_loop3A_237, %parallel_loop3A_229 masked %parallel_loop3A_234 : (vector<16xi32>, vector<16xf32>, vector<16xi1>) -> (vector<16xi1>, vector<16xi32>, vector<16xf32>)
        %parallel_loop3A_241 = arith.xori %parallel_loop3A_239, %parallel_loop3A_236 : vector<16xi32>
        %parallel_loop3A_242 = vector.shape_cast %min3A_45 : vector<16xi32> to vector<16x1xi32>
        %parallel_loop3A_243 = vector.shape_cast %parallel_loop3A_242 : vector<16x1xi32> to vector<16xi32>
        %parallel_loop3A_244 = tpu.dynamic_gather %parallel_loop3A_241[%parallel_loop3A_243] in [0] : vector<16xi32>, vector<16xi32> -> vector<16xi32>
        %parallel_loop3A_245 = arith.cmpi ne, %parallel_loop3A_241, %parallel_loop3A_244 : vector<16xi32>
        %parallel_loop3A_246 = arith.ori %parallel_loop3A_245, %eq3A_37 : vector<16xi1>
        %parallel_loop3A_247 = arith.constant true
        %parallel_loop3A_248 = vector.broadcast %parallel_loop3A_247 : i1 to vector<16xi1>
        %parallel_loop3A_249 = tpu.scan <sum>, %parallel_loop3A_240 masked %parallel_loop3A_248 : vector<16xf32>, vector<16xi1> -> vector<16xf32>
        tpu.vector_store_idx %arg11[%parallel_loop3A_241], %parallel_loop3A_249 masked %parallel_loop3A_246 {add = true} : memref<10048xf32, #tpu.memory_space<vmem>>[vector<16xi32>], vector<16xf32>, vector<16xi1>
        %parallel_loop3A_250 = arith.constant 0.000000e+00 : f32
        %parallel_loop3A_251 = vector.broadcast %parallel_loop3A_250 : f32 to vector<16xf32>
        %parallel_loop3A_252 = arith.subf %parallel_loop3A_251, %parallel_loop3A_249 : vector<16xf32>
        %parallel_loop3A_253 = arith.andi %parallel_loop3A_246, %ne3A_40 : vector<16xi1>
        tpu.vector_store_idx %arg11[%parallel_loop3A_244], %parallel_loop3A_252 masked %parallel_loop3A_253 {add = true} : memref<10048xf32, #tpu.memory_space<vmem>>[vector<16xi32>], vector<16xf32>, vector<16xi1>
      } {sc.loop_unroll_factor = 8 : i64, sc.parallel_access}
      %mul3A_197 = arith.constant 2048 : i32
      %mul3A_198 = arith.muli %add3A_181, %mul3A_197 : i32
      %add3A_199 = arith.addi %mul3A_32, %mul3A_198 : i32
      %dma_start3A_200 = tpu.memref_slice %arg8[%add3A_30, %add3A_199] : memref<8x344064xf32, #tpu.memory_space<hbm>> -> memref<1x2048xf32, #tpu.memory_space<hbm>>
      %dma_start3A_201 = tpu.memref_squeeze %dma_start3A_200 : memref<1x2048xf32, #tpu.memory_space<hbm>> -> memref<2048xf32, #tpu.memory_space<hbm>>
      %dma_start3A_202 = tpu.memref_slice %arg8[%add3A_30, %add3A_199] : memref<8x344064xf32, #tpu.memory_space<hbm>> -> memref<1x2048xf32, #tpu.memory_space<hbm>>
      %dma_start3A_203 = tpu.memref_squeeze %dma_start3A_202 : memref<1x2048xf32, #tpu.memory_space<hbm>> -> memref<2048xf32, #tpu.memory_space<hbm>>
      tpu.enqueue_dma source(%arg20 : memref<2048xf32, #tpu.memory_space<vmem>>) target(%dma_start3A_203 : memref<2048xf32, #tpu.memory_space<hbm>>) target_semaphore(%arg28 : memref<!tpu.dma_semaphore, #tpu.memory_space<semaphore_mem>>)
      %add3A_204 = arith.constant 2 : i32
      %add3A_205 = arith.addi %add3A_181, %add3A_204 : i32
      %lt3A_206 = arith.constant 42 : i32
      %lt3A_207 = arith.cmpi slt, %add3A_205, %lt3A_206 : i32
      %convert_element_type3A_208 = arith.extui %lt3A_207 : i1 to i32
      %cond3A_209 = arith.constant 0 : i32
      %cond3A_210 = arith.cmpi ne, %convert_element_type3A_208, %cond3A_209 : i32
      scf.if %cond3A_210 {
        %add3A_212 = arith.constant 2 : i32
        %add3A_213 = arith.addi %add3A_181, %add3A_212 : i32
        %mul3A_214 = arith.constant 2048 : i32
        %mul3A_215 = arith.muli %add3A_213, %mul3A_214 : i32
        %add3A_216 = arith.addi %mul3A_32, %mul3A_215 : i32
        %dma_start3A_217 = tpu.memref_slice %arg5[%add3A_216] : memref<344064xi32, #tpu.memory_space<hbm>> -> memref<2048xi32, #tpu.memory_space<hbm>>
        %dma_start3A_218 = tpu.memref_slice %arg5[%add3A_216] : memref<344064xi32, #tpu.memory_space<hbm>> -> memref<2048xi32, #tpu.memory_space<hbm>>
        tpu.enqueue_dma source(%dma_start3A_218 : memref<2048xi32, #tpu.memory_space<hbm>>) target(%arg14 : memref<2048xi32, #tpu.memory_space<vmem>>) target_semaphore(%arg26 : memref<!tpu.dma_semaphore, #tpu.memory_space<semaphore_mem>>)
        %dma_start3A_219 = tpu.memref_slice %arg6[%add3A_216] : memref<344064xi32, #tpu.memory_space<hbm>> -> memref<2048xi32, #tpu.memory_space<hbm>>
        %dma_start3A_220 = tpu.memref_slice %arg6[%add3A_216] : memref<344064xi32, #tpu.memory_space<hbm>> -> memref<2048xi32, #tpu.memory_space<hbm>>
        tpu.enqueue_dma source(%dma_start3A_220 : memref<2048xi32, #tpu.memory_space<hbm>>) target(%arg16 : memref<2048xi32, #tpu.memory_space<vmem>>) target_semaphore(%arg26 : memref<!tpu.dma_semaphore, #tpu.memory_space<semaphore_mem>>)
      } else {
      }
      %scan3A_211 = arith.constant 0 : i32
      scf.yield %scan3A_211 : i32
    }
    %scan3A_62 = arith.constant 21 : i32
    %add3A_63 = arith.constant 81920 : i32
    %add3A_64 = arith.addi %mul3A_32, %add3A_63 : i32
    %dma_wait3A = tpu.memref_slice %arg8[%add3A_30, %add3A_64] : memref<8x344064xf32, #tpu.memory_space<hbm>> -> memref<1x2048xf32, #tpu.memory_space<hbm>>
    %dma_wait3A_65 = tpu.memref_squeeze %dma_wait3A : memref<1x2048xf32, #tpu.memory_space<hbm>> -> memref<2048xf32, #tpu.memory_space<hbm>>
    %dma_wait3A_66 = tpu.memref_slice %arg8[%add3A_30, %add3A_64] : memref<8x344064xf32, #tpu.memory_space<hbm>> -> memref<1x2048xf32, #tpu.memory_space<hbm>>
    %dma_wait3A_67 = tpu.memref_squeeze %dma_wait3A_66 : memref<1x2048xf32, #tpu.memory_space<hbm>> -> memref<2048xf32, #tpu.memory_space<hbm>>
    tpu.wait_dma2 semaphore(%arg27 : memref<!tpu.dma_semaphore, #tpu.memory_space<semaphore_mem>>) src(%arg19 : memref<2048xf32, #tpu.memory_space<vmem>>) dst(%dma_wait3A_67 : memref<2048xf32, #tpu.memory_space<hbm>>)
    %add3A_68 = arith.constant 83968 : i32
    %add3A_69 = arith.addi %mul3A_32, %add3A_68 : i32
    %dma_wait3A_70 = tpu.memref_slice %arg8[%add3A_30, %add3A_69] : memref<8x344064xf32, #tpu.memory_space<hbm>> -> memref<1x2048xf32, #tpu.memory_space<hbm>>
    %dma_wait3A_71 = tpu.memref_squeeze %dma_wait3A_70 : memref<1x2048xf32, #tpu.memory_space<hbm>> -> memref<2048xf32, #tpu.memory_space<hbm>>
    %dma_wait3A_72 = tpu.memref_slice %arg8[%add3A_30, %add3A_69] : memref<8x344064xf32, #tpu.memory_space<hbm>> -> memref<1x2048xf32, #tpu.memory_space<hbm>>
    %dma_wait3A_73 = tpu.memref_squeeze %dma_wait3A_72 : memref<1x2048xf32, #tpu.memory_space<hbm>> -> memref<2048xf32, #tpu.memory_space<hbm>>
    tpu.wait_dma2 semaphore(%arg28 : memref<!tpu.dma_semaphore, #tpu.memory_space<semaphore_mem>>) src(%arg20 : memref<2048xf32, #tpu.memory_space<vmem>>) dst(%dma_wait3A_73 : memref<2048xf32, #tpu.memory_space<hbm>>)
    %mul3A_74 = arith.constant 10048 : i32
    %mul3A_75 = arith.muli %arg1, %mul3A_74 : i32
    "tpu.region"() ({
      %run_scoped3A = tpu.sem_alloc : memref<!tpu.dma_semaphore, #tpu.memory_space<semaphore_mem>>
      %dma_start3A_148 = tpu.memref_slice %arg24[%mul3A_75] : memref<160768xf32, #tpu.memory_space<vmem_shared>> -> memref<10048xf32, #tpu.memory_space<vmem_shared>>
      %dma_start3A_149 = tpu.memref_slice %arg24[%mul3A_75] : memref<160768xf32, #tpu.memory_space<vmem_shared>> -> memref<10048xf32, #tpu.memory_space<vmem_shared>>
      tpu.enqueue_dma source(%arg11 : memref<10048xf32, #tpu.memory_space<vmem>>) target(%dma_start3A_149 : memref<10048xf32, #tpu.memory_space<vmem_shared>>) target_semaphore(%run_scoped3A : memref<!tpu.dma_semaphore, #tpu.memory_space<semaphore_mem>>)
      %dma_wait3A_150 = tpu.memref_slice %arg24[%mul3A_75] : memref<160768xf32, #tpu.memory_space<vmem_shared>> -> memref<10048xf32, #tpu.memory_space<vmem_shared>>
      %dma_wait3A_151 = tpu.memref_slice %arg24[%mul3A_75] : memref<160768xf32, #tpu.memory_space<vmem_shared>> -> memref<10048xf32, #tpu.memory_space<vmem_shared>>
      tpu.wait_dma2 semaphore(%run_scoped3A : memref<!tpu.dma_semaphore, #tpu.memory_space<semaphore_mem>>) src(%arg11 : memref<10048xf32, #tpu.memory_space<vmem>>) dst(%dma_wait3A_151 : memref<10048xf32, #tpu.memory_space<vmem_shared>>)
      tpu.yield
    }) : () -> ()
    %barrier3A = arith.constant 0 : index
    tpu.barrier barrier_id(%barrier3A)
    %mul3A_76 = arith.constant 4 : i32
    %mul3A_77 = arith.muli %select_n3A, %mul3A_76 : i32
    %mul3A_78 = arith.constant 10048 : i32
    %mul3A_79 = arith.muli %mul3A_77, %mul3A_78 : i32
    "tpu.region"() ({
      %run_scoped3A = tpu.sem_alloc : memref<!tpu.dma_semaphore, #tpu.memory_space<semaphore_mem>>
      %dma_start3A_148 = tpu.memref_slice %arg24[%mul3A_79] : memref<160768xf32, #tpu.memory_space<vmem_shared>> -> memref<10048xf32, #tpu.memory_space<vmem_shared>>
      %dma_start3A_149 = tpu.memref_slice %arg24[%mul3A_79] : memref<160768xf32, #tpu.memory_space<vmem_shared>> -> memref<10048xf32, #tpu.memory_space<vmem_shared>>
      tpu.enqueue_dma source(%dma_start3A_149 : memref<10048xf32, #tpu.memory_space<vmem_shared>>) target(%arg11 : memref<10048xf32, #tpu.memory_space<vmem>>) target_semaphore(%run_scoped3A : memref<!tpu.dma_semaphore, #tpu.memory_space<semaphore_mem>>)
      %dma_wait3A_150 = tpu.memref_slice %arg24[%mul3A_79] : memref<160768xf32, #tpu.memory_space<vmem_shared>> -> memref<10048xf32, #tpu.memory_space<vmem_shared>>
      %dma_wait3A_151 = tpu.memref_slice %arg24[%mul3A_79] : memref<160768xf32, #tpu.memory_space<vmem_shared>> -> memref<10048xf32, #tpu.memory_space<vmem_shared>>
      tpu.wait_dma2 semaphore(%run_scoped3A : memref<!tpu.dma_semaphore, #tpu.memory_space<semaphore_mem>>) src(%dma_wait3A_151 : memref<10048xf32, #tpu.memory_space<vmem_shared>>) dst(%arg11 : memref<10048xf32, #tpu.memory_space<vmem>>)
      tpu.yield
    }) : () -> ()
    %mul3A_80 = arith.constant 4 : i32
    %mul3A_81 = arith.muli %select_n3A, %mul3A_80 : i32
    %add3A_82 = arith.constant 1 : i32
    %add3A_83 = arith.addi %mul3A_81, %add3A_82 : i32
    %mul3A_84 = arith.constant 10048 : i32
    %mul3A_85 = arith.muli %add3A_83, %mul3A_84 : i32
    "tpu.region"() ({
      %run_scoped3A = tpu.sem_alloc : memref<!tpu.dma_semaphore, #tpu.memory_space<semaphore_mem>>
      %dma_start3A_148 = tpu.memref_slice %arg24[%mul3A_85] : memref<160768xf32, #tpu.memory_space<vmem_shared>> -> memref<10048xf32, #tpu.memory_space<vmem_shared>>
      %dma_start3A_149 = tpu.memref_slice %arg24[%mul3A_85] : memref<160768xf32, #tpu.memory_space<vmem_shared>> -> memref<10048xf32, #tpu.memory_space<vmem_shared>>
      tpu.enqueue_dma source(%dma_start3A_149 : memref<10048xf32, #tpu.memory_space<vmem_shared>>) target(%arg12 : memref<10048xf32, #tpu.memory_space<vmem>>) target_semaphore(%run_scoped3A : memref<!tpu.dma_semaphore, #tpu.memory_space<semaphore_mem>>)
      %dma_wait3A_150 = tpu.memref_slice %arg24[%mul3A_85] : memref<160768xf32, #tpu.memory_space<vmem_shared>> -> memref<10048xf32, #tpu.memory_space<vmem_shared>>
      %dma_wait3A_151 = tpu.memref_slice %arg24[%mul3A_85] : memref<160768xf32, #tpu.memory_space<vmem_shared>> -> memref<10048xf32, #tpu.memory_space<vmem_shared>>
      tpu.wait_dma2 semaphore(%run_scoped3A : memref<!tpu.dma_semaphore, #tpu.memory_space<semaphore_mem>>) src(%dma_wait3A_151 : memref<10048xf32, #tpu.memory_space<vmem_shared>>) dst(%arg12 : memref<10048xf32, #tpu.memory_space<vmem>>)
      tpu.yield
    }) : () -> ()
    %parallel_loop3A = arith.constant 0 : i32
    %parallel_loop3A_86 = arith.constant 628 : i32
    %parallel_loop3A_87 = arith.constant 1 : i32
    scf.for %parallel_loop3A_148 = %parallel_loop3A to %parallel_loop3A_86 step %parallel_loop3A_87  : i32 {
      %parallel_loop3A_149 = arith.constant 16 : i32
      %parallel_loop3A_150 = arith.muli %parallel_loop3A_148, %parallel_loop3A_149 : i32
      %parallel_loop3A_151 = arith.index_cast %parallel_loop3A_150 : i32 to index
      %parallel_loop3A_152 = tpu.vector_load %arg11[%parallel_loop3A_151] {strides = array<i32>} : memref<10048xf32, #tpu.memory_space<vmem>>, vector<16xf32>,
      %parallel_loop3A_153 = arith.constant 16 : i32
      %parallel_loop3A_154 = arith.muli %parallel_loop3A_148, %parallel_loop3A_153 : i32
      %parallel_loop3A_155 = arith.index_cast %parallel_loop3A_154 : i32 to index
      %parallel_loop3A_156 = tpu.vector_load %arg12[%parallel_loop3A_155] {strides = array<i32>} : memref<10048xf32, #tpu.memory_space<vmem>>, vector<16xf32>,
      %parallel_loop3A_157 = arith.addf %parallel_loop3A_152, %parallel_loop3A_156 : vector<16xf32>
      %parallel_loop3A_158 = arith.constant 16 : i32
      %parallel_loop3A_159 = arith.muli %parallel_loop3A_148, %parallel_loop3A_158 : i32
      %parallel_loop3A_160 = arith.index_cast %parallel_loop3A_159 : i32 to index
      %parallel_loop3A_161 = tpu.vector_load %arg11[%parallel_loop3A_160] {strides = array<i32>} : memref<10048xf32, #tpu.memory_space<vmem>>, vector<16xf32>,
      tpu.vector_store %arg11[%parallel_loop3A_160], %parallel_loop3A_157 {strides = array<i32>} : memref<10048xf32, #tpu.memory_space<vmem>>, vector<16xf32>,
    } {sc.loop_unroll_factor = 8 : i64, sc.parallel_access}
    %mul3A_88 = arith.constant 4 : i32
    %mul3A_89 = arith.muli %select_n3A, %mul3A_88 : i32
    %add3A_90 = arith.constant 2 : i32
    %add3A_91 = arith.addi %mul3A_89, %add3A_90 : i32
    %mul3A_92 = arith.constant 10048 : i32
    %mul3A_93 = arith.muli %add3A_91, %mul3A_92 : i32
    "tpu.region"() ({
      %run_scoped3A = tpu.sem_alloc : memref<!tpu.dma_semaphore, #tpu.memory_space<semaphore_mem>>
      %dma_start3A_148 = tpu.memref_slice %arg24[%mul3A_93] : memref<160768xf32, #tpu.memory_space<vmem_shared>> -> memref<10048xf32, #tpu.memory_space<vmem_shared>>
      %dma_start3A_149 = tpu.memref_slice %arg24[%mul3A_93] : memref<160768xf32, #tpu.memory_space<vmem_shared>> -> memref<10048xf32, #tpu.memory_space<vmem_shared>>
      tpu.enqueue_dma source(%dma_start3A_149 : memref<10048xf32, #tpu.memory_space<vmem_shared>>) target(%arg12 : memref<10048xf32, #tpu.memory_space<vmem>>) target_semaphore(%run_scoped3A : memref<!tpu.dma_semaphore, #tpu.memory_space<semaphore_mem>>)
      %dma_wait3A_150 = tpu.memref_slice %arg24[%mul3A_93] : memref<160768xf32, #tpu.memory_space<vmem_shared>> -> memref<10048xf32, #tpu.memory_space<vmem_shared>>
      %dma_wait3A_151 = tpu.memref_slice %arg24[%mul3A_93] : memref<160768xf32, #tpu.memory_space<vmem_shared>> -> memref<10048xf32, #tpu.memory_space<vmem_shared>>
      tpu.wait_dma2 semaphore(%run_scoped3A : memref<!tpu.dma_semaphore, #tpu.memory_space<semaphore_mem>>) src(%dma_wait3A_151 : memref<10048xf32, #tpu.memory_space<vmem_shared>>) dst(%arg12 : memref<10048xf32, #tpu.memory_space<vmem>>)
      tpu.yield
    }) : () -> ()
    %parallel_loop3A_94 = arith.constant 0 : i32
    %parallel_loop3A_95 = arith.constant 628 : i32
    %parallel_loop3A_96 = arith.constant 1 : i32
    scf.for %parallel_loop3A_148 = %parallel_loop3A_94 to %parallel_loop3A_95 step %parallel_loop3A_96  : i32 {
      %parallel_loop3A_149 = arith.constant 16 : i32
      %parallel_loop3A_150 = arith.muli %parallel_loop3A_148, %parallel_loop3A_149 : i32
      %parallel_loop3A_151 = arith.index_cast %parallel_loop3A_150 : i32 to index
      %parallel_loop3A_152 = tpu.vector_load %arg11[%parallel_loop3A_151] {strides = array<i32>} : memref<10048xf32, #tpu.memory_space<vmem>>, vector<16xf32>,
      %parallel_loop3A_153 = arith.constant 16 : i32
      %parallel_loop3A_154 = arith.muli %parallel_loop3A_148, %parallel_loop3A_153 : i32
      %parallel_loop3A_155 = arith.index_cast %parallel_loop3A_154 : i32 to index
      %parallel_loop3A_156 = tpu.vector_load %arg12[%parallel_loop3A_155] {strides = array<i32>} : memref<10048xf32, #tpu.memory_space<vmem>>, vector<16xf32>,
      %parallel_loop3A_157 = arith.addf %parallel_loop3A_152, %parallel_loop3A_156 : vector<16xf32>
      %parallel_loop3A_158 = arith.constant 16 : i32
      %parallel_loop3A_159 = arith.muli %parallel_loop3A_148, %parallel_loop3A_158 : i32
      %parallel_loop3A_160 = arith.index_cast %parallel_loop3A_159 : i32 to index
      %parallel_loop3A_161 = tpu.vector_load %arg11[%parallel_loop3A_160] {strides = array<i32>} : memref<10048xf32, #tpu.memory_space<vmem>>, vector<16xf32>,
      tpu.vector_store %arg11[%parallel_loop3A_160], %parallel_loop3A_157 {strides = array<i32>} : memref<10048xf32, #tpu.memory_space<vmem>>, vector<16xf32>,
    } {sc.loop_unroll_factor = 8 : i64, sc.parallel_access}
    %mul3A_97 = arith.constant 4 : i32
    %mul3A_98 = arith.muli %select_n3A, %mul3A_97 : i32
    %add3A_99 = arith.constant 3 : i32
    %add3A_100 = arith.addi %mul3A_98, %add3A_99 : i32
    %mul3A_101 = arith.constant 10048 : i32
    %mul3A_102 = arith.muli %add3A_100, %mul3A_101 : i32
    "tpu.region"() ({
      %run_scoped3A = tpu.sem_alloc : memref<!tpu.dma_semaphore, #tpu.memory_space<semaphore_mem>>
      %dma_start3A_148 = tpu.memref_slice %arg24[%mul3A_102] : memref<160768xf32, #tpu.memory_space<vmem_shared>> -> memref<10048xf32, #tpu.memory_space<vmem_shared>>
      %dma_start3A_149 = tpu.memref_slice %arg24[%mul3A_102] : memref<160768xf32, #tpu.memory_space<vmem_shared>> -> memref<10048xf32, #tpu.memory_space<vmem_shared>>
      tpu.enqueue_dma source(%dma_start3A_149 : memref<10048xf32, #tpu.memory_space<vmem_shared>>) target(%arg12 : memref<10048xf32, #tpu.memory_space<vmem>>) target_semaphore(%run_scoped3A : memref<!tpu.dma_semaphore, #tpu.memory_space<semaphore_mem>>)
      %dma_wait3A_150 = tpu.memref_slice %arg24[%mul3A_102] : memref<160768xf32, #tpu.memory_space<vmem_shared>> -> memref<10048xf32, #tpu.memory_space<vmem_shared>>
      %dma_wait3A_151 = tpu.memref_slice %arg24[%mul3A_102] : memref<160768xf32, #tpu.memory_space<vmem_shared>> -> memref<10048xf32, #tpu.memory_space<vmem_shared>>
      tpu.wait_dma2 semaphore(%run_scoped3A : memref<!tpu.dma_semaphore, #tpu.memory_space<semaphore_mem>>) src(%dma_wait3A_151 : memref<10048xf32, #tpu.memory_space<vmem_shared>>) dst(%arg12 : memref<10048xf32, #tpu.memory_space<vmem>>)
      tpu.yield
    }) : () -> ()
    %parallel_loop3A_103 = arith.constant 0 : i32
    %parallel_loop3A_104 = arith.constant 628 : i32
    %parallel_loop3A_105 = arith.constant 1 : i32
    scf.for %parallel_loop3A_148 = %parallel_loop3A_103 to %parallel_loop3A_104 step %parallel_loop3A_105  : i32 {
      %parallel_loop3A_149 = arith.constant 16 : i32
      %parallel_loop3A_150 = arith.muli %parallel_loop3A_148, %parallel_loop3A_149 : i32
      %parallel_loop3A_151 = arith.index_cast %parallel_loop3A_150 : i32 to index
      %parallel_loop3A_152 = tpu.vector_load %arg11[%parallel_loop3A_151] {strides = array<i32>} : memref<10048xf32, #tpu.memory_space<vmem>>, vector<16xf32>,
      %parallel_loop3A_153 = arith.constant 16 : i32
      %parallel_loop3A_154 = arith.muli %parallel_loop3A_148, %parallel_loop3A_153 : i32
      %parallel_loop3A_155 = arith.index_cast %parallel_loop3A_154 : i32 to index
      %parallel_loop3A_156 = tpu.vector_load %arg12[%parallel_loop3A_155] {strides = array<i32>} : memref<10048xf32, #tpu.memory_space<vmem>>, vector<16xf32>,
      %parallel_loop3A_157 = arith.addf %parallel_loop3A_152, %parallel_loop3A_156 : vector<16xf32>
      %parallel_loop3A_158 = arith.constant 16 : i32
      %parallel_loop3A_159 = arith.muli %parallel_loop3A_148, %parallel_loop3A_158 : i32
      %parallel_loop3A_160 = arith.index_cast %parallel_loop3A_159 : i32 to index
      %parallel_loop3A_161 = tpu.vector_load %arg11[%parallel_loop3A_160] {strides = array<i32>} : memref<10048xf32, #tpu.memory_space<vmem>>, vector<16xf32>,
      tpu.vector_store %arg11[%parallel_loop3A_160], %parallel_loop3A_157 {strides = array<i32>} : memref<10048xf32, #tpu.memory_space<vmem>>, vector<16xf32>,
    } {sc.loop_unroll_factor = 8 : i64, sc.parallel_access}
    %parallel_loop3A_106 = arith.constant 0 : i32
    %parallel_loop3A_107 = arith.constant 628 : i32
    %parallel_loop3A_108 = arith.constant 1 : i32
    scf.for %parallel_loop3A_148 = %parallel_loop3A_106 to %parallel_loop3A_107 step %parallel_loop3A_108  : i32 {
      %parallel_loop3A_149 = arith.constant 16 : i32
      %parallel_loop3A_150 = arith.muli %parallel_loop3A_148, %parallel_loop3A_149 : i32
      %parallel_loop3A_151 = arith.index_cast %parallel_loop3A_150 : i32 to index
      %parallel_loop3A_152 = tpu.vector_load %arg11[%parallel_loop3A_151] {strides = array<i32>} : memref<10048xf32, #tpu.memory_space<vmem>>, vector<16xf32>,
      %parallel_loop3A_153 = arith.constant 1.000000e-30 : f32
      %parallel_loop3A_154 = vector.broadcast %parallel_loop3A_153 : f32 to vector<16xf32>
      %parallel_loop3A_155 = arith.addf %parallel_loop3A_152, %parallel_loop3A_154 : vector<16xf32>
      %parallel_loop3A_156 = arith.constant 1.000000e+00 : f32
      %parallel_loop3A_157 = vector.broadcast %parallel_loop3A_156 : f32 to vector<16xf32>
      %parallel_loop3A_158 = arith.divf %parallel_loop3A_157, %parallel_loop3A_155 : vector<16xf32>
      %parallel_loop3A_159 = arith.constant 16 : i32
      %parallel_loop3A_160 = arith.muli %parallel_loop3A_148, %parallel_loop3A_159 : i32
      %parallel_loop3A_161 = arith.index_cast %parallel_loop3A_160 : i32 to index
      %parallel_loop3A_162 = tpu.vector_load %arg11[%parallel_loop3A_161] {strides = array<i32>} : memref<10048xf32, #tpu.memory_space<vmem>>, vector<16xf32>,
      tpu.vector_store %arg11[%parallel_loop3A_161], %parallel_loop3A_158 {strides = array<i32>} : memref<10048xf32, #tpu.memory_space<vmem>>, vector<16xf32>,
    } {sc.loop_unroll_factor = 8 : i64, sc.parallel_access}
    %add3A_109 = arith.constant 0 : i32
    %add3A_110 = arith.addi %mul3A_32, %add3A_109 : i32
    %dma_start3A_111 = tpu.memref_slice %arg7[%add3A_110] : memref<344064xf32, #tpu.memory_space<hbm>> -> memref<2048xf32, #tpu.memory_space<hbm>>
    %dma_start3A_112 = tpu.memref_slice %arg7[%add3A_110] : memref<344064xf32, #tpu.memory_space<hbm>> -> memref<2048xf32, #tpu.memory_space<hbm>>
    tpu.enqueue_dma source(%dma_start3A_112 : memref<2048xf32, #tpu.memory_space<hbm>>) target(%arg17 : memref<2048xf32, #tpu.memory_space<vmem>>) target_semaphore(%arg25 : memref<!tpu.dma_semaphore, #tpu.memory_space<semaphore_mem>>)
    %dma_start3A_113 = tpu.memref_slice %arg6[%add3A_110] : memref<344064xi32, #tpu.memory_space<hbm>> -> memref<2048xi32, #tpu.memory_space<hbm>>
    %dma_start3A_114 = tpu.memref_slice %arg6[%add3A_110] : memref<344064xi32, #tpu.memory_space<hbm>> -> memref<2048xi32, #tpu.memory_space<hbm>>
    tpu.enqueue_dma source(%dma_start3A_114 : memref<2048xi32, #tpu.memory_space<hbm>>) target(%arg15 : memref<2048xi32, #tpu.memory_space<vmem>>) target_semaphore(%arg25 : memref<!tpu.dma_semaphore, #tpu.memory_space<semaphore_mem>>)
    %dma_start3A_115 = tpu.memref_slice %arg8[%add3A_30, %add3A_110] : memref<8x344064xf32, #tpu.memory_space<hbm>> -> memref<1x2048xf32, #tpu.memory_space<hbm>>
    %dma_start3A_116 = tpu.memref_squeeze %dma_start3A_115 : memref<1x2048xf32, #tpu.memory_space<hbm>> -> memref<2048xf32, #tpu.memory_space<hbm>>
    %dma_start3A_117 = tpu.memref_slice %arg8[%add3A_30, %add3A_110] : memref<8x344064xf32, #tpu.memory_space<hbm>> -> memref<1x2048xf32, #tpu.memory_space<hbm>>
    %dma_start3A_118 = tpu.memref_squeeze %dma_start3A_117 : memref<1x2048xf32, #tpu.memory_space<hbm>> -> memref<2048xf32, #tpu.memory_space<hbm>>
    tpu.enqueue_dma source(%dma_start3A_118 : memref<2048xf32, #tpu.memory_space<hbm>>) target(%arg19 : memref<2048xf32, #tpu.memory_space<vmem>>) target_semaphore(%arg25 : memref<!tpu.dma_semaphore, #tpu.memory_space<semaphore_mem>>)
    %add3A_119 = arith.constant 2048 : i32
    %add3A_120 = arith.addi %mul3A_32, %add3A_119 : i32
    %dma_start3A_121 = tpu.memref_slice %arg7[%add3A_120] : memref<344064xf32, #tpu.memory_space<hbm>> -> memref<2048xf32, #tpu.memory_space<hbm>>
    %dma_start3A_122 = tpu.memref_slice %arg7[%add3A_120] : memref<344064xf32, #tpu.memory_space<hbm>> -> memref<2048xf32, #tpu.memory_space<hbm>>
    tpu.enqueue_dma source(%dma_start3A_122 : memref<2048xf32, #tpu.memory_space<hbm>>) target(%arg18 : memref<2048xf32, #tpu.memory_space<vmem>>) target_semaphore(%arg26 : memref<!tpu.dma_semaphore, #tpu.memory_space<semaphore_mem>>)
    %dma_start3A_123 = tpu.memref_slice %arg6[%add3A_120] : memref<344064xi32, #tpu.memory_space<hbm>> -> memref<2048xi32, #tpu.memory_space<hbm>>
    %dma_start3A_124 = tpu.memref_slice %arg6[%add3A_120] : memref<344064xi32, #tpu.memory_space<hbm>> -> memref<2048xi32, #tpu.memory_space<hbm>>
    tpu.enqueue_dma source(%dma_start3A_124 : memref<2048xi32, #tpu.memory_space<hbm>>) target(%arg16 : memref<2048xi32, #tpu.memory_space<vmem>>) target_semaphore(%arg26 : memref<!tpu.dma_semaphore, #tpu.memory_space<semaphore_mem>>)
    %dma_start3A_125 = tpu.memref_slice %arg8[%add3A_30, %add3A_120] : memref<8x344064xf32, #tpu.memory_space<hbm>> -> memref<1x2048xf32, #tpu.memory_space<hbm>>
    %dma_start3A_126 = tpu.memref_squeeze %dma_start3A_125 : memref<1x2048xf32, #tpu.memory_space<hbm>> -> memref<2048xf32, #tpu.memory_space<hbm>>
    %dma_start3A_127 = tpu.memref_slice %arg8[%add3A_30, %add3A_120] : memref<8x344064xf32, #tpu.memory_space<hbm>> -> memref<1x2048xf32, #tpu.memory_space<hbm>>
    %dma_start3A_128 = tpu.memref_squeeze %dma_start3A_127 : memref<1x2048xf32, #tpu.memory_space<hbm>> -> memref<2048xf32, #tpu.memory_space<hbm>>
    tpu.enqueue_dma source(%dma_start3A_128 : memref<2048xf32, #tpu.memory_space<hbm>>) target(%arg20 : memref<2048xf32, #tpu.memory_space<vmem>>) target_semaphore(%arg26 : memref<!tpu.dma_semaphore, #tpu.memory_space<semaphore_mem>>)
    %scan3A_129 = arith.constant 0 : i32
    %scan3A_130 = arith.constant 0 : i32
    %scan3A_131 = arith.constant 21 : i32
    %scan3A_132 = arith.addi %scan3A_130, %scan3A_131 : i32
    %scan3A_133 = arith.constant 1 : i32
    %scan3A_134 = scf.for %scan3A_148 = %scan3A_130 to %scan3A_132 step %scan3A_133 iter_args(%scan3A_149 = %scan3A_129) -> (i32)  : i32 {
      %mul3A_150 = arith.constant 2 : i32
      %mul3A_151 = arith.muli %mul3A_150, %scan3A_148 : i32
      %mul3A_152 = arith.constant 2048 : i32
      %mul3A_153 = arith.muli %mul3A_151, %mul3A_152 : i32
      %add3A_154 = arith.addi %mul3A_32, %mul3A_153 : i32
      %dma_wait3A_155 = tpu.memref_slice %arg7[%add3A_154] : memref<344064xf32, #tpu.memory_space<hbm>> -> memref<2048xf32, #tpu.memory_space<hbm>>
      %dma_wait3A_156 = tpu.memref_slice %arg7[%add3A_154] : memref<344064xf32, #tpu.memory_space<hbm>> -> memref<2048xf32, #tpu.memory_space<hbm>>
      tpu.wait_dma2 semaphore(%arg25 : memref<!tpu.dma_semaphore, #tpu.memory_space<semaphore_mem>>) src(%dma_wait3A_156 : memref<2048xf32, #tpu.memory_space<hbm>>) dst(%arg17 : memref<2048xf32, #tpu.memory_space<vmem>>)
      %dma_wait3A_157 = tpu.memref_slice %arg6[%add3A_154] : memref<344064xi32, #tpu.memory_space<hbm>> -> memref<2048xi32, #tpu.memory_space<hbm>>
      %dma_wait3A_158 = tpu.memref_slice %arg6[%add3A_154] : memref<344064xi32, #tpu.memory_space<hbm>> -> memref<2048xi32, #tpu.memory_space<hbm>>
      tpu.wait_dma2 semaphore(%arg25 : memref<!tpu.dma_semaphore, #tpu.memory_space<semaphore_mem>>) src(%dma_wait3A_158 : memref<2048xi32, #tpu.memory_space<hbm>>) dst(%arg15 : memref<2048xi32, #tpu.memory_space<vmem>>)
      %dma_wait3A_159 = tpu.memref_slice %arg8[%add3A_30, %add3A_154] : memref<8x344064xf32, #tpu.memory_space<hbm>> -> memref<1x2048xf32, #tpu.memory_space<hbm>>
      %dma_wait3A_160 = tpu.memref_squeeze %dma_wait3A_159 : memref<1x2048xf32, #tpu.memory_space<hbm>> -> memref<2048xf32, #tpu.memory_space<hbm>>
      %dma_wait3A_161 = tpu.memref_slice %arg8[%add3A_30, %add3A_154] : memref<8x344064xf32, #tpu.memory_space<hbm>> -> memref<1x2048xf32, #tpu.memory_space<hbm>>
      %dma_wait3A_162 = tpu.memref_squeeze %dma_wait3A_161 : memref<1x2048xf32, #tpu.memory_space<hbm>> -> memref<2048xf32, #tpu.memory_space<hbm>>
      tpu.wait_dma2 semaphore(%arg25 : memref<!tpu.dma_semaphore, #tpu.memory_space<semaphore_mem>>) src(%dma_wait3A_162 : memref<2048xf32, #tpu.memory_space<hbm>>) dst(%arg19 : memref<2048xf32, #tpu.memory_space<vmem>>)
      %gt3A = arith.constant 0 : i32
      %gt3A_163 = arith.cmpi sgt, %scan3A_148, %gt3A : i32
      %convert_element_type3A = arith.extui %gt3A_163 : i1 to i32
      %cond3A = arith.constant 0 : i32
      %cond3A_164 = arith.cmpi ne, %convert_element_type3A, %cond3A : i32
      scf.if %cond3A_164 {
        %mul3A_220 = arith.constant 2048 : i32
        %mul3A_221 = arith.muli %mul3A_151, %mul3A_220 : i32
        %add3A_222 = arith.addi %mul3A_32, %mul3A_221 : i32
        %dma_wait3A_223 = tpu.memref_slice %arg8[%add3A_30, %add3A_222] : memref<8x344064xf32, #tpu.memory_space<hbm>> -> memref<1x2048xf32, #tpu.memory_space<hbm>>
        %dma_wait3A_224 = tpu.memref_squeeze %dma_wait3A_223 : memref<1x2048xf32, #tpu.memory_space<hbm>> -> memref<2048xf32, #tpu.memory_space<hbm>>
        %dma_wait3A_225 = tpu.memref_slice %arg8[%add3A_30, %add3A_222] : memref<8x344064xf32, #tpu.memory_space<hbm>> -> memref<1x2048xf32, #tpu.memory_space<hbm>>
        %dma_wait3A_226 = tpu.memref_squeeze %dma_wait3A_225 : memref<1x2048xf32, #tpu.memory_space<hbm>> -> memref<2048xf32, #tpu.memory_space<hbm>>
        tpu.wait_dma2 semaphore(%arg27 : memref<!tpu.dma_semaphore, #tpu.memory_space<semaphore_mem>>) src(%arg21 : memref<2048xf32, #tpu.memory_space<vmem>>) dst(%dma_wait3A_226 : memref<2048xf32, #tpu.memory_space<hbm>>)
      } else {
      }
      %parallel_loop3A_165 = arith.constant 0 : i32
      %parallel_loop3A_166 = arith.constant 128 : i32
      %parallel_loop3A_167 = arith.constant 1 : i32
      scf.for %parallel_loop3A_220 = %parallel_loop3A_165 to %parallel_loop3A_166 step %parallel_loop3A_167  : i32 {
        %parallel_loop3A_221 = arith.constant 16 : i32
        %parallel_loop3A_222 = arith.muli %parallel_loop3A_220, %parallel_loop3A_221 : i32
        %parallel_loop3A_223 = arith.index_cast %parallel_loop3A_222 : i32 to index
        %parallel_loop3A_224 = tpu.vector_load %arg15[%parallel_loop3A_223] {strides = array<i32>} : memref<2048xi32, #tpu.memory_space<vmem>>, vector<16xi32>,
        %parallel_loop3A_225 = tpu.vector_load_idx %arg11[%parallel_loop3A_224] : memref<10048xf32, #tpu.memory_space<vmem>>[vector<16xi32>], vector<16xf32>,
        %parallel_loop3A_226 = arith.constant 16 : i32
        %parallel_loop3A_227 = arith.muli %parallel_loop3A_220, %parallel_loop3A_226 : i32
        %parallel_loop3A_228 = arith.index_cast %parallel_loop3A_227 : i32 to index
        %parallel_loop3A_229 = tpu.vector_load %arg19[%parallel_loop3A_228] {strides = array<i32>} : memref<2048xf32, #tpu.memory_space<vmem>>, vector<16xf32>,
        %parallel_loop3A_230 = arith.index_cast %parallel_loop3A_227 : i32 to index
        %parallel_loop3A_231 = tpu.vector_load %arg17[%parallel_loop3A_230] {strides = array<i32>} : memref<2048xf32, #tpu.memory_space<vmem>>, vector<16xf32>,
        %parallel_loop3A_232 = arith.mulf %parallel_loop3A_229, %parallel_loop3A_231 : vector<16xf32>
        %parallel_loop3A_233 = arith.mulf %parallel_loop3A_232, %parallel_loop3A_225 : vector<16xf32>
        %parallel_loop3A_234 = arith.index_cast %parallel_loop3A_227 : i32 to index
        %parallel_loop3A_235 = tpu.vector_load %arg21[%parallel_loop3A_234] {strides = array<i32>} : memref<2048xf32, #tpu.memory_space<vmem>>, vector<16xf32>,
        tpu.vector_store %arg21[%parallel_loop3A_234], %parallel_loop3A_233 {strides = array<i32>} : memref<2048xf32, #tpu.memory_space<vmem>>, vector<16xf32>,
      } {sc.loop_unroll_factor = 8 : i64, sc.parallel_access}
      %mul3A_168 = arith.constant 2048 : i32
      %mul3A_169 = arith.muli %mul3A_151, %mul3A_168 : i32
      %add3A_170 = arith.addi %mul3A_32, %mul3A_169 : i32
      %dma_start3A_171 = tpu.memref_slice %arg8[%add3A_30, %add3A_170] : memref<8x344064xf32, #tpu.memory_space<hbm>> -> memref<1x2048xf32, #tpu.memory_space<hbm>>
      %dma_start3A_172 = tpu.memref_squeeze %dma_start3A_171 : memref<1x2048xf32, #tpu.memory_space<hbm>> -> memref<2048xf32, #tpu.memory_space<hbm>>
      %dma_start3A_173 = tpu.memref_slice %arg8[%add3A_30, %add3A_170] : memref<8x344064xf32, #tpu.memory_space<hbm>> -> memref<1x2048xf32, #tpu.memory_space<hbm>>
      %dma_start3A_174 = tpu.memref_squeeze %dma_start3A_173 : memref<1x2048xf32, #tpu.memory_space<hbm>> -> memref<2048xf32, #tpu.memory_space<hbm>>
      tpu.enqueue_dma source(%arg21 : memref<2048xf32, #tpu.memory_space<vmem>>) target(%dma_start3A_174 : memref<2048xf32, #tpu.memory_space<hbm>>) target_semaphore(%arg27 : memref<!tpu.dma_semaphore, #tpu.memory_space<semaphore_mem>>)
      %add3A_175 = arith.constant 2 : i32
      %add3A_176 = arith.addi %mul3A_151, %add3A_175 : i32
      %lt3A_177 = arith.constant 42 : i32
      %lt3A_178 = arith.cmpi slt, %add3A_176, %lt3A_177 : i32
      %convert_element_type3A_179 = arith.extui %lt3A_178 : i1 to i32
      %cond3A_180 = arith.constant 0 : i32
      %cond3A_181 = arith.cmpi ne, %convert_element_type3A_179, %cond3A_180 : i32
      scf.if %cond3A_181 {
        %add3A_220 = arith.constant 2 : i32
        %add3A_221 = arith.addi %mul3A_151, %add3A_220 : i32
        %mul3A_222 = arith.constant 2048 : i32
        %mul3A_223 = arith.muli %add3A_221, %mul3A_222 : i32
        %add3A_224 = arith.addi %mul3A_32, %mul3A_223 : i32
        %dma_start3A_225 = tpu.memref_slice %arg7[%add3A_224] : memref<344064xf32, #tpu.memory_space<hbm>> -> memref<2048xf32, #tpu.memory_space<hbm>>
        %dma_start3A_226 = tpu.memref_slice %arg7[%add3A_224] : memref<344064xf32, #tpu.memory_space<hbm>> -> memref<2048xf32, #tpu.memory_space<hbm>>
        tpu.enqueue_dma source(%dma_start3A_226 : memref<2048xf32, #tpu.memory_space<hbm>>) target(%arg17 : memref<2048xf32, #tpu.memory_space<vmem>>) target_semaphore(%arg25 : memref<!tpu.dma_semaphore, #tpu.memory_space<semaphore_mem>>)
        %dma_start3A_227 = tpu.memref_slice %arg6[%add3A_224] : memref<344064xi32, #tpu.memory_space<hbm>> -> memref<2048xi32, #tpu.memory_space<hbm>>
        %dma_start3A_228 = tpu.memref_slice %arg6[%add3A_224] : memref<344064xi32, #tpu.memory_space<hbm>> -> memref<2048xi32, #tpu.memory_space<hbm>>
        tpu.enqueue_dma source(%dma_start3A_228 : memref<2048xi32, #tpu.memory_space<hbm>>) target(%arg15 : memref<2048xi32, #tpu.memory_space<vmem>>) target_semaphore(%arg25 : memref<!tpu.dma_semaphore, #tpu.memory_space<semaphore_mem>>)
        %dma_start3A_229 = tpu.memref_slice %arg8[%add3A_30, %add3A_224] : memref<8x344064xf32, #tpu.memory_space<hbm>> -> memref<1x2048xf32, #tpu.memory_space<hbm>>
        %dma_start3A_230 = tpu.memref_squeeze %dma_start3A_229 : memref<1x2048xf32, #tpu.memory_space<hbm>> -> memref<2048xf32, #tpu.memory_space<hbm>>
        %dma_start3A_231 = tpu.memref_slice %arg8[%add3A_30, %add3A_224] : memref<8x344064xf32, #tpu.memory_space<hbm>> -> memref<1x2048xf32, #tpu.memory_space<hbm>>
        %dma_start3A_232 = tpu.memref_squeeze %dma_start3A_231 : memref<1x2048xf32, #tpu.memory_space<hbm>> -> memref<2048xf32, #tpu.memory_space<hbm>>
        tpu.enqueue_dma source(%dma_start3A_232 : memref<2048xf32, #tpu.memory_space<hbm>>) target(%arg19 : memref<2048xf32, #tpu.memory_space<vmem>>) target_semaphore(%arg25 : memref<!tpu.dma_semaphore, #tpu.memory_space<semaphore_mem>>)
      } else {
      }
      %mul3A_182 = arith.constant 2 : i32
      %mul3A_183 = arith.muli %mul3A_182, %scan3A_148 : i32
      %add3A_184 = arith.constant 1 : i32
      %add3A_185 = arith.addi %mul3A_183, %add3A_184 : i32
      %mul3A_186 = arith.constant 2048 : i32
      %mul3A_187 = arith.muli %add3A_185, %mul3A_186 : i32
      %add3A_188 = arith.addi %mul3A_32, %mul3A_187 : i32
      %dma_wait3A_189 = tpu.memref_slice %arg7[%add3A_188] : memref<344064xf32, #tpu.memory_space<hbm>> -> memref<2048xf32, #tpu.memory_space<hbm>>
      %dma_wait3A_190 = tpu.memref_slice %arg7[%add3A_188] : memref<344064xf32, #tpu.memory_space<hbm>> -> memref<2048xf32, #tpu.memory_space<hbm>>
      tpu.wait_dma2 semaphore(%arg26 : memref<!tpu.dma_semaphore, #tpu.memory_space<semaphore_mem>>) src(%dma_wait3A_190 : memref<2048xf32, #tpu.memory_space<hbm>>) dst(%arg18 : memref<2048xf32, #tpu.memory_space<vmem>>)
      %dma_wait3A_191 = tpu.memref_slice %arg6[%add3A_188] : memref<344064xi32, #tpu.memory_space<hbm>> -> memref<2048xi32, #tpu.memory_space<hbm>>
      %dma_wait3A_192 = tpu.memref_slice %arg6[%add3A_188] : memref<344064xi32, #tpu.memory_space<hbm>> -> memref<2048xi32, #tpu.memory_space<hbm>>
      tpu.wait_dma2 semaphore(%arg26 : memref<!tpu.dma_semaphore, #tpu.memory_space<semaphore_mem>>) src(%dma_wait3A_192 : memref<2048xi32, #tpu.memory_space<hbm>>) dst(%arg16 : memref<2048xi32, #tpu.memory_space<vmem>>)
      %dma_wait3A_193 = tpu.memref_slice %arg8[%add3A_30, %add3A_188] : memref<8x344064xf32, #tpu.memory_space<hbm>> -> memref<1x2048xf32, #tpu.memory_space<hbm>>
      %dma_wait3A_194 = tpu.memref_squeeze %dma_wait3A_193 : memref<1x2048xf32, #tpu.memory_space<hbm>> -> memref<2048xf32, #tpu.memory_space<hbm>>
      %dma_wait3A_195 = tpu.memref_slice %arg8[%add3A_30, %add3A_188] : memref<8x344064xf32, #tpu.memory_space<hbm>> -> memref<1x2048xf32, #tpu.memory_space<hbm>>
      %dma_wait3A_196 = tpu.memref_squeeze %dma_wait3A_195 : memref<1x2048xf32, #tpu.memory_space<hbm>> -> memref<2048xf32, #tpu.memory_space<hbm>>
      tpu.wait_dma2 semaphore(%arg26 : memref<!tpu.dma_semaphore, #tpu.memory_space<semaphore_mem>>) src(%dma_wait3A_196 : memref<2048xf32, #tpu.memory_space<hbm>>) dst(%arg20 : memref<2048xf32, #tpu.memory_space<vmem>>)
      %gt3A_197 = arith.constant 0 : i32
      %gt3A_198 = arith.cmpi sgt, %scan3A_148, %gt3A_197 : i32
      %convert_element_type3A_199 = arith.extui %gt3A_198 : i1 to i32
      %cond3A_200 = arith.constant 0 : i32
      %cond3A_201 = arith.cmpi ne, %convert_element_type3A_199, %cond3A_200 : i32
      scf.if %cond3A_201 {
        %mul3A_220 = arith.constant 2048 : i32
        %mul3A_221 = arith.muli %add3A_185, %mul3A_220 : i32
        %add3A_222 = arith.addi %mul3A_32, %mul3A_221 : i32
        %dma_wait3A_223 = tpu.memref_slice %arg8[%add3A_30, %add3A_222] : memref<8x344064xf32, #tpu.memory_space<hbm>> -> memref<1x2048xf32, #tpu.memory_space<hbm>>
        %dma_wait3A_224 = tpu.memref_squeeze %dma_wait3A_223 : memref<1x2048xf32, #tpu.memory_space<hbm>> -> memref<2048xf32, #tpu.memory_space<hbm>>
        %dma_wait3A_225 = tpu.memref_slice %arg8[%add3A_30, %add3A_222] : memref<8x344064xf32, #tpu.memory_space<hbm>> -> memref<1x2048xf32, #tpu.memory_space<hbm>>
        %dma_wait3A_226 = tpu.memref_squeeze %dma_wait3A_225 : memref<1x2048xf32, #tpu.memory_space<hbm>> -> memref<2048xf32, #tpu.memory_space<hbm>>
        tpu.wait_dma2 semaphore(%arg28 : memref<!tpu.dma_semaphore, #tpu.memory_space<semaphore_mem>>) src(%arg22 : memref<2048xf32, #tpu.memory_space<vmem>>) dst(%dma_wait3A_226 : memref<2048xf32, #tpu.memory_space<hbm>>)
      } else {
      }
      %parallel_loop3A_202 = arith.constant 0 : i32
      %parallel_loop3A_203 = arith.constant 128 : i32
      %parallel_loop3A_204 = arith.constant 1 : i32
      scf.for %parallel_loop3A_220 = %parallel_loop3A_202 to %parallel_loop3A_203 step %parallel_loop3A_204  : i32 {
        %parallel_loop3A_221 = arith.constant 16 : i32
        %parallel_loop3A_222 = arith.muli %parallel_loop3A_220, %parallel_loop3A_221 : i32
        %parallel_loop3A_223 = arith.index_cast %parallel_loop3A_222 : i32 to index
        %parallel_loop3A_224 = tpu.vector_load %arg16[%parallel_loop3A_223] {strides = array<i32>} : memref<2048xi32, #tpu.memory_space<vmem>>, vector<16xi32>,
        %parallel_loop3A_225 = tpu.vector_load_idx %arg11[%parallel_loop3A_224] : memref<10048xf32, #tpu.memory_space<vmem>>[vector<16xi32>], vector<16xf32>,
        %parallel_loop3A_226 = arith.constant 16 : i32
        %parallel_loop3A_227 = arith.muli %parallel_loop3A_220, %parallel_loop3A_226 : i32
        %parallel_loop3A_228 = arith.index_cast %parallel_loop3A_227 : i32 to index
        %parallel_loop3A_229 = tpu.vector_load %arg20[%parallel_loop3A_228] {strides = array<i32>} : memref<2048xf32, #tpu.memory_space<vmem>>, vector<16xf32>,
        %parallel_loop3A_230 = arith.index_cast %parallel_loop3A_227 : i32 to index
        %parallel_loop3A_231 = tpu.vector_load %arg18[%parallel_loop3A_230] {strides = array<i32>} : memref<2048xf32, #tpu.memory_space<vmem>>, vector<16xf32>,
        %parallel_loop3A_232 = arith.mulf %parallel_loop3A_229, %parallel_loop3A_231 : vector<16xf32>
        %parallel_loop3A_233 = arith.mulf %parallel_loop3A_232, %parallel_loop3A_225 : vector<16xf32>
        %parallel_loop3A_234 = arith.index_cast %parallel_loop3A_227 : i32 to index
        %parallel_loop3A_235 = tpu.vector_load %arg22[%parallel_loop3A_234] {strides = array<i32>} : memref<2048xf32, #tpu.memory_space<vmem>>, vector<16xf32>,
        tpu.vector_store %arg22[%parallel_loop3A_234], %parallel_loop3A_233 {strides = array<i32>} : memref<2048xf32, #tpu.memory_space<vmem>>, vector<16xf32>,
      } {sc.loop_unroll_factor = 8 : i64, sc.parallel_access}
      %mul3A_205 = arith.constant 2048 : i32
      %mul3A_206 = arith.muli %add3A_185, %mul3A_205 : i32
      %add3A_207 = arith.addi %mul3A_32, %mul3A_206 : i32
      %dma_start3A_208 = tpu.memref_slice %arg8[%add3A_30, %add3A_207] : memref<8x344064xf32, #tpu.memory_space<hbm>> -> memref<1x2048xf32, #tpu.memory_space<hbm>>
      %dma_start3A_209 = tpu.memref_squeeze %dma_start3A_208 : memref<1x2048xf32, #tpu.memory_space<hbm>> -> memref<2048xf32, #tpu.memory_space<hbm>>
      %dma_start3A_210 = tpu.memref_slice %arg8[%add3A_30, %add3A_207] : memref<8x344064xf32, #tpu.memory_space<hbm>> -> memref<1x2048xf32, #tpu.memory_space<hbm>>
      %dma_start3A_211 = tpu.memref_squeeze %dma_start3A_210 : memref<1x2048xf32, #tpu.memory_space<hbm>> -> memref<2048xf32, #tpu.memory_space<hbm>>
      tpu.enqueue_dma source(%arg22 : memref<2048xf32, #tpu.memory_space<vmem>>) target(%dma_start3A_211 : memref<2048xf32, #tpu.memory_space<hbm>>) target_semaphore(%arg28 : memref<!tpu.dma_semaphore, #tpu.memory_space<semaphore_mem>>)
      %add3A_212 = arith.constant 2 : i32
      %add3A_213 = arith.addi %add3A_185, %add3A_212 : i32
      %lt3A_214 = arith.constant 42 : i32
      %lt3A_215 = arith.cmpi slt, %add3A_213, %lt3A_214 : i32
      %convert_element_type3A_216 = arith.extui %lt3A_215 : i1 to i32
      %cond3A_217 = arith.constant 0 : i32
      %cond3A_218 = arith.cmpi ne, %convert_element_type3A_216, %cond3A_217 : i32
      scf.if %cond3A_218 {
        %add3A_220 = arith.constant 2 : i32
        %add3A_221 = arith.addi %add3A_185, %add3A_220 : i32
        %mul3A_222 = arith.constant 2048 : i32
        %mul3A_223 = arith.muli %add3A_221, %mul3A_222 : i32
        %add3A_224 = arith.addi %mul3A_32, %mul3A_223 : i32
        %dma_start3A_225 = tpu.memref_slice %arg7[%add3A_224] : memref<344064xf32, #tpu.memory_space<hbm>> -> memref<2048xf32, #tpu.memory_space<hbm>>
        %dma_start3A_226 = tpu.memref_slice %arg7[%add3A_224] : memref<344064xf32, #tpu.memory_space<hbm>> -> memref<2048xf32, #tpu.memory_space<hbm>>
        tpu.enqueue_dma source(%dma_start3A_226 : memref<2048xf32, #tpu.memory_space<hbm>>) target(%arg18 : memref<2048xf32, #tpu.memory_space<vmem>>) target_semaphore(%arg26 : memref<!tpu.dma_semaphore, #tpu.memory_space<semaphore_mem>>)
        %dma_start3A_227 = tpu.memref_slice %arg6[%add3A_224] : memref<344064xi32, #tpu.memory_space<hbm>> -> memref<2048xi32, #tpu.memory_space<hbm>>
        %dma_start3A_228 = tpu.memref_slice %arg6[%add3A_224] : memref<344064xi32, #tpu.memory_space<hbm>> -> memref<2048xi32, #tpu.memory_space<hbm>>
        tpu.enqueue_dma source(%dma_start3A_228 : memref<2048xi32, #tpu.memory_space<hbm>>) target(%arg16 : memref<2048xi32, #tpu.memory_space<vmem>>) target_semaphore(%arg26 : memref<!tpu.dma_semaphore, #tpu.memory_space<semaphore_mem>>)
        %dma_start3A_229 = tpu.memref_slice %arg8[%add3A_30, %add3A_224] : memref<8x344064xf32, #tpu.memory_space<hbm>> -> memref<1x2048xf32, #tpu.memory_space<hbm>>
        %dma_start3A_230 = tpu.memref_squeeze %dma_start3A_229 : memref<1x2048xf32, #tpu.memory_space<hbm>> -> memref<2048xf32, #tpu.memory_space<hbm>>
        %dma_start3A_231 = tpu.memref_slice %arg8[%add3A_30, %add3A_224] : memref<8x344064xf32, #tpu.memory_space<hbm>> -> memref<1x2048xf32, #tpu.memory_space<hbm>>
        %dma_start3A_232 = tpu.memref_squeeze %dma_start3A_231 : memref<1x2048xf32, #tpu.memory_space<hbm>> -> memref<2048xf32, #tpu.memory_space<hbm>>
        tpu.enqueue_dma source(%dma_start3A_232 : memref<2048xf32, #tpu.memory_space<hbm>>) target(%arg20 : memref<2048xf32, #tpu.memory_space<vmem>>) target_semaphore(%arg26 : memref<!tpu.dma_semaphore, #tpu.memory_space<semaphore_mem>>)
      } else {
      }
      %scan3A_219 = arith.constant 0 : i32
      scf.yield %scan3A_219 : i32
    }
    %scan3A_135 = arith.constant 21 : i32
    %add3A_136 = arith.constant 81920 : i32
    %add3A_137 = arith.addi %mul3A_32, %add3A_136 : i32
    %dma_wait3A_138 = tpu.memref_slice %arg8[%add3A_30, %add3A_137] : memref<8x344064xf32, #tpu.memory_space<hbm>> -> memref<1x2048xf32, #tpu.memory_space<hbm>>
    %dma_wait3A_139 = tpu.memref_squeeze %dma_wait3A_138 : memref<1x2048xf32, #tpu.memory_space<hbm>> -> memref<2048xf32, #tpu.memory_space<hbm>>
    %dma_wait3A_140 = tpu.memref_slice %arg8[%add3A_30, %add3A_137] : memref<8x344064xf32, #tpu.memory_space<hbm>> -> memref<1x2048xf32, #tpu.memory_space<hbm>>
    %dma_wait3A_141 = tpu.memref_squeeze %dma_wait3A_140 : memref<1x2048xf32, #tpu.memory_space<hbm>> -> memref<2048xf32, #tpu.memory_space<hbm>>
    tpu.wait_dma2 semaphore(%arg27 : memref<!tpu.dma_semaphore, #tpu.memory_space<semaphore_mem>>) src(%arg21 : memref<2048xf32, #tpu.memory_space<vmem>>) dst(%dma_wait3A_141 : memref<2048xf32, #tpu.memory_space<hbm>>)
    %add3A_142 = arith.constant 83968 : i32
    %add3A_143 = arith.addi %mul3A_32, %add3A_142 : i32
    %dma_wait3A_144 = tpu.memref_slice %arg8[%add3A_30, %add3A_143] : memref<8x344064xf32, #tpu.memory_space<hbm>> -> memref<1x2048xf32, #tpu.memory_space<hbm>>
    %dma_wait3A_145 = tpu.memref_squeeze %dma_wait3A_144 : memref<1x2048xf32, #tpu.memory_space<hbm>> -> memref<2048xf32, #tpu.memory_space<hbm>>
    %dma_wait3A_146 = tpu.memref_slice %arg8[%add3A_30, %add3A_143] : memref<8x344064xf32, #tpu.memory_space<hbm>> -> memref<1x2048xf32, #tpu.memory_space<hbm>>
    %dma_wait3A_147 = tpu.memref_squeeze %dma_wait3A_146 : memref<1x2048xf32, #tpu.memory_space<hbm>> -> memref<2048xf32, #tpu.memory_space<hbm>>
    tpu.wait_dma2 semaphore(%arg28 : memref<!tpu.dma_semaphore, #tpu.memory_space<semaphore_mem>>) src(%arg22 : memref<2048xf32, #tpu.memory_space<vmem>>) dst(%dma_wait3A_147 : memref<2048xf32, #tpu.memory_space<hbm>>)
    return
  }
}

module attributes {stable_mosaic.version = 14 : i64} {
  func.func @body(%arg0: memref<10000x128xf32, #tpu.memory_space<vmem>>, %arg1: memref<128x16xf32, #tpu.memory_space<vmem>>, %arg2: memref<10000x16xf32, #tpu.memory_space<vmem>>, %arg3: memref<1x16xf32, #tpu.memory_space<vmem>>) attributes {dimension_semantics = [], scalar_prefetch = 0 : i64, scratch_operands = 0 : i64, tpu.core_type = #tpu.core_type<tc>} {
    %get3A = arith.constant 0 : index
    %get3A_0 = arith.constant 0 : index
    %get3A_1 = vector.load %arg0[%get3A, %get3A_0] : memref<10000x128xf32, #tpu.memory_space<vmem>>, vector<10000x128xf32>
    %get3A_2 = arith.constant 0 : index
    %get3A_3 = arith.constant 0 : index
    %get3A_4 = vector.load %arg1[%get3A_2, %get3A_3] : memref<128x16xf32, #tpu.memory_space<vmem>>, vector<128x16xf32>
    %dot_general3A = arith.constant dense<0.000000e+00> : vector<10000x16xf32>
    %dot_general3A_5 = tpu.matmul %get3A_1, %get3A_4, %dot_general3A {dimension_numbers = #tpu.dot_dimension_numbers<[1], [0], [0], [1], [0, 0, 1, 1], [], []>, transpose_lhs_hint = false} : vector<10000x128xf32>, vector<128x16xf32>, vector<10000x16xf32> -> vector<10000x16xf32>
    %swap3A = arith.constant 0 : index
    %swap3A_6 = arith.constant 0 : index
    %swap3A_7 = vector.load %arg2[%swap3A, %swap3A_6] : memref<10000x16xf32, #tpu.memory_space<vmem>>, vector<10000x16xf32>
    tpu.vector_store %arg2[%swap3A, %swap3A_6], %dot_general3A_5 {strides = array<i32>} : memref<10000x16xf32, #tpu.memory_space<vmem>>, vector<10000x16xf32>,
    %reduce_max3A = arith.constant dense<0xFF800000> : vector<16xf32>
    %reduce_max3A_8 = vector.multi_reduction <maximumf>, %dot_general3A_5, %reduce_max3A [0] : vector<10000x16xf32> to vector<16xf32>
    %broadcast_in_dim3A = vector.shape_cast %reduce_max3A_8 : vector<16xf32> to vector<1x16xf32>
    %swap3A_9 = arith.constant 0 : index
    %swap3A_10 = arith.constant 0 : index
    %swap3A_11 = vector.load %arg3[%swap3A_9, %swap3A_10] : memref<1x16xf32, #tpu.memory_space<vmem>>, vector<1x16xf32>
    tpu.vector_store %arg3[%swap3A_9, %swap3A_10], %broadcast_in_dim3A {strides = array<i32>} : memref<1x16xf32, #tpu.memory_space<vmem>>, vector<1x16xf32>,
    return
  }
}

</mosaic_0001>

<sc_bundles>
// kernel: kernel.4.cloned.1.call-start
scs
__scs_entry_jumppad:
0x0: {  	(pc) =	sbr.rel $0x88, $3  }
0x1: {  	(tag) =	ssettag $0x0;
	lr =	simm.s32 $0x1  }
0x2: {  	[smem:$0x3F9A] =	sst lr;
	_ =	strace $0xD0000000  }
0x3: {  	_ = 	snop  }
0x4: {  	_ = 	snop  }
0x5: {  	_ = 	snop  }
0x6: {  	_ = 	snop  }
0x7: {  	_ = 	snop  }
__scs_overlays_trampoline_lowered:
0x8: {  	[smem:$0x3FA9] =	sst s0  }
0x9: {  	[smem:$0x3FAA] =	sst s1  }
0xa: {  	[smem:$0x3FAB] =	sst s2  }
0xb: {  	[smem:$0x3FAC] =	sst s3  }
0xc: {  	[smem:$0x3FAD] =	sst s4  }
0xd: {  	[smem:$0x3FAE] =	sst s5  }
0xe: {  	[smem:$0x3FAF] =	sst s6  }
0xf: {  	[smem:$0x3FB0] =	sst s7  }
0x10: {  	[smem:$0x3FB1] =	sst s8  }
0x11: {  	[smem:$0x3FB2] =	sst s9;
	s0 =	simm.s32 @!p0 $0x0  }
0x12: {  	s1 =	sld [smem:$0x3F98];
	s0 =	simm.s32 @p0 $0x1  }
0x13: {  	[smem:$0x3FB3] =	sst s0;
	s0 =	simm.s32 @!p1 $0x0  }
0x14: {  	s2 =	sld [smem:$0x3F97];
	s0 =	simm.s32 @p1 $0x1  }
0x15: {  	[smem:$0x3FB4] =	sst s0;
	s0 =	simm.s32 @!p2 $0x0  }
0x16: {  	s3 =	sld [smem:$0x3FDB];
	s0 =	simm.s32 @p2 $0x1  }
0x17: {  	s4 =	simm.s32 $0x1BF5;
	[smem:$0x3FB6] =	sst s0  }
0x18: {  	s0 =	sld [smem:$0x3F99];
	_ =	swait.ge [sflag:s4], $0x0  }
0x19: {  	s7 =	sld [smem:$0x3F9A]  }
0x1a: {  	s8 =	sadd.s32 $0xFFFFE003, lr  }
0x1b: {  	s9 =	sadd.s32 $0xFFFFFEF7, lr;
	s5 =	simm.s32 $0xFFFFFFFF;
	p2 =	slt.u32 s8, $0xFFFFF086  }
0x1c: {  	p1 =	slt.u32 s9, $0xF7A;
	s5 =	simm.s32 @!p2 $0x0  }
0x1d: {  	s5 =	simm.s32 @p1 $0x1;
	p0 =	seq.s32 s7, s2  }
0x1e: {  	s7 =	smul.u32 @!p0 $0xF7A, s2;
	p2 =	seq.s32 @!p0 s5, $0x0  }
0x1f: {  	s9 =	smul.u32 $0xF7A, s1;
	s8 =	simm.s32 @!p0 $0x1BF5;
	p2 =	por !p2, p0  }
0x20: {  	[sflag:s8] =	ssyncset.s32 @!p0 $0xFFFFF086;
	s6 =	sadd.s32 @!p0 s3, s7;
	s7 =	simm.s32 @!p0 $0x108  }
0x21: {  	s3 =	sadd.s32 s3, s9;
	s6 =	sadd.s32 @!p0 $0x88, s6;
	s7 =	simm.s32 @p2 $0x1082  }
0x22: {  	[simem:s7], [sflag:s8] =	dma.local @!p0 [hbm:s6], $0xF7A  }
0x23: {  	s9 =	sor.u32 $0xD0000000, s2;
	s6 =	simm.s32 $0x108;
	_ =	swait.ge @!p0 [sflag:s8], $0x0  }
0x24: {  	s3 =	sadd.s32 $0x88, s3;
	s6 =	simm.s32 @!p1 $0x1082;
	[sflag:s4] =	ssyncset.s32 $0xFFFFF086  }
0x25: {  	[simem:s6], [sflag:s4] =	dma.local [hbm:s3], $0xF7A  }
0x26: {  	[smem:$0x3F9A] =	sst s1;
	(tag) =	ssettag s2;
	_ =	strace s9  }
0x27: {  	s1 =	sld [smem:$0x3FAA]  }
0x28: {  	s2 =	sld [smem:$0x3FAB]  }
0x29: {  	s4 =	sld [smem:$0x3FAD]  }
0x2a: {  	p0 =	seq.s32 s5, $0x0;
	s5 =	sld [smem:$0x3FAE]  }
0x2b: {  	s6 =	sld [smem:$0x3FAF]  }
0x2c: {  	s7 =	sld [smem:$0x3FB0]  }
0x2d: {  	s3 =	simm.s32 $0x108;
	s8 =	sld [smem:$0x3FB1]  }
0x2e: {  	s3 =	simm.s32 @!p0 $0x1082;
	s9 =	sld [smem:$0x3FB2]  }
0x2f: {  	lr =	sadd.s32 s0, s3;
	s0 =	sld [smem:$0x3FA9]  }
0x30: {  	s3 =	sld [smem:$0x3FAC]  }
0x31: {  	[smem:$0x3FB5] =	sst s10  }
0x32: {  	s10 =	sld [smem:$0x3FB3];
	_ =	sdelay $0x3  }
0x33: {  	p0 =	seq.s32 s10, $0x1;
	s10 =	sld [smem:$0x3FB5];
	_ =	sdelay $0x3  }
0x34: {  	[smem:$0x3FB5] =	sst s10  }
0x35: {  	s10 =	sld [smem:$0x3FB4];
	_ =	sdelay $0x3  }
0x36: {  	p1 =	seq.s32 s10, $0x1;
	s10 =	sld [smem:$0x3FB5];
	_ =	sdelay $0x3  }
0x37: {  	[smem:$0x3FB5] =	sst s10  }
0x38: {  	s10 =	sld [smem:$0x3FB6]  }
0x39: {  	_ = 	snop;
	(pc) =	sbr.ind lr, $3  }
0x3a: {  	_ = 	snop  }
0x3b: {  	_ = 	snop  }
0x3c: {  	p2 =	seq.s32 s10, $0x1;
	s10 =	sld [smem:$0x3FB5]  }
0x3d: {  	_ =	shalt  }
0x3e: {  	_ =	shalt  }
0x3f: {  	_ =	shalt  }
0x40: {  	_ =	shalt  }
0x41: {  	_ =	shalt  }
0x42: {  	_ =	shalt  }
0x43: {  	_ =	shalt  }
0x44: {  	_ =	shalt  }
0x45: {  	_ =	shalt  }
0x46: {  	_ =	shalt  }
0x47: {  	_ =	shalt  }
0x48: {  	_ =	shalt  }
0x49: {  	_ =	shalt  }
0x4a: {  	_ =	shalt  }
0x4b: {  	_ =	shalt  }
0x4c: {  	_ =	shalt  }
0x4d: {  	_ =	shalt  }
0x4e: {  	_ =	shalt  }
0x4f: {  	_ =	shalt  }
0x50: {  	_ =	shalt  }
0x51: {  	_ =	shalt  }
0x52: {  	_ =	shalt  }
0x53: {  	_ =	shalt  }
0x54: {  	_ =	shalt  }
0x55: {  	_ =	shalt  }
0x56: {  	_ =	shalt  }
0x57: {  	_ =	shalt  }
0x58: {  	_ =	shalt  }
0x59: {  	_ =	shalt  }
0x5a: {  	_ =	shalt  }
0x5b: {  	_ =	shalt  }
0x5c: {  	_ =	shalt  }
0x5d: {  	_ =	shalt  }
0x5e: {  	_ =	shalt  }
0x5f: {  	_ =	shalt  }
0x60: {  	_ =	shalt  }
0x61: {  	_ =	shalt  }
0x62: {  	_ =	shalt  }
0x63: {  	_ =	shalt  }
0x64: {  	_ =	shalt  }
0x65: {  	_ =	shalt  }
0x66: {  	_ =	shalt  }
0x67: {  	_ =	shalt  }
0x68: {  	_ =	shalt  }
0x69: {  	_ =	shalt  }
0x6a: {  	_ =	shalt  }
0x6b: {  	_ =	shalt  }
0x6c: {  	_ =	shalt  }
0x6d: {  	_ =	shalt  }
0x6e: {  	_ =	shalt  }
0x6f: {  	_ =	shalt  }
0x70: {  	_ =	shalt  }
0x71: {  	_ =	shalt  }
0x72: {  	_ =	shalt  }
0x73: {  	_ =	shalt  }
0x74: {  	_ =	shalt  }
0x75: {  	_ =	shalt  }
0x76: {  	_ =	shalt  }
0x77: {  	_ =	shalt  }
0x78: {  	_ =	shalt  }
0x79: {  	_ =	shalt  }
0x7a: {  	_ =	shalt  }
0x7b: {  	_ =	shalt  }
0x7c: {  	_ =	shalt  }
0x7d: {  	_ =	shalt  }
0x7e: {  	_ =	shalt  }
0x7f: {  	_ =	shalt  }
0x80: {  	_ =	shalt  }
0x81: {  	_ =	shalt  }
0x82: {  	_ =	shalt  }
0x83: {  	_ =	shalt  }
0x84: {  	_ =	shalt  }
0x85: {  	_ =	shalt  }
0x86: {  	_ =	shalt  }
0x87: {  	_ =	shalt  }
.Lfunc_end0:
.L_simem_size_0:
called_computation_lowered:
.L_overlay_start_0:
0x88: {  	s2 =	sld [smem:$0x3FD9]  }
0x89: {  	s3 =	sld [smem:$0x3FFE];
	_ =	sdelay $0x1  }
0x8a: {  	s1 =	srdreg.scid  }
0x8b: {  	s0 =	sand.u32 $0x1, s1  }
0x8c: {  	s17 =	sshll.u32 s0, $0xA;
	s2 =	sadd.s32 s3, s2  }
0x8d: {  	s2 =	sadd.s32 s2, s17  }
0x8e: {  	[smem:$0x3FC1] =	sst s2  }
0x8f: {  	_ = 	snop  }
0x90: {  	s2 =	sld [smem:$0x3FD0];
	(tm) =	ssettm $0x1  }
0x91: {  	s18 =	sld [smem:$0x3FFB];
	_ =	sdelay $0x3  }
0x92: {  	_ =	strace s18  }
0x93: {  	s3 =	sld [smem:$0x3FFC];
	_ =	sdelay $0x3  }
0x94: {  	_ =	strace s3  }
0x95: {  	s3 =	sld [smem:$0x3FFD];
	_ =	sdelay $0x3  }
0x96: {  	_ =	strace s3  }
0x97: {  	_ =	strace $0x8FFFFFFF  }
0x98: {  	s19 =	sld [smem:$0x3FDB];
	_ =	sdelay $0x1  }
0x99: {  	s4 =	simm.s32 $_scs_section_size  }
0x9a: {  	s5 =	simm.s32 $_size__tile_overlayer_lowered;
	s6 =	simm.s32 $_tile_overlayer_lowered  }
0x9b: {  	s22 =	simm.s32 $0x1BFF;
	s21 =	sshll.u32 s6, $0x1;
	s3 =	sadd.s32 s4, s19  }
0x9c: {  	s7 =	simm.s32 $0x0;
	s20 =	sshll.u32 s5, $0x1;
	s5 =	sadd.s32 s21, s3  }
0x9d: {  	[timem:s7], [sflag:s22] =	dma.local [hbm:s5], s20  }
0x9e: {  	_ =	swait.ge [sflag:s22], s20  }
0x9f: {  	s4 =	ssub.s32 $0x0, s20;
	[sflag:s22] =	ssyncset.done $0x0  }
0xa0: {  	[sflag:s22] =	ssyncadd.s32 s4;
	_ =	sdelay $0x1  }
0xa1: {  	s23 =	simm.s32 $0x1B8B  }
0xa2: {  	_ =	swait.ge [sflag:s23], $0x1  }
0xa3: {  	[sflag:s23] =	ssyncset.done $0x0  }
0xa4: {  	s25 =	simm.s32 $0x1B8E;
	s24 =	sld [smem:$0x3FFE];
	[sflag:s23] =	ssyncadd.s32 $0xFFFFFFFF  }
0xa5: {  	s26 =	simm.s32 $execute0_lowered;
	[smem:$0x3FD2] =	sst s25  }
0xa6: {  	s5 =	sshll.u32 s26, $0x1;
	_ =	strace $0x80000046;
	[dreg:$0x1] =	wrdreg $0xFFFFFFFF  }
0xa7: {  	s28 =	simm.s32 $_size_execute0_lowered;
	s3 =	sadd.s32 s3, s5;
	[dreg:$0x0] =	wrdreg $0x0  }
0xa8: {  	s5 =	sshll.u32 s28, $0x1;
	[dreg:$0x2] =	wrdreg s3  }
0xa9: {  	[dreg:$0x3] =	wrdreg s5  }
0xaa: {  	[dreg:$0x4] =	wrdreg $0xC0  }
0xab: {  	_ =	task [dreg:s7], $0x5FFFF  }
0xac: {  	[dreg:$0x1] =	wrdreg $0xFFFFFFFF  }
0xad: {  	[dreg:$0x0] =	wrdreg $0x60  }
0xae: {  	[dreg:$0x2] =	wrdreg s24  }
0xaf: {  	[dreg:$0x3] =	wrdreg s2  }
0xb0: {  	[dreg:$0x4] =	wrdreg $0xEE800  }
0xb1: {  	[dreg:$0x5] =	wrdreg $0x9  }
0xb2: {  	_ =	task.clear_ibuf [dreg:s7], $0x6FFFF;
	_ =	strace $0x90000046  }
0xb3: {  	s29 =	simm.s32 $0x9;
	_ =	strace $0x80000048  }
0xb4: {  	_ =	swait.ge [sflag:s29], $0x1  }
0xb5: {  	[sflag:s29] =	ssyncadd.s32 $0xFFFFFFFF  }
0xb6: {  	_ =	strace $0x90000048  }
0xb7: {  	_ =	sfence  }
0xb8: {  	s30 =	sld [smem:$0x0];
	_ =	sdelay $0x2  }
0xb9: {  	s31 =	sshll.u32 s1, $0xD;
	s1 =	sshrl.u32 s1, $0x2  }
0xba: {  	s3 =	sand.u32 $0x4000, s31;
	s1 =	sadd.s32 s1, s30  }
0xbb: {  	s0 =	sor.u32 s3, s0;
	s1 =	sshll.u32 s1, $0x11  }
0xbc: {  	s0 =	sor.u32 s1, s0  }
0xbd: {  	s0 =	sadd.s32 $0x8F2B, s0  }
0xbe: {  	[sflag:s0] =	ssyncadd.remote.s32 $0x1  }
0xbf: {  	_ =	sfence.sel $0xFFFF  }
0xc0: {  	[dreg:$0x0] =	wrdreg $0xFFFFFFFF;
	(pc) =	sbr.abs _section_cstart, $3  }
0xc1: {  	[dreg:$0x1] =	wrdreg $0xFFFFFFFF  }
0xc2: {  	_ =	task.clear_ibuf [dreg:s7], $0x2FFFF;
	_ =	strace $0x9FFFFFFF  }
0xc3: {  	(tm) =	ssettm $0x7FFFFFFF  }
tec
execute0_lowered:
.L_overlay_start_1:
0x0: {  	(tag) =	ssettag $0x1  }
0x1: {  	s1 =	rddreg [dreg:$0x0]  }
0x2: {  	s0 =	srdreg.scid;
	s2 =	rddreg [dreg:$0x1]  }
0x3: {  	s13 =	stileid.u32;
	s5 =	rddreg [dreg:$0x2]  }
0x4: {  	s3 =	simm.s32 $0x0;
	s31 =	simm.s32 $0x80;
	s28 =	simm.s32 $0xDE00  }
0x5: {  	s29 =	simm.s32 $0xE600;
	s4 =	sand.u32 $0x1, s0;
	s9 =	sshrl.u32 s13, $0x2  }
0x6: {  	[smem:$0x7FF] =	sst s3;
	s6 =	sadd.s32 $0xAA00, s1;
	s19 =	sadd.s32 $0x1A400, s1  }
0x7: {  	s7 =	sadd.s32 $0xFC00, s1;
	s12 =	sand.u32 $0x3, s13;
	s8 =	sadd.s32 $0x1AA00, s1  }
0x8: {  	s13 =	smul.u32 $0x9D00, s13;
	_ =	strace $0x80000047;
	[dreg:$0x4] =	wrdreg s6  }
0x9: {  	s0 =	sshll.u32 s4, $0x2;
	[dreg:$0x5] =	wrdreg s19;
	s14 =	smul.u32 $0x15000, s12  }
0xa: {  	s6 =	sadd.s32 $0x200, s1;
	s4 =	ssub.s32 $0x2, s4;
	s15 =	smul.u32 $0x2A00, s12  }
0xb: {  	s22 =	smul.u32 $0xA8000, s12;
	s0 =	sor.u32 s9, s0;
	s20 =	sshrl.u32 s4, $0x1  }
0xc: {  	s9 =	smul.u32 $0x27400, s9;
	s25 =	sshrl.u32 s13, $0x2;
	s10 =	sshll.u32 s0, $0x4  }
0xd: {  	s21 =	sshll.u32 s0, $0x7;
	s23 =	sadd.s32 s2, s15;
	s24 =	sshrl.u32 s14, $0x7  }
0xe: {  	s30 =	sadd.s32 s6, s15;
	s26 =	sadd.s32 s25, s5;
	s18 =	sadd.s32 $0x1800, s14  }
0xf: {  	s11 =	sadd.s32 s10, s1;
	s1 =	ssub.s32 s4, s20;
	[dreg:$0x8] =	wrdreg s23  }
0x10: {  	s12 =	sor.u32 $0x10, s24;
	s17 =	sor.u32 s10, s14;
	s13 =	sor.u32 s21, s22  }
0x11: {  	[dreg:$0xa] =	wrdreg s26;
	s9 =	sshrl.u32 s9, $0x2;
	s25 =	sadd.s32 s8, s10  }
0x12: {  	s10 =	simm.s32 $0x1;
	[dreg:$0x9] =	wrdreg s30;
	s16 =	sadd.s32 $0xAC00, s11  }
0x13: {  	s11 =	sadd.s32 $0xD380, s11;
	s19 =	sshll.u32 s12, $0x4;
	s9 =	sadd.s32 s9, s5  }
0x14: {  	s12 =	sshll.u32 s12, $0xA;
	s1 =	smax.u32 s1, $0x1;
	[dreg:$0x6] =	wrdreg s16  }
0x15: {  	[dreg:$0x7] =	wrdreg s11;
	s16 =	sadd.s32 $0x1000, s14;
	s11 =	sadd.s32 s17, s8  }
0x16: {  	s14 =	sadd.s32 s7, s15;
	s4 =	sor.u32 s21, s12;
	[dreg:$0x12] =	wrdreg s1  }
0x17: {  	s15 =	sshrl.u32 s13, $0x3;
	s20 =	sadd.s32 s2, s19;
	[dreg:$0xb] =	wrdreg s9  }
0x18: {  	s21 =	sadd.s32 s6, s19;
	s22 =	sadd.s32 s7, s19;
	[dreg:$0xc] =	wrdreg s14  }
0x19: {  	s23 =	sadd.s32 $0x2740, s9;
	s24 =	sadd.s32 $0x4E80, s9;
	[dreg:$0xe] =	wrdreg s20  }
0x1a: {  	v0 =	vimm.s32 $0xFFEDCBA9;
	v1 =	vimm.s32 $0x87654321;
	s26 =	sadd.s32 $0x75C0, s9;
	s1 =	simm.s32 $0x400;
	[dreg:$0xf] =	wrdreg s21  }
0x1b: {  	v0 =	vunpack.c.l.s4.s8 v0;
	v1 =	vunpack.c.l.s4.s8 v1;
	s12 =	simm.s32 $0x5;
	s9 =	simm.s32 $0xB600;
	[dreg:$0x10] =	wrdreg s22  }
0x1c: {  	s19 =	simm.s32 $0x2;
	s17 =	sadd.s32 $0x800, s11;
	[dreg:$0x13] =	wrdreg s23  }
.Ltmp0:
0x1d: {  	v0 =	vunpack.c.0.s8.s32 v0;
	v1 =	vunpack.c.0.s8.s32 v1;
	s5 =	sadd.s32 s8, s15;
	[dreg:$0x14] =	wrdreg s24;
	(pc) =	sbr.rel .LBB2_1-.Ltmp0, $4  }
0x1e: {  	s4 =	sshrl.u32 s4, $0x3;
	[dreg:$0x15] =	wrdreg s26;
	s11 =	simm.s32 $0xA600  }
0x1f: {  	v1 =	vcombine.low v1, v0;
	s14 =	simm.s32 $0xCE00;
	s20 =	simm.s32 $0xD600;
	s26 =	simm.s32 $0xC600  }
0x20: {  	vm0 =	vcmask $0x3F3C;
	s15 =	simm.s32 $0x0;
	[dreg:$0xd] =	wrdreg s5;
	s4 =	sadd.s32 s8, s4  }
0x21: {  	vm1 =	vmmov $0x7fff;
	v0 =	vmov s0;
	v1 =	vand.u32 $0xF, v1;
	s5 =	simm.s32 $0x4F00;
	[dreg:$0x11] =	wrdreg s4;
	s4 =	simm.s32 $0x2780  }
.LBB2_31:
0x22: {  	s0 =	simm.s32 $0x3  }
0x23: {  	_ =	swait.ge [sflag:s0], $0x800  }
0x24: {  	[sflag:s0] =	ssyncset.done $0x0  }
0x25: {  	s12 =	simm.s32 $0x4;
	[sflag:s0] =	ssyncadd.s32 $0xFFFFF800  }
0x26: {  	_ =	swait.ge [sflag:s12], $0x800  }
0x27: {  	s15 =	rddreg [dreg:$0x16]  }
0x28: {  	s24 =	rddreg [dreg:$0x12];
	s15 =	sadd.s32 $0x1, s15  }
0x29: {  	p0 =	sne.s32 s15, s24  }
.Ltmp1:
0x2a: {  	_ = 	snop;
	(pc) =	sbr.rel @!p0 .LBB2_32-.Ltmp1, $3  }
0x2b: {  	_ =	sdelay $0x1  }
0x2c: {  	[sflag:s12] =	ssyncset.done $0x0  }
0x2d: {  	s30 =	rddreg [dreg:$0x9];
	[sflag:s12] =	ssyncadd.s32 $0xFFFFF800;
	s12 =	simm.s32 $0x5  }
.LBB2_1:
0x2e: {  	[dreg:$0x16] =	wrdreg s15  }
0x2f: {  	s0 =	rddreg [dreg:$0x6]  }
0x30: {  	[tilespmem:s3], [sflag:$0x5] =	stream.strided.gather [hbm4b:s0+s31], $0x2780, s1, s31, $0x38;
	[tilespmem:$0x115C0] =	vst v63  }
0x31: {  	_ =	swait.ge [sflag:s12], $0x2780  }
0x32: {  	[sflag:s12] =	ssyncset.done $0x0  }
0x33: {  	s21 =	rddreg [dreg:$0x7];
	[sflag:s12] =	ssyncadd.s32 $0xFFFFD880  }
0x34: {  	[tilespmem:s4], [sflag:$0x5] =	stream.strided.gather [hbm4b:s21+s31], $0x2780, s1, s31, $0x38;
	[tilespmem:$0x115C0] =	vst v63  }
0x35: {  	_ =	swait.ge [sflag:s12], $0x2780  }
0x36: {  	[sflag:s12] =	ssyncset.done $0x0  }
0x37: {  	s22 =	rddreg [dreg:$0x5];
	[sflag:s12] =	ssyncadd.s32 $0xFFFFD880  }
0x38: {  	[tilespmem:s5], [sflag:$0x5] =	stream.linear.gather [hbm4b:s22+s3], $0x2780, $0x38;
	[tilespmem:$0x115C0] =	vst v63  }
0x39: {  	_ =	swait.ge [sflag:s12], $0x2780  }
0x3a: {  	[sflag:s12] =	ssyncset.done $0x0  }
0x3b: {  	s24 =	simm.s32 $0xEE00;
	s23 =	rddreg [dreg:$0x4];
	[sflag:s12] =	ssyncadd.s32 $0xFFFFD880  }
0x3c: {  	[tilespmem:s24], [sflag:$0x5] =	stream.linear.gather [hbm4b:s23+s3], $0x80, $0x38;
	[tilespmem:$0x115C0] =	vst v63  }
0x3d: {  	_ =	swait.ge [sflag:s12], $0x80  }
0x3e: {  	[sflag:s12] =	ssyncset.done $0x0  }
0x3f: {  	s21 =	simm.s32 $0x9E00;
	s15 =	rddreg [dreg:$0x8];
	[sflag:s12] =	ssyncadd.s32 $0xFFFFFF80  }
0x40: {  	v2 =	vld.idx.msk [tilespmem:v0+s24+$0x0], $0xffff;
	[tilespmem:s21], [sflag:$0x1] =	stream.linear.gather [hbm4b:s15+s3], $0x800, $0x38  }
0x41: {  	s22 =	simm.s32 $0xAE00  }
0x42: {  	[tilespmem:s22], [sflag:$0x1] =	stream.linear.gather [hbm4b:s30+s3], $0x800, $0x38;
	[tilespmem:$0x115C0] =	vst v63  }
0x43: {  	s23 =	rddreg [dreg:$0xe]  }
0x44: {  	[tilespmem:s11], [sflag:$0x2] =	stream.linear.gather [hbm4b:s23+s3], $0x800, $0x38;
	[tilespmem:$0x115C0] =	vst v63  }
0x45: {  	s24 =	rddreg [dreg:$0xf];
	s15 =	simm.s32 $0x0  }
0x46: {  	[tilespmem:s9], [sflag:$0x2] =	stream.linear.gather [hbm4b:s24+s3], $0x800, $0x38;
	[tilespmem:$0x115C0] =	vst v63  }
.LBB2_2:
0x47: {  	_ =	swait.ge [sflag:s10], $0x800  }
0x48: {  	[sflag:s10] =	ssyncset.done $0x0  }
0x49: {  	[sflag:s10] =	ssyncadd.s32 $0xFFFFF800  }
0x4a: {  	_ =	swait.ge [sflag:s10], $0x800  }
0x4b: {  	p0 =	seq.s32 s15, $0x0;
	[sflag:s10] =	ssyncset.done $0x0  }
0x4c: {  	s0 =	simm.s32 @!p0 $0x3;
	[sflag:s10] =	ssyncadd.s32 $0xFFFFF800  }
0x4d: {  	_ =	swait.ge @!p0 [sflag:s0], $0x800  }
0x4e: {  	[sflag:s0] =	ssyncset.done @!p0 $0x0  }
0x4f: {  	s23 =	simm.s32 $0xAE40;
	[sflag:s0] =	ssyncadd.s32 @!p0 $0xFFFFF800  }
0x50: {  	v7 =	vld [tilespmem:s23+$0xFFFFFFC0]  }
0x51: {  	s12 =	simm.s32 $0x9E40;
	v3 =	vld [tilespmem:s23+$0x30]  }
0x52: {  	v4 =	vld [tilespmem:s12+$0x30]  }
0x53: {  	v8 =	vld [tilespmem:s23+$0x10]  }
0x54: {  	v5 =	vld [tilespmem:s23+$0x20]  }
0x55: {  	v6 =	vld [tilespmem:s12+$0x20]  }
0x56: {  	v10 =	vld [tilespmem:s23+$0xFFFFFFD0]  }
0x57: {  	v11 =	vld [tilespmem:s12+$0xFFFFFFC0]  }
0x58: {  	v13 =	vld [tilespmem:s23+$0x0]  }
0x59: {  	v14 =	vld [tilespmem:s12+$0x0]  }
0x5a: {  	v12 =	vld.idx.msk [tilespmem:v3+s4+$0x0], $0xffff  }
0x5b: {  	v4 =	vld.idx.msk [tilespmem:v4+s3+$0x0], $0xffff  }
0x5c: {  	v15 =	vld.idx.msk [tilespmem:v5+s4+$0x0], $0xffff  }
0x5d: {  	v6 =	vld.idx.msk [tilespmem:v6+s3+$0x0], $0xffff  }
0x5e: {  	v16 =	vld [tilespmem:s12+$0xFFFFFFF0]  }
0x5f: {  	v9 =	vld [tilespmem:s12+$0xFFFFFFD0]  }
0x60: {  	v17 =	vld [tilespmem:s23+$0xFFFFFFE0];
	v4 =	vadd.f32 v12, v4  }
0x61: {  	v12 =	vld [tilespmem:s23+$0xFFFFFFF0]  }
0x62: {  	v18 =	vld [tilespmem:s12+$0xFFFFFFE0];
	v6 =	vadd.f32 v15, v6;
	v19 =	vmul.f32 $1.000000010e-01, v4  }
0x63: {  	v11 =	vld.idx.msk [tilespmem:v11+s3+$0x0], $0xffff  }
0x64: {  	v20 =	vld.idx.msk [tilespmem:v13+s4+$0x0], $0xffff;
	v4 =	vmax.f32 v4, v19;
	v19 =	vmul.f32 $1.000000010e-01, v6  }
0x65: {  	v14 =	vld.idx.msk [tilespmem:v14+s3+$0x0], $0xffff;
	v4 =	vsub.f32 v4, v2  }
0x66: {  	v16 =	vld.idx.msk [tilespmem:v16+s3+$0x0], $0xffff;
	v6 =	vmax.f32 v6, v19  }
0x67: {  	v15 =	vld [tilespmem:s12+$0x10];
	v4 =	vmul.f32 $1.442695020e+00, v4;
	v6 =	vsub.f32 v6, v2  }
0x68: {  	v19 =	vld.idx.msk [tilespmem:v17+s4+$0x0], $0xffff  }
0x69: {  	v22 =	vld.idx.msk [tilespmem:v12+s4+$0x0], $0xffff;
	(erf) = vpow2.f32 v4;
	v4 =	vmul.f32 $1.442695020e+00, v6  }
0x6a: {  	v14 =	vadd.f32 v20, v14;
	v6 =	vld.idx.msk [tilespmem:v18+s3+$0x0], $0xffff  }
0x6b: {  	v9 =	vld.idx.msk [tilespmem:v9+s3+$0x0], $0xffff;
	(erf) = vpow2.f32 v4  }
0x6c: {  	v18 =	vmul.f32 $1.000000010e-01, v14;
	v4 =	vld.idx.msk [tilespmem:v7+s4+$0x0], $0xffff  }
0x6d: {  	v20 =	vld.idx.msk [tilespmem:v10+s4+$0x0], $0xffff  }
0x6e: {  	v21 =	vld.idx.msk [tilespmem:v8+s4+$0x0], $0xffff;
	v14 =	vmax.f32 v14, v18;
	v16 =	vadd.f32 v22, v16  }
0x6f: {  	v15 =	vld.idx.msk [tilespmem:v15+s3+$0x0], $0xffff;
	v14 =	vsub.f32 v14, v2;
	v6 =	vadd.f32 v19, v6  }
0x70: {  	v5 =	vxor.u32 $0x80000000, v5;
	v18 =	vmul.f32 $1.000000010e-01, v16  }
0x71: {  	v4 =	vadd.f32 v4, v11;
	v11 =	vmul.f32 $1.442695020e+00, v14;
	v19 =	vmul.f32 $1.000000010e-01, v6  }
0x72: {  	v3 =	vxor.u32 $0x80000000, v3;
	v9 =	vadd.f32 v20, v9;
	v16 =	vmax.f32 v16, v18  }
0x73: {  	v14 =	vpop (erf);
	v16 =	vsub.f32 v16, v2;
	(erf) = vpow2.f32 v11;
	v6 =	vmax.f32 v6, v19  }
0x74: {  	v15 =	vadd.f32 v21, v15;
	(xrf1) =	vsort.ascd.msk.u32 $0xffff, v3, v14;
	v3 =	vmul.f32 $1.000000010e-01, v4;
	v6 =	vsub.f32 v6, v2;
	v18 =	vpop (erf)  }
0x75: {  	v11 =	vmul.f32 $1.000000010e-01, v9;
	v16 =	vmul.f32 $1.442695020e+00, v16;
	(xrf1) =	vsort.ascd.msk.u32 $0xffff, v5, v18  }
0x76: {  	s12 =	simm.s32 $0x9EC0;
	v3 =	vmax.f32 v4, v3;
	v5 =	vmul.f32 $1.000000010e-01, v15;
	v6 =	vmul.f32 $1.442695020e+00, v6  }
0x77: {  	v27 =	vld [tilespmem:s12+$0x20];
	v9 =	vmax.f32 v9, v11;
	(erf) = vpow2.f32 v16;
	v3 =	vsub.f32 v3, v2  }
0x78: {  	v30 =	vld [tilespmem:s12+$0x10];
	v9 =	vsub.f32 v9, v2;
	v11 =	vmax.f32 v15, v5;
	(erf) = vpow2.f32 v6  }
0x79: {  	v32 =	vld [tilespmem:s12+$0x0];
	v11 =	vsub.f32 v11, v2;
	v6 =	vmul.f32 $1.442695020e+00, v3  }
0x7a: {  	v19 =	vld [tilespmem:s12+$0x30];
	v9 =	vmul.f32 $1.442695020e+00, v9  }
0x7b: {  	s24 =	simm.s32 $0xAEC0;
	v16 =	vld [tilespmem:s12+$0xFFFFFFC0];
	v11 =	vmul.f32 $1.442695020e+00, v11;
	(erf) = vpow2.f32 v6  }
0x7c: {  	v15 =	vld [tilespmem:s24+$0x30];
	v6 =	vxor.u32 $0x80000000, v13;
	(erf) = vpow2.f32 v9;
	v13 =	vpop (erf)  }
0x7d: {  	v33 =	vld [tilespmem:s12+$0xFFFFFFE0];
	(xrf1) =	vsort.ascd.msk.u32 $0xffff, v6, v13;
	(erf) = vpow2.f32 v11  }
0x7e: {  	v20 =	vld [tilespmem:s24+$0x20]  }
0x7f: {  	v21 =	vld [tilespmem:s12+$0xFFFFFFF0]  }
0x80: {  	v4 =	vld [tilespmem:s24+$0xFFFFFFC0];
	v23 =	vpop (erf)  }
0x81: {  	v5 =	vld [tilespmem:s24+$0x10];
	v26 =	vpop (erf)  }
0x82: {  	v12 =	vxor.u32 $0x80000000, v12;
	v19 =	vld.idx.msk [tilespmem:v19+s3+$0x0], $0xffff;
	v24, v25, _ =	vpop (xrf1)  }
0x83: {  	v9 =	vld.idx.msk [tilespmem:v16+s3+$0x0], $0xffff;
	v28, v29, _ =	vpop (xrf1);
	(xrf1) =	vsort.ascd.msk.u32 $0xffff, v12, v23  }
0x84: {  	v22 =	vld.idx.msk [tilespmem:v15+s4+$0x0], $0xffff;
	v16 =	vpop (erf)  }
0x85: {  	v7 =	vxor.u32 $0x80000000, v7;
	v6 =	vld [tilespmem:s24+$0xFFFFFFE0];
	(xrf2) =	vadd.scan.msk.f32 $0xffff, v29;
	v29 =	vpop (erf)  }
0x86: {  	v3 =	vld [tilespmem:s24+$0xFFFFFFD0];
	v12 =	vxor.u32 $0x80000000, v8;
	(xrf1) =	vsort.ascd.msk.u32 $0xffff, v7, v16;
	v31 =	vpop (erf)  }
0x87: {  	v11 =	vld [tilespmem:s12+$0xFFFFFFD0];
	v28 =	vxor.u32 $0x80000000, v28;
	(xrf1) =	vsort.ascd.msk.u32 $0xffff, v12, v31  }
0x88: {  	v17 =	vxor.u32 $0x80000000, v17;
	v8 =	vld [tilespmem:s24+$0x0];
	v12 =	vperm.xlane v28, v1  }
0x89: {  	v7 =	vld [tilespmem:s24+$0xFFFFFFF0];
	v19 =	vadd.f32 v22, v19;
	(xrf1) =	vsort.ascd.msk.u32 $0xffff, v17, v26  }
0x8a: {  	s22 =	simm.s32 $0xCE40;
	v10 =	vxor.u32 $0x80000000, v10;
	v17 =	vld.idx.msk [tilespmem:v20+s4+$0x0], $0xffff;
	vm2 =	vne.s32 v28, v12  }
0x8b: {  	[tilespmem:s22+$0x30] =	vst v14;
	v14 =	vmul.f32 $1.000000010e-01, v19;
	(xrf1) =	vsort.ascd.msk.u32 $0xffff, v10, v29;
	v10 =	vld.idx.msk [tilespmem:v27+s3+$0x0], $0xffff;
	vm3 =	vmor vm2, vm0;
	v27, v22, _ =	vpop (xrf1)  }
0x8c: {  	[tilespmem:s22+$0xFFFFFFF0] =	vst v23;
	v23 =	vld.idx.msk [tilespmem:v21+s3+$0x0], $0xffff;
	(xrf2) =	vadd.scan.msk.f32 $0xffff, v22  }
0x8d: {  	v34 =	vld.idx.msk [tilespmem:v6+s4+$0x0], $0xffff;
	v14 =	vmax.f32 v19, v14  }
0x8e: {  	[tilespmem:s22+$0x10] =	vst v31;
	v31 =	vld.idx.msk [tilespmem:v33+s3+$0x0], $0xffff;
	v14 =	vsub.f32 v14, v2;
	v35 =	vxor.u32 $0x80000000, v27;
	(xrf2) =	vadd.scan.msk.f32 $0xffff, v25  }
0x8f: {  	[tilespmem:s22+$0x0] =	vst v13;
	v13 =	vxor.u32 $0x80000000, v20;
	v38 =	vxor.u32 $0x80000000, v24;
	v20 =	vld.idx.msk [tilespmem:v32+s3+$0x0], $0xffff;
	v37 =	vperm.xlane v35, v1  }
0x90: {  	[tilespmem:s22+$0x20] =	vst v18;
	v21 =	vperm.xlane v38, v1;
	v36 =	vld.idx.msk [tilespmem:v8+s4+$0x0], $0xffff;
	v14 =	vmul.f32 $1.442695020e+00, v14;
	v10 =	vadd.f32 v17, v10;
	v19, _, _ =	vpop (xrf2)  }
0x91: {  	v18 =	vxor.u32 $0x80000000, v15;
	vm2 =	vmand vm2, vm1;
	vm4 =	vne.s32 v35, v37;
	[tilespmem:v28+s5+$0x0] =	vst.idx.add.f32.msk vm3, v19;
	v15, v17, _ =	vpop (xrf1)  }
0x92: {  	v32 =	vld.idx.msk [tilespmem:v3+s4+$0x0], $0xffff;
	vm5 =	vmor vm4, vm0;
	v24 =	vmul.f32 $1.000000010e-01, v10;
	vm3 =	vne.s32 v38, v21;
	(xrf2) =	vadd.scan.msk.f32 $0xffff, v17  }
0x93: {  	[tilespmem:s22+$0xFFFFFFC0] =	vst v16;
	v31 =	vadd.f32 v34, v31;
	(erf) = vpow2.f32 v14;
	v28 =	vld.idx.msk [tilespmem:v7+s4+$0x0], $0xffff;
	vm6 =	vmor vm3, vm0  }
0x94: {  	[tilespmem:s22+$0xFFFFFFD0] =	vst v29;
	v29 =	vld.idx.msk [tilespmem:v4+s4+$0x0], $0xffff;
	vm4 =	vmand vm4, vm1;
	v10 =	vmax.f32 v10, v24;
	v16 =	vxor.u32 $0x80000000, v15;
	v14, v15, _ =	vpop (xrf1)  }
0x95: {  	[tilespmem:s22+$0xFFFFFFE0] =	vst v26;
	v27 =	vld.idx.msk [tilespmem:v30+s3+$0x0], $0xffff;
	vm3 =	vmand vm3, vm1;
	v33 =	vadd.f32 v36, v20;
	v10 =	vsub.f32 v10, v2;
	v26, v39, _ =	vpop (xrf1)  }
0x96: {  	v25 =	vld.idx.msk [tilespmem:v11+s3+$0x0], $0xffff;
	v24 =	vsub.f32 $0.0e+00, v19;
	v17 =	vperm.xlane v16, v1;
	(xrf2) =	vadd.scan.msk.f32 $0xffff, v15;
	v11 =	vxor.u32 $0x80000000, v14;
	v30, _, _ =	vpop (xrf2)  }
0x97: {  	v22 =	vld.idx.msk [tilespmem:v5+s4+$0x0], $0xffff;
	v63 =	vmul.f32 $1.442695020e+00, v10;
	v19 =	vxor.u32 $0x80000000, v26;
	(xrf2) =	vadd.scan.msk.f32 $0xffff, v39;
	v40 =	vsub.f32 $0.0e+00, v30;
	v15, v26, _ =	vpop (xrf1)  }
0x98: {  	[tilespmem:v35+s5+$0x0] =	vst.idx.add.f32.msk vm5, v30;
	v14 =	vperm.xlane v19, v1;
	v30 =	vadd.f32 v28, v23;
	v23, _, _ =	vpop (xrf2);
	v35 =	vmul.f32 $1.000000010e-01, v33  }
0x99: {  	(erf) = vpow2.f32 v63;
	vm5 =	vne.s32 v16, v17;
	v10, v20, _ =	vpop (xrf1);
	v15 =	vxor.u32 $0x80000000, v15;
	[tilespmem:v38+s5+$0x0] =	vst.idx.add.f32.msk vm6, v23  }
0x9a: {  	s21 =	simm.s32 $0x8;
	s23 =	simm.s32 $0xAF40;
	s24 =	sshll.u32 s15, $0xC;
	v28 =	vsub.f32 $0.0e+00, v23;
	v10 =	vxor.u32 $0x80000000, v10;
	[tilespmem:v37+s5+$0x0] =	vst.idx.add.f32.msk vm4, v40;
	v34 =	vmul.f32 $1.000000010e-01, v30  }
.LBB2_3:
0x9b: {  	v33 =	vmax.f32 v33, v35  }
0x9c: {  	v23 =	vld [tilespmem:s23+$0xFFFFFFC0];
	s21 =	sadd.s32 $0x8, s21;
	v27 =	vadd.f32 v22, v27;
	vm4 =	vmand vm5, vm1;
	s22 =	sadd.s32 $0x80, s22;
	(xrf2) =	vadd.scan.msk.f32 $0xffff, v26;
	v26, _, _ =	vpop (xrf2);
	v36 =	vperm.xlane v15, v1  }
0x9d: {  	vm6 =	vmor vm5, vm0;
	v9 =	vadd.f32 v29, v9;
	p1 =	slt.u32 s21, $0x78;
	v35 =	vpop (erf);
	v37 =	vsub.f32 $0.0e+00, v26;
	[tilespmem:v12+s5+$0x0] =	vst.idx.add.f32.msk vm2, v24  }
0x9e: {  	vm5 =	vne.s32 v19, v14;
	v12 =	vmul.f32 $1.000000010e-01, v31;
	v29 =	vmax.f32 v30, v34;
	[tilespmem:v21+s5+$0x0] =	vst.idx.add.f32.msk vm3, v28  }
0x9f: {  	v25 =	vadd.f32 v32, v25;
	v21 =	vsub.f32 v33, v2;
	vm3 =	vne.s32 v15, v36;
	v24 =	vld [tilespmem:s23+$0x10];
	[tilespmem:s22+$0x30] =	vst v35  }
0xa0: {  	s12 =	sadd.s32 $0x80, s12;
	v30 =	vperm.xlane v11, v1;
	vm7 =	vmor vm5, vm0;
	v28 =	vmul.f32 $1.000000010e-01, v9;
	v22 =	vld [tilespmem:s23+$0xFFFFFFD0];
	v32, _, _ =	vpop (xrf2);
	(xrf2) =	vadd.scan.msk.f32 $0xffff, v20  }
0xa1: {  	v29 =	vsub.f32 v29, v2;
	v12 =	vmax.f32 v31, v12;
	v31 =	vmul.f32 $1.442695020e+00, v21;
	v20 =	vld [tilespmem:s12+$0xFFFFFFD0]  }
0xa2: {  	v34 =	vmul.f32 $1.000000010e-01, v27;
	v9 =	vmax.f32 v9, v28;
	v28 =	vmul.f32 $1.000000010e-01, v25;
	v21 =	vld [tilespmem:s23+$0x20];
	(xrf1) =	vsort.ascd.msk.u32 $0xffff, v18, v35  }
0xa3: {  	v12 =	vsub.f32 v12, v2;
	v18 =	vld [tilespmem:s23+$0x30];
	(erf) = vpow2.f32 v31;
	v31 =	vperm.xlane v10, v1;
	v33, _, _ =	vpop (xrf2)  }
0xa4: {  	vm8 =	vne.s32 v11, v30;
	vm2 =	vmand vm3, vm1;
	v29 =	vmul.f32 $1.442695020e+00, v29;
	v35 =	vpop (erf);
	[tilespmem:v16+s5+$0x0] =	vst.idx.add.f32.msk vm6, v26  }
0xa5: {  	v25 =	vmax.f32 v25, v28;
	v12 =	vmul.f32 $1.442695020e+00, v12;
	vm6 =	vmand vm5, vm1;
	v16 =	vld [tilespmem:s12+$0xFFFFFFC0];
	(xrf1) =	vsort.ascd.msk.u32 $0xffff, v13, v35  }
0xa6: {  	v13 =	vsub.f32 v25, v2;
	v25 =	vmax.f32 v27, v34;
	(erf) = vpow2.f32 v29;
	[tilespmem:v17+s5+$0x0] =	vst.idx.add.f32.msk vm4, v37;
	v17, _, _ =	vpop (xrf2)  }
0xa7: {  	v9 =	vsub.f32 v9, v2;
	vm5 =	vmor vm3, vm0;
	v25 =	vsub.f32 v25, v2;
	[tilespmem:v19+s5+$0x0] =	vst.idx.add.f32.msk vm7, v33  }
0xa8: {  	vm7 =	vmor vm8, vm0;
	v13 =	vmul.f32 $1.442695020e+00, v13;
	v19 =	vld [tilespmem:s12+$0xFFFFFFF0];
	[tilespmem:s22+$0x20] =	vst v35;
	(erf) = vpow2.f32 v12  }
0xa9: {  	v9 =	vmul.f32 $1.442695020e+00, v9;
	v26 =	vsub.f32 $0.0e+00, v33;
	v12 =	vld [tilespmem:s12+$0x30]  }
0xaa: {  	vm3 =	vmand vm8, vm1;
	vm8 =	vne.s32 v10, v31;
	v25 =	vmul.f32 $1.442695020e+00, v25;
	v27 =	vld [tilespmem:s23+$0xFFFFFFE0];
	v28, _, _ =	vpop (xrf2)  }
0xab: {  	vm4 =	vmor vm8, vm0;
	v29 =	vld.idx.msk [tilespmem:v18+s4+$0x0], $0xffff;
	(erf) = vpow2.f32 v9  }
0xac: {  	v8 =	vxor.u32 $0x80000000, v8;
	v9 =	vsub.f32 $0.0e+00, v17;
	(erf) = vpow2.f32 v13;
	v13 =	vpop (erf);
	[tilespmem:v14+s5+$0x0] =	vst.idx.add.f32.msk vm6, v26  }
0xad: {  	vm6 =	vmand vm8, vm1;
	(xrf1) =	vsort.ascd.msk.u32 $0xffff, v8, v13;
	(erf) = vpow2.f32 v25;
	[tilespmem:v15+s5+$0x0] =	vst.idx.add.f32.msk vm5, v17  }
0xae: {  	v8 =	vsub.f32 $0.0e+00, v32;
	[tilespmem:v11+s5+$0x0] =	vst.idx.add.f32.msk vm7, v32  }
0xaf: {  	v11 =	vpop (erf);
	[tilespmem:v36+s5+$0x0] =	vst.idx.add.f32.msk vm2, v9  }
0xb0: {  	v7 =	vxor.u32 $0x80000000, v7;
	v15 =	vsub.f32 $0.0e+00, v28;
	v9 =	vld.idx.msk [tilespmem:v16+s3+$0x0], $0xffff;
	[tilespmem:s22+$0x0] =	vst v13;
	v14, v13, _ =	vpop (xrf1)  }
0xb1: {  	v16 =	vld [tilespmem:s12+$0x20];
	[tilespmem:s22+$0xFFFFFFF0] =	vst v11;
	v17 =	vpop (erf);
	(xrf1) =	vsort.ascd.msk.u32 $0xffff, v7, v11  }
0xb2: {  	[tilespmem:v30+s5+$0x0] =	vst.idx.add.f32.msk vm3, v8  }
0xb3: {  	v7, v8, _ =	vpop (xrf1);
	[tilespmem:v10+s5+$0x0] =	vst.idx.add.f32.msk vm4, v28  }
0xb4: {  	v10 =	vpop (erf);
	(xrf2) =	vadd.scan.msk.f32 $0xffff, v8;
	[tilespmem:v31+s5+$0x0] =	vst.idx.add.f32.msk vm6, v15  }
0xb5: {  	v8 =	vxor.u32 $0x80000000, v4;
	v4 =	vmov v23;
	v11 =	vld.idx.msk [tilespmem:v12+s3+$0x0], $0xffff;
	[tilespmem:s22+$0xFFFFFFC0] =	vst v10;
	v15 =	vpop (erf)  }
0xb6: {  	v12 =	vxor.u32 $0x80000000, v5;
	v5 =	vmov v24;
	v23 =	vld [tilespmem:s12+$0x10];
	[tilespmem:s22+$0xFFFFFFE0] =	vst v17;
	(xrf1) =	vsort.ascd.msk.u32 $0xffff, v8, v10;
	v10 =	vpop (erf)  }
0xb7: {  	v24 =	vxor.u32 $0x80000000, v7;
	v8 =	vld [tilespmem:s23+$0x0];
	[tilespmem:s22+$0x10] =	vst v10;
	(xrf1) =	vsort.ascd.msk.u32 $0xffff, v12, v10  }
0xb8: {  	v25 =	vxor.u32 $0x80000000, v6;
	v6 =	vmov v27;
	v12 =	vperm.xlane v24, v1;
	v10 =	vld [tilespmem:s12+$0x0];
	[tilespmem:s22+$0xFFFFFFD0] =	vst v15  }
0xb9: {  	v26 =	vxor.u32 $0x80000000, v3;
	v3 =	vmov v22;
	v7 =	vld [tilespmem:s23+$0xFFFFFFF0];
	(xrf1) =	vsort.ascd.msk.u32 $0xffff, v25, v17  }
0xba: {  	vm2 =	vne.s32 v24, v12;
	v17 =	vld.idx.msk [tilespmem:v21+s4+$0x0], $0xffff;
	(xrf1) =	vsort.ascd.msk.u32 $0xffff, v26, v15  }
0xbb: {  	v11 =	vadd.f32 v29, v11;
	vm3 =	vmor vm2, vm0;
	v15 =	vld.idx.msk [tilespmem:v16+s3+$0x0], $0xffff;
	v16, v22, _ =	vpop (xrf1)  }
0xbc: {  	v25 =	vld [tilespmem:s12+$0xFFFFFFE0];
	(xrf2) =	vadd.scan.msk.f32 $0xffff, v22  }
0xbd: {  	v32 =	vmul.f32 $1.000000010e-01, v11;
	v22 =	vld.idx.msk [tilespmem:v5+s4+$0x0], $0xffff  }
0xbe: {  	v30 =	vxor.u32 $0x80000000, v16;
	v28 =	vld.idx.msk [tilespmem:v27+s4+$0x0], $0xffff;
	v29, _, _ =	vpop (xrf2)  }
0xbf: {  	v34 =	vperm.xlane v30, v1;
	v11 =	vmax.f32 v11, v32;
	v31 =	vld.idx.msk [tilespmem:v8+s4+$0x0], $0xffff;
	v16, v26, _ =	vpop (xrf1);
	(xrf2) =	vadd.scan.msk.f32 $0xffff, v13  }
0xc0: {  	v18 =	vxor.u32 $0x80000000, v18;
	v13 =	vxor.u32 $0x80000000, v21;
	v11 =	vsub.f32 v11, v2;
	v35 =	vld.idx.msk [tilespmem:v19+s3+$0x0], $0xffff  }
0xc1: {  	v36 =	vxor.u32 $0x80000000, v14;
	vm4 =	vne.s32 v30, v34;
	v15 =	vadd.f32 v17, v15;
	[tilespmem:v24+s5+$0x0] =	vst.idx.add.f32.msk vm3, v29  }
0xc2: {  	v21 =	vperm.xlane v36, v1;
	vm5 =	vmor vm4, vm0;
	v17 =	vmul.f32 $1.442695020e+00, v11;
	v10 =	vld.idx.msk [tilespmem:v10+s3+$0x0], $0xffff;
	(xrf2) =	vadd.scan.msk.f32 $0xffff, v26  }
0xc3: {  	v16 =	vxor.u32 $0x80000000, v16;
	vm4 =	vmand vm4, vm1;
	v14 =	vmul.f32 $1.000000010e-01, v15;
	v37 =	vld.idx.msk [tilespmem:v7+s4+$0x0], $0xffff  }
0xc4: {  	vm2 =	vmand vm2, vm1;
	vm3 =	vne.s32 v36, v21;
	v38 =	vld.idx.msk [tilespmem:v25+s3+$0x0], $0xffff;
	(erf) = vpow2.f32 v17;
	v11, v19, _ =	vpop (xrf1)  }
0xc5: {  	vm6 =	vmor vm3, vm0;
	vm3 =	vmand vm3, vm1;
	v14 =	vmax.f32 v15, v14;
	v27 =	vld.idx.msk [tilespmem:v23+s3+$0x0], $0xffff;
	v15, v23, _ =	vpop (xrf1)  }
0xc6: {  	v24 =	vsub.f32 $0.0e+00, v29;
	v17 =	vperm.xlane v16, v1;
	v14 =	vsub.f32 v14, v2;
	v25 =	vld.idx.msk [tilespmem:v20+s3+$0x0], $0xffff;
	(xrf2) =	vadd.scan.msk.f32 $0xffff, v19;
	v20, _, _ =	vpop (xrf2)  }
.Ltmp2:
0xc7: {  	v11 =	vxor.u32 $0x80000000, v11;
	v19 =	vxor.u32 $0x80000000, v15;
	v29 =	vld.idx.msk [tilespmem:v4+s4+$0x0], $0xffff;
	v39 =	vsub.f32 $0.0e+00, v20;
	v15, v26, _ =	vpop (xrf1);
	(pc) =	sbr.rel @p1 .LBB2_3-.Ltmp2, $4  }
0xc8: {  	v33 =	vadd.f32 v31, v10;
	v40 =	vmul.f32 $1.442695020e+00, v14;
	v14 =	vperm.xlane v19, v1;
	[tilespmem:v30+s5+$0x0] =	vst.idx.add.f32.msk vm5, v20;
	v10, v20, _ =	vpop (xrf1)  }
0xc9: {  	v30 =	vadd.f32 v37, v35;
	v15 =	vxor.u32 $0x80000000, v15;
	v32 =	vld.idx.msk [tilespmem:v3+s4+$0x0], $0xffff;
	v10 =	vxor.u32 $0x80000000, v10;
	(xrf2) =	vadd.scan.msk.f32 $0xffff, v23;
	v23, _, _ =	vpop (xrf2)  }
0xca: {  	v31 =	vadd.f32 v28, v38;
	v35 =	vmul.f32 $1.000000010e-01, v33;
	[tilespmem:v34+s5+$0x0] =	vst.idx.add.f32.msk vm4, v39;
	v28 =	vsub.f32 $0.0e+00, v23  }
0xcb: {  	s23 =	sadd.s32 $0x80, s23;
	vm5 =	vne.s32 v16, v17;
	v34 =	vmul.f32 $1.000000010e-01, v30;
	(erf) = vpow2.f32 v40;
	[tilespmem:v36+s5+$0x0] =	vst.idx.add.f32.msk vm6, v23  }
0xcc: {  	v23 =	vmax.f32 v33, v35  }
0xcd: {  	v23 =	vsub.f32 v23, v2;
	_ =	sdelay $0x1  }
0xce: {  	v9 =	vadd.f32 v29, v9;
	v23 =	vmul.f32 $1.442695020e+00, v23  }
0xcf: {  	v22 =	vadd.f32 v22, v27;
	v27 =	vmul.f32 $1.000000010e-01, v31;
	v25 =	vadd.f32 v32, v25  }
0xd0: {  	v30 =	vmax.f32 v30, v34;
	v29 =	vmul.f32 $1.000000010e-01, v9;
	(erf) = vpow2.f32 v23  }
0xd1: {  	v30 =	vsub.f32 v30, v2;
	v23 =	vmax.f32 v31, v27;
	v27 =	vmul.f32 $1.000000010e-01, v25  }
0xd2: {  	v9 =	vmax.f32 v9, v29;
	v29 =	vmul.f32 $1.000000010e-01, v22;
	v23 =	vsub.f32 v23, v2  }
0xd3: {  	v30 =	vmul.f32 $1.442695020e+00, v30;
	v9 =	vsub.f32 v9, v2;
	v25 =	vmax.f32 v25, v27  }
0xd4: {  	v22 =	vmax.f32 v22, v29;
	v23 =	vmul.f32 $1.442695020e+00, v23;
	v25 =	vsub.f32 v25, v2  }
0xd5: {  	(erf) = vpow2.f32 v30;
	v22 =	vsub.f32 v22, v2;
	v9 =	vmul.f32 $1.442695020e+00, v9  }
0xd6: {  	v27 =	vpop (erf);
	(erf) = vpow2.f32 v23;
	v23 =	vmul.f32 $1.442695020e+00, v25  }
0xd7: {  	v22 =	vmul.f32 $1.442695020e+00, v22;
	(xrf1) =	vsort.ascd.msk.u32 $0xffff, v18, v27;
	v18 =	vpop (erf);
	(erf) = vpow2.f32 v9  }
0xd8: {  	(erf) = vpow2.f32 v23  }
0xd9: {  	(xrf1) =	vsort.ascd.msk.u32 $0xffff, v13, v18;
	v9 =	vpop (erf);
	(erf) = vpow2.f32 v22  }
0xda: {  	v8 =	vxor.u32 $0x80000000, v8  }
0xdb: {  	(xrf1) =	vsort.ascd.msk.u32 $0xffff, v8, v9  }
0xdc: {  	(xrf2) =	vadd.scan.msk.f32 $0xffff, v26  }
0xdd: {  	vm4 =	vmor vm5, vm0;
	v8, _, _ =	vpop (xrf2)  }
0xde: {  	vm5 =	vmand vm5, vm1;
	[tilespmem:v12+s5+$0x0] =	vst.idx.add.f32.msk vm2, v24;
	vm2 =	vne.s32 v19, v14;
	v7 =	vxor.u32 $0x80000000, v7;
	v12 =	vpop (erf)  }
0xdf: {  	[tilespmem:v21+s5+$0x0] =	vst.idx.add.f32.msk vm3, v28;
	v4 =	vxor.u32 $0x80000000, v4;
	vm3 =	vmor vm2, vm0;
	v13 =	vperm.xlane v15, v1;
	v21 =	vpop (erf)  }
0xe0: {  	s12 =	sadd.s32 $0x80, s22;
	v5 =	vxor.u32 $0x80000000, v5;
	(xrf2) =	vadd.scan.msk.f32 $0xffff, v20;
	v20 =	vpop (erf)  }
0xe1: {  	vm2 =	vmand vm2, vm1;
	[tilespmem:s12+$0x20] =	vst v18;
	vm6 =	vne.s32 v15, v13;
	(xrf1) =	vsort.ascd.msk.u32 $0xffff, v7, v12;
	v7 =	vpop (erf)  }
0xe2: {  	v23 =	vperm.xlane v11, v1;
	vm8 =	vmor vm6, vm0;
	v22 =	vsub.f32 $0.0e+00, v8;
	(xrf1) =	vsort.ascd.msk.u32 $0xffff, v4, v20;
	v4 =	vpop (erf)  }
0xe3: {  	v6 =	vxor.u32 $0x80000000, v6;
	vm6 =	vmand vm6, vm1;
	v24, _, _ =	vpop (xrf2);
	[tilespmem:v16+s5+$0x0] =	vst.idx.add.f32.msk vm4, v8;
	(xrf1) =	vsort.ascd.msk.u32 $0xffff, v5, v4  }
0xe4: {  	vm7 =	vne.s32 v11, v23;
	v8 =	vperm.xlane v10, v1;
	[tilespmem:v17+s5+$0x0] =	vst.idx.add.f32.msk vm5, v22;
	v5, _, _ =	vpop (xrf2)  }
0xe5: {  	vm4 =	vmor vm7, vm0;
	v16, v17, _ =	vpop (xrf1);
	[tilespmem:v19+s5+$0x0] =	vst.idx.add.f32.msk vm3, v5;
	v5 =	vsub.f32 $0.0e+00, v5;
	(xrf1) =	vsort.ascd.msk.u32 $0xffff, v6, v21  }
0xe6: {  	v3 =	vxor.u32 $0x80000000, v3;
	[tilespmem:s12+$0x0] =	vst v9;
	vm5 =	vne.s32 v10, v8;
	vm3 =	vmand vm7, vm1;
	v6, _, _ =	vpop (xrf2)  }
0xe7: {  	v18, v19, _ =	vpop (xrf1);
	[tilespmem:v14+s5+$0x0] =	vst.idx.add.f32.msk vm2, v5;
	vm2 =	vmor vm5, vm0;
	v5 =	vsub.f32 $0.0e+00, v6  }
0xe8: {  	(xrf2) =	vadd.scan.msk.f32 $0xffff, v19;
	[tilespmem:v15+s5+$0x0] =	vst.idx.add.f32.msk vm8, v6  }
0xe9: {  	(xrf1) =	vsort.ascd.msk.u32 $0xffff, v3, v7;
	vm5 =	vmand vm5, vm1;
	v3, v6, _ =	vpop (xrf1);
	[tilespmem:v13+s5+$0x0] =	vst.idx.add.f32.msk vm6, v5;
	v5 =	vxor.u32 $0x80000000, v18  }
0xea: {  	[tilespmem:s12+$0xFFFFFFF0] =	vst v12;
	(xrf2) =	vadd.scan.msk.f32 $0xffff, v6;
	v6 =	vsub.f32 $0.0e+00, v24;
	v9 =	vperm.xlane v5, v1  }
0xeb: {  	[tilespmem:v11+s5+$0x0] =	vst.idx.add.f32.msk vm4, v24  }
0xec: {  	v11, _, _ =	vpop (xrf2);
	v3 =	vxor.u32 $0x80000000, v3;
	(xrf2) =	vadd.scan.msk.f32 $0xffff, v17;
	[tilespmem:v23+s5+$0x0] =	vst.idx.add.f32.msk vm3, v6;
	vm3 =	vne.s32 v5, v9  }
0xed: {  	v12 =	vsub.f32 $0.0e+00, v11;
	v6 =	vperm.xlane v3, v1;
	[tilespmem:v10+s5+$0x0] =	vst.idx.add.f32.msk vm2, v11;
	vm2 =	vmor vm3, vm0  }
0xee: {  	[tilespmem:s12+$0x30] =	vst v27;
	v10 =	vxor.u32 $0x80000000, v16  }
0xef: {  	[tilespmem:v8+s5+$0x0] =	vst.idx.add.f32.msk vm5, v12;
	v8, v11, _ =	vpop (xrf1);
	vm4 =	vne.s32 v3, v6;
	v12 =	vperm.xlane v10, v1  }
0xf0: {  	[tilespmem:s12+$0xFFFFFFE0] =	vst v21;
	vm5 =	vmor vm4, vm0;
	(xrf2) =	vadd.scan.msk.f32 $0xffff, v11;
	v11, v13, _ =	vpop (xrf1)  }
0xf1: {  	[tilespmem:s12+$0xFFFFFFC0] =	vst v20;
	vm4 =	vmand vm4, vm1;
	vm6 =	vne.s32 v10, v12;
	(xrf2) =	vadd.scan.msk.f32 $0xffff, v13;
	v14, v15, _ =	vpop (xrf1)  }
0xf2: {  	vm3 =	vmand vm3, vm1;
	v8 =	vxor.u32 $0x80000000, v8;
	v13, _, _ =	vpop (xrf2);
	vm7 =	vmor vm6, vm0;
	(xrf2) =	vadd.scan.msk.f32 $0xffff, v15  }
0xf3: {  	v16 =	vperm.xlane v8, v1;
	[tilespmem:v5+s5+$0x0] =	vst.idx.add.f32.msk vm2, v13;
	v5 =	vsub.f32 $0.0e+00, v13;
	v13 =	vxor.u32 $0x80000000, v14;
	v14, v15, _ =	vpop (xrf1)  }
0xf4: {  	[tilespmem:s12+$0x10] =	vst v4;
	v11 =	vxor.u32 $0x80000000, v11;
	vm6 =	vmand vm6, vm1;
	v4, _, _ =	vpop (xrf2)  }
0xf5: {  	vm2 =	vne.s32 v8, v16;
	v18 =	vperm.xlane v13, v1;
	(xrf2) =	vadd.scan.msk.f32 $0xffff, v15;
	v17 =	vsub.f32 $0.0e+00, v4  }
0xf6: {  	vm14 =	vmor vm2, vm0;
	vm2 =	vmand vm2, vm1;
	v19, _, _ =	vpop (xrf2);
	[tilespmem:v3+s5+$0x0] =	vst.idx.add.f32.msk vm5, v4;
	v3 =	vxor.u32 $0x80000000, v14  }
0xf7: {  	v14, v15, _ =	vpop (xrf1);
	v4 =	vsub.f32 $0.0e+00, v19;
	[tilespmem:v6+s5+$0x0] =	vst.idx.add.f32.msk vm4, v17;
	v6 =	vperm.xlane v3, v1;
	vm4 =	vne.s32 v13, v18  }
0xf8: {  	(xrf2) =	vadd.scan.msk.f32 $0xffff, v15;
	[tilespmem:v10+s5+$0x0] =	vst.idx.add.f32.msk vm7, v19;
	v10 =	vperm.xlane v11, v1;
	vm5 =	vmor vm4, vm0  }
0xf9: {  	[tilespmem:v9+s5+$0x0] =	vst.idx.add.f32.msk vm3, v5;
	vm4 =	vmand vm4, vm1;
	vm3 =	vne.s32 v3, v6  }
0xfa: {  	v9 =	vxor.u32 $0x80000000, v14;
	[tilespmem:v12+s5+$0x0] =	vst.idx.add.f32.msk vm6, v4;
	v5, _, _ =	vpop (xrf2);
	vm6 =	vne.s32 v11, v10;
	vm7 =	vmor vm3, vm0  }
0xfb: {  	[tilespmem:s12+$0xFFFFFFD0] =	vst v7;
	v14 =	vperm.xlane v9, v1;
	v4 =	vsub.f32 $0.0e+00, v5;
	v12, _, _ =	vpop (xrf2);
	vm15 =	vmor vm6, vm0  }
0xfc: {  	[tilespmem:v8+s5+$0x0] =	vst.idx.add.f32.msk vm14, v5;
	vm3 =	vmand vm3, vm1;
	v5, _, _ =	vpop (xrf2)  }
0xfd: {  	[tilespmem:v16+s5+$0x0] =	vst.idx.add.f32.msk vm2, v4;
	vm2 =	vmand vm6, vm1;
	vm6 =	vne.s32 v9, v14;
	v4 =	vsub.f32 $0.0e+00, v5  }
0xfe: {  	[tilespmem:v13+s5+$0x0] =	vst.idx.add.f32.msk vm5, v5;
	vm5 =	vmor vm6, vm0  }
0xff: {  	v5, _, _ =	vpop (xrf2);
	[tilespmem:v18+s5+$0x0] =	vst.idx.add.f32.msk vm4, v4;
	vm4 =	vmand vm6, vm1  }
0x100: {  	v4 =	vsub.f32 $0.0e+00, v5;
	[tilespmem:v3+s5+$0x0] =	vst.idx.add.f32.msk vm7, v5  }
0x101: {  	[tilespmem:v11+s5+$0x0] =	vst.idx.add.f32.msk vm15, v12;
	v3 =	vsub.f32 $0.0e+00, v12  }
0x102: {  	s0 =	sshll.u32 s15, $0xF;
	v5, _, _ =	vpop (xrf2);
	[tilespmem:v6+s5+$0x0] =	vst.idx.add.f32.msk vm3, v4  }
0x103: {  	s0 =	sadd.s32 s13, s0;
	v4 =	vsub.f32 $0.0e+00, v5;
	[tilespmem:v10+s5+$0x0] =	vst.idx.add.f32.msk vm2, v3  }
0x104: {  	s0 =	sshrl.u32 s0, $0x3;
	[tilespmem:v9+s5+$0x0] =	vst.idx.add.f32.msk vm5, v5  }
0x105: {  	p1 =	seq.s32 s15, $0x14;
	s0 =	sadd.s32 s8, s0;
	[tilespmem:v14+s5+$0x0] =	vst.idx.add.f32.msk vm4, v4  }
0x106: {  	[hbm4b:s0+s31] =	stream.strided.scatter [tilespmem:s14], [sflag:$0x3], $0x800, s1, s31, $0x38;
	[tilespmem:$0x115C0] =	vst v63  }
0x107: {  	s0 =	sadd.s32 @!p1 s24, s16  }
0x108: {  	s0 =	sshrl.u32 @!p1 s0, $0x3  }
0x109: {  	s21 =	simm.s32 @!p1 $0x0;
	s22 =	simm.s32 @!p1 $0x9E00;
	s12 =	sadd.s32 @!p1 s2, s0  }
0x10a: {  	[tilespmem:s22], [sflag:$0x1] =	stream.linear.gather @!p1 [hbm4b:s12+s21], $0x800, $0x38;
	[tilespmem:$0x115C0] =	vst v63  }
0x10b: {  	s0 =	sadd.s32 @!p1 s6, s0;
	s12 =	simm.s32 @!p1 $0xAE00  }
0x10c: {  	[tilespmem:s12], [sflag:$0x1] =	stream.linear.gather @!p1 [hbm4b:s0+s21], $0x800, $0x38;
	[tilespmem:$0x115C0] =	vst v63  }
0x10d: {  	_ =	swait.ge [sflag:s19], $0x800  }
0x10e: {  	[sflag:s19] =	ssyncset.done $0x0  }
0x10f: {  	[sflag:s19] =	ssyncadd.s32 $0xFFFFF800  }
0x110: {  	_ =	swait.ge [sflag:s19], $0x800  }
0x111: {  	[sflag:s19] =	ssyncset.done $0x0  }
0x112: {  	s0 =	simm.s32 @!p0 $0x4;
	[sflag:s19] =	ssyncadd.s32 $0xFFFFF800  }
0x113: {  	_ =	swait.ge @!p0 [sflag:s0], $0x800  }
0x114: {  	[sflag:s0] =	ssyncset.done @!p0 $0x0  }
0x115: {  	s21 =	simm.s32 $0xB640;
	[sflag:s0] =	ssyncadd.s32 @!p0 $0xFFFFF800  }
0x116: {  	v7 =	vld [tilespmem:s21+$0xFFFFFFC0]  }
0x117: {  	s22 =	simm.s32 $0xA640;
	v3 =	vld [tilespmem:s21+$0x30]  }
0x118: {  	v4 =	vld [tilespmem:s22+$0x30]  }
0x119: {  	v8 =	vld [tilespmem:s21+$0x10]  }
0x11a: {  	v5 =	vld [tilespmem:s21+$0x20]  }
0x11b: {  	v6 =	vld [tilespmem:s22+$0x20]  }
0x11c: {  	v10 =	vld [tilespmem:s21+$0xFFFFFFD0]  }
0x11d: {  	v11 =	vld [tilespmem:s22+$0xFFFFFFC0]  }
0x11e: {  	v13 =	vld [tilespmem:s21+$0x0]  }
0x11f: {  	v14 =	vld [tilespmem:s22+$0x0]  }
0x120: {  	v12 =	vld.idx.msk [tilespmem:v3+s4+$0x0], $0xffff  }
0x121: {  	v4 =	vld.idx.msk [tilespmem:v4+s3+$0x0], $0xffff  }
0x122: {  	v15 =	vld.idx.msk [tilespmem:v5+s4+$0x0], $0xffff  }
0x123: {  	v6 =	vld.idx.msk [tilespmem:v6+s3+$0x0], $0xffff  }
0x124: {  	v16 =	vld [tilespmem:s22+$0xFFFFFFF0]  }
0x125: {  	v9 =	vld [tilespmem:s22+$0xFFFFFFD0]  }
0x126: {  	v17 =	vld [tilespmem:s21+$0xFFFFFFE0];
	v4 =	vadd.f32 v12, v4  }
0x127: {  	v12 =	vld [tilespmem:s21+$0xFFFFFFF0]  }
0x128: {  	v18 =	vld [tilespmem:s22+$0xFFFFFFE0];
	v6 =	vadd.f32 v15, v6;
	v19 =	vmul.f32 $1.000000010e-01, v4  }
0x129: {  	v11 =	vld.idx.msk [tilespmem:v11+s3+$0x0], $0xffff  }
0x12a: {  	v20 =	vld.idx.msk [tilespmem:v13+s4+$0x0], $0xffff;
	v4 =	vmax.f32 v4, v19;
	v19 =	vmul.f32 $1.000000010e-01, v6  }
0x12b: {  	v14 =	vld.idx.msk [tilespmem:v14+s3+$0x0], $0xffff;
	v4 =	vsub.f32 v4, v2  }
0x12c: {  	v16 =	vld.idx.msk [tilespmem:v16+s3+$0x0], $0xffff;
	v6 =	vmax.f32 v6, v19  }
0x12d: {  	v15 =	vld [tilespmem:s22+$0x10];
	v4 =	vmul.f32 $1.442695020e+00, v4;
	v6 =	vsub.f32 v6, v2  }
0x12e: {  	v19 =	vld.idx.msk [tilespmem:v17+s4+$0x0], $0xffff  }
0x12f: {  	v22 =	vld.idx.msk [tilespmem:v12+s4+$0x0], $0xffff;
	(erf) = vpow2.f32 v4;
	v4 =	vmul.f32 $1.442695020e+00, v6  }
0x130: {  	v14 =	vadd.f32 v20, v14;
	v6 =	vld.idx.msk [tilespmem:v18+s3+$0x0], $0xffff  }
0x131: {  	v9 =	vld.idx.msk [tilespmem:v9+s3+$0x0], $0xffff;
	(erf) = vpow2.f32 v4  }
0x132: {  	v18 =	vmul.f32 $1.000000010e-01, v14;
	v4 =	vld.idx.msk [tilespmem:v7+s4+$0x0], $0xffff  }
0x133: {  	v20 =	vld.idx.msk [tilespmem:v10+s4+$0x0], $0xffff  }
0x134: {  	v21 =	vld.idx.msk [tilespmem:v8+s4+$0x0], $0xffff;
	v14 =	vmax.f32 v14, v18;
	v16 =	vadd.f32 v22, v16  }
0x135: {  	v15 =	vld.idx.msk [tilespmem:v15+s3+$0x0], $0xffff;
	v14 =	vsub.f32 v14, v2;
	v6 =	vadd.f32 v19, v6  }
0x136: {  	v5 =	vxor.u32 $0x80000000, v5;
	v18 =	vmul.f32 $1.000000010e-01, v16  }
0x137: {  	v4 =	vadd.f32 v4, v11;
	v11 =	vmul.f32 $1.442695020e+00, v14;
	v19 =	vmul.f32 $1.000000010e-01, v6  }
0x138: {  	v3 =	vxor.u32 $0x80000000, v3;
	v9 =	vadd.f32 v20, v9;
	v16 =	vmax.f32 v16, v18  }
0x139: {  	v14 =	vpop (erf);
	v16 =	vsub.f32 v16, v2;
	(erf) = vpow2.f32 v11;
	v6 =	vmax.f32 v6, v19  }
0x13a: {  	v15 =	vadd.f32 v21, v15;
	(xrf1) =	vsort.ascd.msk.u32 $0xffff, v3, v14;
	v3 =	vmul.f32 $1.000000010e-01, v4;
	v6 =	vsub.f32 v6, v2;
	v18 =	vpop (erf)  }
0x13b: {  	v11 =	vmul.f32 $1.000000010e-01, v9;
	v16 =	vmul.f32 $1.442695020e+00, v16;
	(xrf1) =	vsort.ascd.msk.u32 $0xffff, v5, v18  }
0x13c: {  	s12 =	simm.s32 $0xA6C0;
	v3 =	vmax.f32 v4, v3;
	v5 =	vmul.f32 $1.000000010e-01, v15;
	v6 =	vmul.f32 $1.442695020e+00, v6  }
0x13d: {  	v27 =	vld [tilespmem:s12+$0x20];
	v9 =	vmax.f32 v9, v11;
	(erf) = vpow2.f32 v16;
	v3 =	vsub.f32 v3, v2  }
0x13e: {  	v30 =	vld [tilespmem:s12+$0x10];
	v9 =	vsub.f32 v9, v2;
	v11 =	vmax.f32 v15, v5;
	(erf) = vpow2.f32 v6  }
0x13f: {  	v59 =	vld [tilespmem:s12+$0x0];
	v11 =	vsub.f32 v11, v2;
	v6 =	vmul.f32 $1.442695020e+00, v3  }
0x140: {  	v19 =	vld [tilespmem:s12+$0x30];
	v9 =	vmul.f32 $1.442695020e+00, v9  }
0x141: {  	s23 =	simm.s32 $0xB6C0;
	v16 =	vld [tilespmem:s12+$0xFFFFFFC0];
	v11 =	vmul.f32 $1.442695020e+00, v11;
	(erf) = vpow2.f32 v6  }
0x142: {  	v15 =	vld [tilespmem:s23+$0x30];
	v6 =	vxor.u32 $0x80000000, v13;
	(erf) = vpow2.f32 v9;
	v13 =	vpop (erf)  }
0x143: {  	v60 =	vld [tilespmem:s12+$0xFFFFFFE0];
	(xrf1) =	vsort.ascd.msk.u32 $0xffff, v6, v13;
	(erf) = vpow2.f32 v11  }
0x144: {  	v20 =	vld [tilespmem:s23+$0x20]  }
0x145: {  	v21 =	vld [tilespmem:s12+$0xFFFFFFF0]  }
0x146: {  	v4 =	vld [tilespmem:s23+$0xFFFFFFC0];
	v23 =	vpop (erf)  }
0x147: {  	v5 =	vld [tilespmem:s23+$0x10];
	v26 =	vpop (erf)  }
0x148: {  	v12 =	vxor.u32 $0x80000000, v12;
	v19 =	vld.idx.msk [tilespmem:v19+s3+$0x0], $0xffff;
	v24, v25, _ =	vpop (xrf1)  }
0x149: {  	v9 =	vld.idx.msk [tilespmem:v16+s3+$0x0], $0xffff;
	(xrf1) =	vsort.ascd.msk.u32 $0xffff, v12, v23;
	v28, v29, _ =	vpop (xrf1)  }
0x14a: {  	v22 =	vld.idx.msk [tilespmem:v15+s4+$0x0], $0xffff;
	v16 =	vpop (erf)  }
0x14b: {  	v7 =	vxor.u32 $0x80000000, v7;
	v3 =	vld [tilespmem:s23+$0xFFFFFFD0];
	(xrf2) =	vadd.scan.msk.f32 $0xffff, v29;
	v29 =	vpop (erf)  }
0x14c: {  	v12 =	vxor.u32 $0x80000000, v8;
	v8 =	vld [tilespmem:s23+$0x0];
	(xrf1) =	vsort.ascd.msk.u32 $0xffff, v7, v16;
	v31 =	vpop (erf)  }
0x14d: {  	v6 =	vld [tilespmem:s23+$0xFFFFFFE0];
	v28 =	vxor.u32 $0x80000000, v28;
	(xrf1) =	vsort.ascd.msk.u32 $0xffff, v12, v31  }
0x14e: {  	v17 =	vxor.u32 $0x80000000, v17;
	v11 =	vld [tilespmem:s12+$0xFFFFFFD0];
	v12 =	vperm.xlane v28, v1  }
0x14f: {  	v7 =	vld [tilespmem:s23+$0xFFFFFFF0];
	v19 =	vadd.f32 v22, v19;
	(xrf1) =	vsort.ascd.msk.u32 $0xffff, v17, v26  }
0x150: {  	v10 =	vxor.u32 $0x80000000, v10;
	s22 =	simm.s32 $0xD640;
	v17 =	vld.idx.msk [tilespmem:v20+s4+$0x0], $0xffff;
	vm2 =	vne.s32 v28, v12  }
0x151: {  	[tilespmem:s22+$0x30] =	vst v14;
	v14 =	vmul.f32 $1.000000010e-01, v19;
	(xrf1) =	vsort.ascd.msk.u32 $0xffff, v10, v29;
	v10 =	vld.idx.msk [tilespmem:v27+s3+$0x0], $0xffff;
	vm3 =	vmor vm2, vm0;
	v27, v22, _ =	vpop (xrf1)  }
0x152: {  	[tilespmem:s22+$0xFFFFFFF0] =	vst v23;
	v23 =	vld.idx.msk [tilespmem:v21+s3+$0x0], $0xffff;
	(xrf2) =	vadd.scan.msk.f32 $0xffff, v22  }
0x153: {  	[tilespmem:s22+$0x0] =	vst v13;
	v13 =	vxor.u32 $0x80000000, v20;
	v20 =	vld.idx.msk [tilespmem:v59+s3+$0x0], $0xffff;
	v14 =	vmax.f32 v19, v14  }
0x154: {  	v62 =	vld.idx.msk [tilespmem:v8+s4+$0x0], $0xffff;
	v14 =	vsub.f32 v14, v2;
	v36 =	vxor.u32 $0x80000000, v27;
	(xrf2) =	vadd.scan.msk.f32 $0xffff, v25  }
0x155: {  	[tilespmem:s22+$0x20] =	vst v18;
	v38 =	vxor.u32 $0x80000000, v24;
	v61 =	vld.idx.msk [tilespmem:v6+s4+$0x0], $0xffff;
	v37 =	vperm.xlane v36, v1  }
0x156: {  	v21 =	vperm.xlane v38, v1;
	[tilespmem:s22+$0x10] =	vst v31;
	v31 =	vld.idx.msk [tilespmem:v60+s3+$0x0], $0xffff;
	v14 =	vmul.f32 $1.442695020e+00, v14;
	v10 =	vadd.f32 v17, v10;
	v19, _, _ =	vpop (xrf2)  }
0x157: {  	v18 =	vxor.u32 $0x80000000, v15;
	vm2 =	vmand vm2, vm1;
	vm4 =	vne.s32 v36, v37;
	v15, v17, _ =	vpop (xrf1);
	[tilespmem:v28+s5+$0x0] =	vst.idx.add.f32.msk vm3, v19  }
0x158: {  	v32 =	vld.idx.msk [tilespmem:v3+s4+$0x0], $0xffff;
	vm5 =	vmor vm4, vm0;
	v24 =	vmul.f32 $1.000000010e-01, v10;
	vm3 =	vne.s32 v38, v21;
	(xrf2) =	vadd.scan.msk.f32 $0xffff, v17  }
0x159: {  	[tilespmem:s22+$0xFFFFFFC0] =	vst v16;
	(erf) = vpow2.f32 v14;
	v34 =	vadd.f32 v62, v20;
	v28 =	vld.idx.msk [tilespmem:v7+s4+$0x0], $0xffff;
	vm6 =	vmor vm3, vm0  }
0x15a: {  	[tilespmem:s22+$0xFFFFFFD0] =	vst v29;
	v29 =	vld.idx.msk [tilespmem:v4+s4+$0x0], $0xffff;
	v16 =	vxor.u32 $0x80000000, v15;
	vm4 =	vmand vm4, vm1;
	v10 =	vmax.f32 v10, v24;
	v14, v15, _ =	vpop (xrf1)  }
0x15b: {  	[tilespmem:s22+$0xFFFFFFE0] =	vst v26;
	v22 =	vld.idx.msk [tilespmem:v5+s4+$0x0], $0xffff;
	v31 =	vadd.f32 v61, v31;
	v35 =	vmul.f32 $1.000000010e-01, v34;
	v10 =	vsub.f32 v10, v2;
	v26, v63, _ =	vpop (xrf1)  }
0x15c: {  	v27 =	vld.idx.msk [tilespmem:v30+s3+$0x0], $0xffff;
	vm3 =	vmand vm3, vm1;
	v17 =	vperm.xlane v16, v1;
	v24 =	vsub.f32 $0.0e+00, v19;
	(xrf2) =	vadd.scan.msk.f32 $0xffff, v15;
	v30, _, _ =	vpop (xrf2)  }
0x15d: {  	v25 =	vld.idx.msk [tilespmem:v11+s3+$0x0], $0xffff;
	v11 =	vxor.u32 $0x80000000, v14;
	v40 =	vmul.f32 $1.442695020e+00, v10;
	v19 =	vxor.u32 $0x80000000, v26;
	(xrf2) =	vadd.scan.msk.f32 $0xffff, v63;
	v15, v26, _ =	vpop (xrf1)  }
0x15e: {  	v39 =	vsub.f32 $0.0e+00, v30;
	[tilespmem:v36+s5+$0x0] =	vst.idx.add.f32.msk vm5, v30;
	v14 =	vperm.xlane v19, v1;
	v30 =	vadd.f32 v28, v23;
	v23, _, _ =	vpop (xrf2)  }
0x15f: {  	(erf) = vpow2.f32 v40;
	vm5 =	vne.s32 v16, v17;
	v10, v20, _ =	vpop (xrf1);
	v15 =	vxor.u32 $0x80000000, v15;
	[tilespmem:v38+s5+$0x0] =	vst.idx.add.f32.msk vm6, v23  }
0x160: {  	s21 =	simm.s32 $0x8;
	s23 =	simm.s32 $0xB740;
	v28 =	vsub.f32 $0.0e+00, v23;
	v10 =	vxor.u32 $0x80000000, v10;
	[tilespmem:v37+s5+$0x0] =	vst.idx.add.f32.msk vm4, v39;
	v33 =	vmul.f32 $1.000000010e-01, v30  }
.LBB2_5:
0x161: {  	v34 =	vmax.f32 v34, v35  }
0x162: {  	v23 =	vld [tilespmem:s23+$0xFFFFFFC0];
	s21 =	sadd.s32 $0x8, s21;
	v27 =	vadd.f32 v22, v27;
	vm4 =	vmand vm5, vm1;
	s22 =	sadd.s32 $0x80, s22;
	(xrf2) =	vadd.scan.msk.f32 $0xffff, v26;
	v26, _, _ =	vpop (xrf2);
	v36 =	vperm.xlane v15, v1  }
0x163: {  	vm6 =	vmor vm5, vm0;
	v9 =	vadd.f32 v29, v9;
	p0 =	slt.u32 s21, $0x78;
	v35 =	vpop (erf);
	v37 =	vsub.f32 $0.0e+00, v26;
	[tilespmem:v12+s5+$0x0] =	vst.idx.add.f32.msk vm2, v24  }
0x164: {  	vm5 =	vne.s32 v19, v14;
	v12 =	vmul.f32 $1.000000010e-01, v31;
	v29 =	vmax.f32 v30, v33;
	[tilespmem:v21+s5+$0x0] =	vst.idx.add.f32.msk vm3, v28  }
0x165: {  	v25 =	vadd.f32 v32, v25;
	v21 =	vsub.f32 v34, v2;
	vm3 =	vne.s32 v15, v36;
	v24 =	vld [tilespmem:s23+$0x10];
	[tilespmem:s22+$0x30] =	vst v35  }
0x166: {  	s12 =	sadd.s32 $0x80, s12;
	v30 =	vperm.xlane v11, v1;
	vm7 =	vmor vm5, vm0;
	v28 =	vmul.f32 $1.000000010e-01, v9;
	v22 =	vld [tilespmem:s23+$0xFFFFFFD0];
	v32, _, _ =	vpop (xrf2);
	(xrf2) =	vadd.scan.msk.f32 $0xffff, v20  }
0x167: {  	v29 =	vsub.f32 v29, v2;
	v12 =	vmax.f32 v31, v12;
	v31 =	vmul.f32 $1.442695020e+00, v21;
	v20 =	vld [tilespmem:s12+$0xFFFFFFD0]  }
0x168: {  	v34 =	vmul.f32 $1.000000010e-01, v27;
	v9 =	vmax.f32 v9, v28;
	v28 =	vmul.f32 $1.000000010e-01, v25;
	v21 =	vld [tilespmem:s23+$0x20];
	(xrf1) =	vsort.ascd.msk.u32 $0xffff, v18, v35  }
0x169: {  	v12 =	vsub.f32 v12, v2;
	v18 =	vld [tilespmem:s23+$0x30];
	(erf) = vpow2.f32 v31;
	v31 =	vperm.xlane v10, v1;
	v33, _, _ =	vpop (xrf2)  }
0x16a: {  	vm8 =	vne.s32 v11, v30;
	vm2 =	vmand vm3, vm1;
	v29 =	vmul.f32 $1.442695020e+00, v29;
	v35 =	vpop (erf);
	[tilespmem:v16+s5+$0x0] =	vst.idx.add.f32.msk vm6, v26  }
0x16b: {  	v25 =	vmax.f32 v25, v28;
	v12 =	vmul.f32 $1.442695020e+00, v12;
	vm6 =	vmand vm5, vm1;
	v16 =	vld [tilespmem:s12+$0xFFFFFFC0];
	(xrf1) =	vsort.ascd.msk.u32 $0xffff, v13, v35  }
0x16c: {  	v13 =	vsub.f32 v25, v2;
	v25 =	vmax.f32 v27, v34;
	(erf) = vpow2.f32 v29;
	[tilespmem:v17+s5+$0x0] =	vst.idx.add.f32.msk vm4, v37;
	v17, _, _ =	vpop (xrf2)  }
0x16d: {  	v9 =	vsub.f32 v9, v2;
	vm5 =	vmor vm3, vm0;
	v25 =	vsub.f32 v25, v2;
	[tilespmem:v19+s5+$0x0] =	vst.idx.add.f32.msk vm7, v33  }
0x16e: {  	vm7 =	vmor vm8, vm0;
	v13 =	vmul.f32 $1.442695020e+00, v13;
	v19 =	vld [tilespmem:s12+$0xFFFFFFF0];
	[tilespmem:s22+$0x20] =	vst v35;
	(erf) = vpow2.f32 v12  }
0x16f: {  	v9 =	vmul.f32 $1.442695020e+00, v9;
	v26 =	vsub.f32 $0.0e+00, v33;
	v12 =	vld [tilespmem:s12+$0x30]  }
0x170: {  	vm3 =	vmand vm8, vm1;
	vm8 =	vne.s32 v10, v31;
	v25 =	vmul.f32 $1.442695020e+00, v25;
	v27 =	vld [tilespmem:s23+$0xFFFFFFE0];
	v28, _, _ =	vpop (xrf2)  }
0x171: {  	vm4 =	vmor vm8, vm0;
	v29 =	vld.idx.msk [tilespmem:v18+s4+$0x0], $0xffff;
	(erf) = vpow2.f32 v9  }
0x172: {  	v8 =	vxor.u32 $0x80000000, v8;
	v9 =	vsub.f32 $0.0e+00, v17;
	(erf) = vpow2.f32 v13;
	v13 =	vpop (erf);
	[tilespmem:v14+s5+$0x0] =	vst.idx.add.f32.msk vm6, v26  }
0x173: {  	vm6 =	vmand vm8, vm1;
	(xrf1) =	vsort.ascd.msk.u32 $0xffff, v8, v13;
	(erf) = vpow2.f32 v25;
	[tilespmem:v15+s5+$0x0] =	vst.idx.add.f32.msk vm5, v17  }
0x174: {  	v8 =	vsub.f32 $0.0e+00, v32;
	[tilespmem:v11+s5+$0x0] =	vst.idx.add.f32.msk vm7, v32  }
0x175: {  	v11 =	vpop (erf);
	[tilespmem:v36+s5+$0x0] =	vst.idx.add.f32.msk vm2, v9  }
0x176: {  	v7 =	vxor.u32 $0x80000000, v7;
	v15 =	vsub.f32 $0.0e+00, v28;
	v9 =	vld.idx.msk [tilespmem:v16+s3+$0x0], $0xffff;
	[tilespmem:s22+$0x0] =	vst v13;
	v14, v13, _ =	vpop (xrf1)  }
0x177: {  	v16 =	vld [tilespmem:s12+$0x20];
	[tilespmem:s22+$0xFFFFFFF0] =	vst v11;
	v17 =	vpop (erf);
	(xrf1) =	vsort.ascd.msk.u32 $0xffff, v7, v11  }
0x178: {  	[tilespmem:v30+s5+$0x0] =	vst.idx.add.f32.msk vm3, v8  }
0x179: {  	v7, v8, _ =	vpop (xrf1);
	[tilespmem:v10+s5+$0x0] =	vst.idx.add.f32.msk vm4, v28  }
0x17a: {  	v10 =	vpop (erf);
	(xrf2) =	vadd.scan.msk.f32 $0xffff, v8;
	[tilespmem:v31+s5+$0x0] =	vst.idx.add.f32.msk vm6, v15  }
0x17b: {  	v8 =	vxor.u32 $0x80000000, v4;
	v4 =	vmov v23;
	v11 =	vld.idx.msk [tilespmem:v12+s3+$0x0], $0xffff;
	[tilespmem:s22+$0xFFFFFFC0] =	vst v10;
	v15 =	vpop (erf)  }
0x17c: {  	v12 =	vxor.u32 $0x80000000, v5;
	v5 =	vmov v24;
	v23 =	vld [tilespmem:s12+$0x10];
	[tilespmem:s22+$0xFFFFFFE0] =	vst v17;
	(xrf1) =	vsort.ascd.msk.u32 $0xffff, v8, v10;
	v10 =	vpop (erf)  }
0x17d: {  	v24 =	vxor.u32 $0x80000000, v7;
	v8 =	vld [tilespmem:s23+$0x0];
	[tilespmem:s22+$0x10] =	vst v10;
	(xrf1) =	vsort.ascd.msk.u32 $0xffff, v12, v10  }
0x17e: {  	v25 =	vxor.u32 $0x80000000, v6;
	v6 =	vmov v27;
	v12 =	vperm.xlane v24, v1;
	v10 =	vld [tilespmem:s12+$0x0];
	[tilespmem:s22+$0xFFFFFFD0] =	vst v15  }
0x17f: {  	v26 =	vxor.u32 $0x80000000, v3;
	v3 =	vmov v22;
	v7 =	vld [tilespmem:s23+$0xFFFFFFF0];
	(xrf1) =	vsort.ascd.msk.u32 $0xffff, v25, v17  }
0x180: {  	vm2 =	vne.s32 v24, v12;
	v17 =	vld.idx.msk [tilespmem:v21+s4+$0x0], $0xffff;
	(xrf1) =	vsort.ascd.msk.u32 $0xffff, v26, v15  }
0x181: {  	v11 =	vadd.f32 v29, v11;
	vm3 =	vmor vm2, vm0;
	v15 =	vld.idx.msk [tilespmem:v16+s3+$0x0], $0xffff;
	v16, v22, _ =	vpop (xrf1)  }
0x182: {  	v25 =	vld [tilespmem:s12+$0xFFFFFFE0];
	(xrf2) =	vadd.scan.msk.f32 $0xffff, v22  }
0x183: {  	v32 =	vmul.f32 $1.000000010e-01, v11;
	v22 =	vld.idx.msk [tilespmem:v5+s4+$0x0], $0xffff  }
0x184: {  	v30 =	vxor.u32 $0x80000000, v16;
	v28 =	vld.idx.msk [tilespmem:v27+s4+$0x0], $0xffff;
	v29, _, _ =	vpop (xrf2)  }
0x185: {  	v33 =	vperm.xlane v30, v1;
	v11 =	vmax.f32 v11, v32;
	v31 =	vld.idx.msk [tilespmem:v8+s4+$0x0], $0xffff;
	v16, v26, _ =	vpop (xrf1);
	(xrf2) =	vadd.scan.msk.f32 $0xffff, v13  }
0x186: {  	v18 =	vxor.u32 $0x80000000, v18;
	v13 =	vxor.u32 $0x80000000, v21;
	v11 =	vsub.f32 v11, v2;
	v35 =	vld.idx.msk [tilespmem:v19+s3+$0x0], $0xffff  }
0x187: {  	v36 =	vxor.u32 $0x80000000, v14;
	vm4 =	vne.s32 v30, v33;
	v15 =	vadd.f32 v17, v15;
	[tilespmem:v24+s5+$0x0] =	vst.idx.add.f32.msk vm3, v29  }
0x188: {  	v21 =	vperm.xlane v36, v1;
	vm5 =	vmor vm4, vm0;
	v17 =	vmul.f32 $1.442695020e+00, v11;
	v10 =	vld.idx.msk [tilespmem:v10+s3+$0x0], $0xffff;
	(xrf2) =	vadd.scan.msk.f32 $0xffff, v26  }
0x189: {  	v16 =	vxor.u32 $0x80000000, v16;
	vm4 =	vmand vm4, vm1;
	v14 =	vmul.f32 $1.000000010e-01, v15;
	v37 =	vld.idx.msk [tilespmem:v7+s4+$0x0], $0xffff  }
0x18a: {  	vm2 =	vmand vm2, vm1;
	vm3 =	vne.s32 v36, v21;
	v38 =	vld.idx.msk [tilespmem:v25+s3+$0x0], $0xffff;
	(erf) = vpow2.f32 v17;
	v11, v19, _ =	vpop (xrf1)  }
0x18b: {  	vm6 =	vmor vm3, vm0;
	vm3 =	vmand vm3, vm1;
	v14 =	vmax.f32 v15, v14;
	v27 =	vld.idx.msk [tilespmem:v23+s3+$0x0], $0xffff;
	v15, v23, _ =	vpop (xrf1)  }
0x18c: {  	v24 =	vsub.f32 $0.0e+00, v29;
	v17 =	vperm.xlane v16, v1;
	v14 =	vsub.f32 v14, v2;
	v25 =	vld.idx.msk [tilespmem:v20+s3+$0x0], $0xffff;
	(xrf2) =	vadd.scan.msk.f32 $0xffff, v19;
	v20, _, _ =	vpop (xrf2)  }
.Ltmp3:
0x18d: {  	v11 =	vxor.u32 $0x80000000, v11;
	v19 =	vxor.u32 $0x80000000, v15;
	v29 =	vld.idx.msk [tilespmem:v4+s4+$0x0], $0xffff;
	v39 =	vsub.f32 $0.0e+00, v20;
	v15, v26, _ =	vpop (xrf1);
	(pc) =	sbr.rel @p0 .LBB2_5-.Ltmp3, $4  }
0x18e: {  	v34 =	vadd.f32 v31, v10;
	v40 =	vmul.f32 $1.442695020e+00, v14;
	v14 =	vperm.xlane v19, v1;
	[tilespmem:v30+s5+$0x0] =	vst.idx.add.f32.msk vm5, v20;
	v10, v20, _ =	vpop (xrf1)  }
0x18f: {  	v30 =	vadd.f32 v37, v35;
	v15 =	vxor.u32 $0x80000000, v15;
	v32 =	vld.idx.msk [tilespmem:v3+s4+$0x0], $0xffff;
	v10 =	vxor.u32 $0x80000000, v10;
	(xrf2) =	vadd.scan.msk.f32 $0xffff, v23;
	v23, _, _ =	vpop (xrf2)  }
0x190: {  	v31 =	vadd.f32 v28, v38;
	v35 =	vmul.f32 $1.000000010e-01, v34;
	[tilespmem:v33+s5+$0x0] =	vst.idx.add.f32.msk vm4, v39;
	v28 =	vsub.f32 $0.0e+00, v23  }
0x191: {  	s23 =	sadd.s32 $0x80, s23;
	vm5 =	vne.s32 v16, v17;
	v33 =	vmul.f32 $1.000000010e-01, v30;
	(erf) = vpow2.f32 v40;
	[tilespmem:v36+s5+$0x0] =	vst.idx.add.f32.msk vm6, v23  }
0x192: {  	v23 =	vmax.f32 v34, v35  }
0x193: {  	v23 =	vsub.f32 v23, v2;
	_ =	sdelay $0x1  }
0x194: {  	v9 =	vadd.f32 v29, v9;
	v23 =	vmul.f32 $1.442695020e+00, v23  }
0x195: {  	v22 =	vadd.f32 v22, v27;
	v40 =	vmul.f32 $1.000000010e-01, v31;
	v25 =	vadd.f32 v32, v25  }
0x196: {  	v30 =	vmax.f32 v30, v33;
	v29 =	vmul.f32 $1.000000010e-01, v9;
	(erf) = vpow2.f32 v23  }
0x197: {  	v41 =	vmax.f32 v31, v40;
	v30 =	vsub.f32 v30, v2;
	v42 =	vmul.f32 $1.000000010e-01, v25  }
0x198: {  	v43 =	vmul.f32 $1.000000010e-01, v22;
	v9 =	vmax.f32 v9, v29;
	v23 =	vsub.f32 v41, v2  }
0x199: {  	v30 =	vmul.f32 $1.442695020e+00, v30;
	v9 =	vsub.f32 v9, v2;
	v25 =	vmax.f32 v25, v42  }
0x19a: {  	v22 =	vmax.f32 v22, v43;
	v23 =	vmul.f32 $1.442695020e+00, v23;
	v25 =	vsub.f32 v25, v2  }
0x19b: {  	v44 =	vpop (erf);
	v22 =	vsub.f32 v22, v2;
	(erf) = vpow2.f32 v30;
	v9 =	vmul.f32 $1.442695020e+00, v9  }
0x19c: {  	(xrf1) =	vsort.ascd.msk.u32 $0xffff, v18, v44;
	v46 =	vpop (erf);
	(erf) = vpow2.f32 v23;
	v45 =	vmul.f32 $1.442695020e+00, v25  }
0x19d: {  	v22 =	vmul.f32 $1.442695020e+00, v22;
	(xrf1) =	vsort.ascd.msk.u32 $0xffff, v13, v46;
	(erf) = vpow2.f32 v9  }
0x19e: {  	(erf) = vpow2.f32 v45  }
0x19f: {  	v8 =	vxor.u32 $0x80000000, v8;
	v47 =	vpop (erf);
	(erf) = vpow2.f32 v22  }
0x1a0: {  	(xrf1) =	vsort.ascd.msk.u32 $0xffff, v8, v47;
	_ =	sdelay $0x1  }
0x1a1: {  	v48, _, _ =	vpop (xrf2)  }
0x1a2: {  	(xrf2) =	vadd.scan.msk.f32 $0xffff, v26;
	vm4 =	vmor vm5, vm0;
	v56, _, _ =	vpop (xrf2)  }
0x1a3: {  	vm15 =	vmand vm5, vm1;
	[tilespmem:v12+s5+$0x0] =	vst.idx.add.f32.msk vm2, v24;
	vm2 =	vne.s32 v19, v14;
	v7 =	vxor.u32 $0x80000000, v7;
	v49 =	vpop (erf)  }
0x1a4: {  	[tilespmem:v21+s5+$0x0] =	vst.idx.add.f32.msk vm3, v28;
	v53 =	vperm.xlane v11, v1;
	vm3 =	vmor vm2, vm0;
	(xrf1) =	vsort.ascd.msk.u32 $0xffff, v7, v49;
	v52 =	vpop (erf)  }
0x1a5: {  	v50 =	vperm.xlane v15, v1;
	v4 =	vxor.u32 $0x80000000, v4;
	(xrf2) =	vadd.scan.msk.f32 $0xffff, v20;
	vm2 =	vmand vm2, vm1;
	v54 =	vpop (erf)  }
0x1a6: {  	s12 =	sadd.s32 $0x80, s22;
	v5 =	vxor.u32 $0x80000000, v5;
	v58 =	vperm.xlane v10, v1;
	vm7 =	vne.s32 v11, v53;
	v7 =	vpop (erf);
	(xrf1) =	vsort.ascd.msk.u32 $0xffff, v4, v54  }
0x1a7: {  	v51 =	vsub.f32 $0.0e+00, v48;
	[tilespmem:s12+$0x30] =	vst v44;
	vm6 =	vne.s32 v15, v50;
	vm10 =	vmor vm7, vm0;
	v55 =	vpop (erf)  }
0x1a8: {  	v6 =	vxor.u32 $0x80000000, v6;
	vm8 =	vmor vm6, vm0;
	[tilespmem:v16+s5+$0x0] =	vst.idx.add.f32.msk vm4, v48;
	v57, _, _ =	vpop (xrf2);
	(xrf1) =	vsort.ascd.msk.u32 $0xffff, v5, v55  }
0x1a9: {  	vm6 =	vmand vm6, vm1;
	[tilespmem:v17+s5+$0x0] =	vst.idx.add.f32.msk vm15, v51;
	v59, v60, _ =	vpop (xrf1);
	v5 =	vsub.f32 $0.0e+00, v57;
	(xrf1) =	vsort.ascd.msk.u32 $0xffff, v6, v52  }
0x1aa: {  	v3 =	vxor.u32 $0x80000000, v3;
	vm11 =	vne.s32 v10, v58;
	[tilespmem:v19+s5+$0x0] =	vst.idx.add.f32.msk vm3, v57;
	vm3 =	vmand vm7, vm1;
	v62, v61, _ =	vpop (xrf1)  }
0x1ab: {  	(xrf2) =	vadd.scan.msk.f32 $0xffff, v61;
	[tilespmem:v14+s5+$0x0] =	vst.idx.add.f32.msk vm2, v5;
	vm2 =	vmor vm11, vm0  }
0x1ac: {  	[tilespmem:s12+$0x20] =	vst v46;
	v63, _, _ =	vpop (xrf2)  }
0x1ad: {  	[tilespmem:v11+s5+$0x0] =	vst.idx.add.f32.msk vm10, v56;
	v19 =	vsub.f32 $0.0e+00, v63;
	v25 =	vxor.u32 $0x80000000, v62;
	(xrf1) =	vsort.ascd.msk.u32 $0xffff, v3, v7;
	v3, v22, _ =	vpop (xrf1)  }
0x1ae: {  	v26 =	vsub.f32 $0.0e+00, v56;
	[tilespmem:v15+s5+$0x0] =	vst.idx.add.f32.msk vm8, v63;
	v27 =	vperm.xlane v25, v1;
	(xrf2) =	vadd.scan.msk.f32 $0xffff, v22  }
0x1af: {  	[tilespmem:v50+s5+$0x0] =	vst.idx.add.f32.msk vm6, v19;
	v3 =	vxor.u32 $0x80000000, v3  }
0x1b0: {  	v28, _, _ =	vpop (xrf2);
	[tilespmem:v53+s5+$0x0] =	vst.idx.add.f32.msk vm3, v26;
	vm3 =	vne.s32 v25, v27;
	v30 =	vperm.xlane v3, v1  }
0x1b1: {  	[tilespmem:v10+s5+$0x0] =	vst.idx.add.f32.msk vm2, v28;
	vm2 =	vmor vm3, vm0  }
0x1b2: {  	[tilespmem:s12+$0x0] =	vst v47;
	v33, v32, _ =	vpop (xrf1);
	(xrf2) =	vadd.scan.msk.f32 $0xffff, v60;
	vm12 =	vne.s32 v3, v30  }
0x1b3: {  	[tilespmem:s12+$0xFFFFFFF0] =	vst v49;
	v31 =	vxor.u32 $0x80000000, v59;
	(xrf2) =	vadd.scan.msk.f32 $0xffff, v32;
	vm13 =	vmor vm12, vm0  }
0x1b4: {  	v34 =	vperm.xlane v31, v1;
	[tilespmem:s12+$0xFFFFFFE0] =	vst v52;
	v8 =	vxor.u32 $0x80000000, v33;
	v36, v35, _ =	vpop (xrf1)  }
0x1b5: {  	vm5 =	vmand vm11, vm1;
	v29 =	vsub.f32 $0.0e+00, v28;
	[tilespmem:s12+$0xFFFFFFC0] =	vst v54;
	v40 =	vperm.xlane v8, v1;
	v39, _, _ =	vpop (xrf2)  }
0x1b6: {  	vm14 =	vne.s32 v31, v34;
	[tilespmem:s12+$0xFFFFFFD0] =	vst v7;
	vm3 =	vmand vm3, vm1;
	(xrf2) =	vadd.scan.msk.f32 $0xffff, v35;
	v37, v38, _ =	vpop (xrf1)  }
0x1b7: {  	vm15 =	vmor vm14, vm0;
	[tilespmem:v25+s5+$0x0] =	vst.idx.add.f32.msk vm2, v39;
	vm2 =	vne.s32 v8, v40;
	(xrf2) =	vadd.scan.msk.f32 $0xffff, v38;
	v45, v44, _ =	vpop (xrf1)  }
0x1b8: {  	vm4 =	vmand vm12, vm1;
	v43 =	vxor.u32 $0x80000000, v37;
	vm12 =	vmor vm2, vm0;
	v41, _, _ =	vpop (xrf2);
	(xrf2) =	vadd.scan.msk.f32 $0xffff, v44  }
0x1b9: {  	vm6 =	vmand vm14, vm1;
	v47 =	vperm.xlane v43, v1;
	[tilespmem:v3+s5+$0x0] =	vst.idx.add.f32.msk vm13, v41;
	v3 =	vxor.u32 $0x80000000, v45  }
0x1ba: {  	[tilespmem:s12+$0x10] =	vst v55;
	v42 =	vsub.f32 $0.0e+00, v39;
	v11 =	vxor.u32 $0x80000000, v36;
	v52 =	vperm.xlane v3, v1  }
0x1bb: {  	[tilespmem:v58+s5+$0x0] =	vst.idx.add.f32.msk vm5, v29;
	v53 =	vperm.xlane v11, v1;
	vm2 =	vmand vm2, vm1;
	v51, v50, _ =	vpop (xrf1);
	vm13 =	vne.s32 v43, v47  }
0x1bc: {  	[tilespmem:v27+s5+$0x0] =	vst.idx.add.f32.msk vm3, v42;
	v48, _, _ =	vpop (xrf2);
	(xrf2) =	vadd.scan.msk.f32 $0xffff, v50;
	vm14 =	vmor vm13, vm0;
	vm3 =	vne.s32 v3, v52  }
0x1bd: {  	v46 =	vsub.f32 $0.0e+00, v41;
	[tilespmem:v31+s5+$0x0] =	vst.idx.add.f32.msk vm15, v48;
	v54, _, _ =	vpop (xrf2);
	vm15 =	vne.s32 v11, v53;
	vm7 =	vmor vm3, vm0  }
0x1be: {  	v55 =	vxor.u32 $0x80000000, v51;
	v49 =	vsub.f32 $0.0e+00, v48;
	[tilespmem:v8+s5+$0x0] =	vst.idx.add.f32.msk vm12, v54;
	vm12 =	vmor vm15, vm0  }
0x1bf: {  	v14 =	vperm.xlane v55, v1;
	[tilespmem:v30+s5+$0x0] =	vst.idx.add.f32.msk vm4, v46;
	vm4 =	vmand vm13, vm1;
	v56 =	vsub.f32 $0.0e+00, v54  }
0x1c0: {  	[tilespmem:v34+s5+$0x0] =	vst.idx.add.f32.msk vm6, v49;
	v57, _, _ =	vpop (xrf2);
	vm3 =	vmand vm3, vm1  }
0x1c1: {  	vm13 =	vne.s32 v55, v14;
	[tilespmem:v40+s5+$0x0] =	vst.idx.add.f32.msk vm2, v56;
	vm2 =	vmand vm15, vm1;
	v58, _, _ =	vpop (xrf2)  }
0x1c2: {  	[tilespmem:v43+s5+$0x0] =	vst.idx.add.f32.msk vm14, v58;
	vm14 =	vmor vm13, vm0;
	v60, _, _ =	vpop (xrf2)  }
0x1c3: {  	vm15 =	vmand vm13, vm1;
	v59 =	vsub.f32 $0.0e+00, v58;
	[tilespmem:v3+s5+$0x0] =	vst.idx.add.f32.msk vm7, v60  }
0x1c4: {  	v61 =	vsub.f32 $0.0e+00, v60;
	[tilespmem:v11+s5+$0x0] =	vst.idx.add.f32.msk vm12, v57  }
0x1c5: {  	v3 =	vsub.f32 $0.0e+00, v57;
	[tilespmem:v47+s5+$0x0] =	vst.idx.add.f32.msk vm4, v59  }
.Ltmp4:
0x1c6: {  	v62, _, _ =	vpop (xrf2);
	[tilespmem:v52+s5+$0x0] =	vst.idx.add.f32.msk vm3, v61;
	(pc) =	sbr.rel @p1 .LBB2_8-.Ltmp4, $4  }
0x1c7: {  	v63 =	vsub.f32 $0.0e+00, v62;
	[tilespmem:v53+s5+$0x0] =	vst.idx.add.f32.msk vm2, v3  }
0x1c8: {  	[tilespmem:v55+s5+$0x0] =	vst.idx.add.f32.msk vm14, v62  }
0x1c9: {  	s0 =	sadd.s32 s24, s17;
	[tilespmem:v14+s5+$0x0] =	vst.idx.add.f32.msk vm15, v63  }
0x1ca: {  	[hbm4b:s0+s31] =	stream.strided.scatter [tilespmem:s20], [sflag:$0x4], $0x800, s1, s31, $0x38;
	[tilespmem:$0x115C0] =	vst v63  }
0x1cb: {  	s0 =	sadd.s32 s24, s18  }
.Ltmp5:
0x1cc: {  	s0 =	sshrl.u32 s0, $0x3;
	(pc) =	sbr.rel .LBB2_2-.Ltmp5, $4  }
0x1cd: {  	s12 =	sadd.s32 s2, s0  }
0x1ce: {  	[tilespmem:s11], [sflag:$0x2] =	stream.linear.gather [hbm4b:s12+s3], $0x800, $0x38;
	[tilespmem:$0x115C0] =	vst v63  }
0x1cf: {  	s15 =	sadd.s32 $0x1, s15;
	s0 =	sadd.s32 s6, s0  }
0x1d0: {  	[tilespmem:s9], [sflag:$0x2] =	stream.linear.gather [hbm4b:s0+s3], $0x800, $0x38;
	[tilespmem:$0x115C0] =	vst v63  }
.LBB2_8:
0x1d1: {  	s0 =	simm.s32 $0x3  }
0x1d2: {  	_ =	swait.ge [sflag:s0], $0x800  }
0x1d3: {  	[sflag:s0] =	ssyncset.done $0x0  }
0x1d4: {  	s12 =	simm.s32 $0x4;
	[sflag:s0] =	ssyncadd.s32 $0xFFFFF800  }
0x1d5: {  	_ =	swait.ge [sflag:s12], $0x800  }
0x1d6: {  	[sflag:s12] =	ssyncset.done $0x0  }
0x1d7: {  	s23 =	simm.s32 $0x5;
	s15 =	rddreg [dreg:$0xa];
	[sflag:s12] =	ssyncadd.s32 $0xFFFFF800  }
0x1d8: {  	[spmem:s15] =	stream.linear.scatter [tilespmem:s5], [sflag:$0x5], $0x2740, $0x38;
	[tilespmem:$0x115C0] =	vst v63  }
0x1d9: {  	_ =	swait.ge [sflag:s23], $0x2740  }
0x1da: {  	[sflag:s23] =	ssyncset.done $0x0  }
0x1db: {  	[sflag:s23] =	ssyncadd.s32 $0xFFFFD8C0  }
0x1dc: {  	[bflag:$0x0] =	sbarrier.arrive $0xFFFF  }
0x1dd: {  	s21 =	rddreg [dreg:$0xb]  }
0x1de: {  	[tilespmem:s5], [sflag:$0x5] =	stream.linear.gather [spmem:s21], $0x2740, $0x38;
	[tilespmem:$0x115C0] =	vst v63  }
0x1df: {  	_ =	swait.ge [sflag:s23], $0x2740  }
0x1e0: {  	[sflag:s23] =	ssyncset.done $0x0  }
0x1e1: {  	s24 =	simm.s32 $0x7680;
	s22 =	rddreg [dreg:$0x13];
	[sflag:s23] =	ssyncadd.s32 $0xFFFFD8C0  }
0x1e2: {  	[tilespmem:s24], [sflag:$0x5] =	stream.linear.gather [spmem:s22], $0x2740, $0x38;
	[tilespmem:$0x115C0] =	vst v63  }
0x1e3: {  	_ =	swait.ge [sflag:s23], $0x2740  }
0x1e4: {  	[sflag:s23] =	ssyncset.done $0x0  }
0x1e5: {  	s0 =	simm.s32 $0x4F40;
	[sflag:s23] =	ssyncadd.s32 $0xFFFFD8C0  }
0x1e6: {  	s12 =	simm.s32 $0x76C0;
	v3 =	vld [tilespmem:s0+$0x30]  }
0x1e7: {  	v4 =	vld [tilespmem:s12+$0x30]  }
0x1e8: {  	v2 =	vld [tilespmem:s12+$0xFFFFFFC0]  }
0x1e9: {  	v5 =	vld [tilespmem:s0+$0xFFFFFFD0]  }
0x1ea: {  	v6 =	vld [tilespmem:s12+$0xFFFFFFD0]  }
0x1eb: {  	v7 =	vld [tilespmem:s0+$0xFFFFFFE0]  }
0x1ec: {  	v8 =	vld [tilespmem:s12+$0xFFFFFFE0]  }
0x1ed: {  	v9 =	vld [tilespmem:s0+$0xFFFFFFF0]  }
0x1ee: {  	v10 =	vld [tilespmem:s12+$0xFFFFFFF0]  }
0x1ef: {  	v11 =	vld [tilespmem:s0+$0x0]  }
0x1f0: {  	v12 =	vld [tilespmem:s12+$0x0];
	v4 =	vadd.f32 v4, v3  }
0x1f1: {  	v6 =	vadd.f32 v6, v5;
	v3 =	vld [tilespmem:s0+$0x10]  }
0x1f2: {  	v7 =	vadd.f32 v8, v7;
	v5 =	vld [tilespmem:s12+$0x10];
	[tilespmem:s0+$0x30] =	vst v4  }
0x1f3: {  	v8 =	vadd.f32 v10, v9;
	[tilespmem:s0+$0xFFFFFFD0] =	vst v6;
	v4 =	vld [tilespmem:s0+$0x20]  }
0x1f4: {  	[tilespmem:s0+$0xFFFFFFE0] =	vst v7;
	v7 =	vld [tilespmem:s12+$0x20]  }
0x1f5: {  	s15 =	simm.s32 $0x0;
	s21 =	simm.s32 $0x4FC0;
	v6 =	vld [tilespmem:s0+$0xFFFFFFC0];
	[tilespmem:s0+$0xFFFFFFF0] =	vst v8;
	v8 =	vadd.f32 v12, v11  }
.LBB2_9:
0x1f6: {  	v9 =	vld [tilespmem:s21+$0x30];
	s12 =	sadd.s32 $0x80, s12  }
0x1f7: {  	s15 =	sadd.s32 $0x8, s15;
	v10 =	vld [tilespmem:s12+$0x30];
	[tilespmem:s0+$0x0] =	vst v8;
	v3 =	vadd.f32 v5, v3  }
0x1f8: {  	p0 =	slt.u32 s15, $0x268;
	v5 =	vld [tilespmem:s12+$0xFFFFFFC0]  }
0x1f9: {  	v8 =	vld [tilespmem:s21+$0xFFFFFFD0];
	[tilespmem:s0+$0x10] =	vst v3;
	v3 =	vadd.f32 v7, v4  }
0x1fa: {  	v4 =	vld [tilespmem:s12+$0xFFFFFFD0];
	v11 =	vadd.f32 v2, v6  }
0x1fb: {  	v6 =	vld [tilespmem:s21+$0xFFFFFFE0];
	[tilespmem:s0+$0x20] =	vst v3  }
0x1fc: {  	v3 =	vld [tilespmem:s12+$0xFFFFFFE0];
	v7 =	vadd.f32 v10, v9;
	[tilespmem:s0+$0xFFFFFFC0] =	vst v11;
	s0 =	smov.u32 s21  }
0x1fd: {  	v9 =	vld [tilespmem:s21+$0xFFFFFFF0];
	v2 =	vmov v5  }
0x1fe: {  	s22 =	simm.s32 $0x0;
	v10 =	vld [tilespmem:s12+$0xFFFFFFF0];
	[tilespmem:s21+$0x30] =	vst v7  }
0x1ff: {  	v4 =	vadd.f32 v4, v8;
	v8 =	vld [tilespmem:s21+$0x0]  }
0x200: {  	v11 =	vld [tilespmem:s12+$0x0]  }
.Ltmp6:
0x201: {  	[tilespmem:s21+$0xFFFFFFD0] =	vst v4;
	v4 =	vadd.f32 v3, v6;
	v3 =	vld [tilespmem:s21+$0x10];
	(pc) =	sbr.rel @p0 .LBB2_9-.Ltmp6, $4  }
0x202: {  	v5 =	vld [tilespmem:s12+$0x10]  }
0x203: {  	[tilespmem:s21+$0xFFFFFFE0] =	vst v4;
	v9 =	vadd.f32 v10, v9;
	v4 =	vld [tilespmem:s21+$0x20]  }
0x204: {  	v7 =	vld [tilespmem:s12+$0x20]  }
0x205: {  	s21 =	sadd.s32 $0x80, s21;
	v6 =	vld [tilespmem:s0+$0xFFFFFFC0];
	[tilespmem:s0+$0xFFFFFFF0] =	vst v9;
	v8 =	vadd.f32 v11, v8  }
0x206: {  	_ =	sdelay $0x1  }
0x207: {  	v3 =	vadd.f32 v5, v3  }
0x208: {  	[tilespmem:s0+$0x0] =	vst v8;
	v4 =	vadd.f32 v7, v4  }
0x209: {  	[tilespmem:s0+$0x10] =	vst v3;
	v2 =	vadd.f32 v2, v6  }
0x20a: {  	[tilespmem:s0+$0x20] =	vst v4  }
0x20b: {  	[tilespmem:s0+$0xFFFFFFC0] =	vst v2  }
.LBB2_11:
0x20c: {  	s0 =	sshra.s32 s22, $0x2  }
0x20d: {  	v2 =	vld [tilespmem:s0+$0x7600]  }
0x20e: {  	v3 =	vld [tilespmem:s0+$0x9D80];
	_ =	sdelay $0x1  }
0x20f: {  	p0 =	sne.s32 s22, $0xC0  }
.Ltmp7:
0x210: {  	_ = 	snop;
	(pc) =	sbr.rel @p0 .LBB2_11-.Ltmp7, $3  }
0x211: {  	_ = 	snop  }
0x212: {  	v2 =	vadd.f32 v3, v2;
	_ =	sdelay $0x1  }
0x213: {  	s22 =	sadd.s32 $0x40, s22;
	[tilespmem:s0+$0x7600] =	vst v2  }
0x214: {  	s0 =	rddreg [dreg:$0x14]  }
0x215: {  	[tilespmem:s24], [sflag:$0x5] =	stream.linear.gather [spmem:s0], $0x2740, $0x38;
	[tilespmem:$0x115C0] =	vst v63  }
0x216: {  	_ =	swait.ge [sflag:s23], $0x2740  }
0x217: {  	[sflag:s23] =	ssyncset.done $0x0  }
0x218: {  	s0 =	simm.s32 $0x4F40;
	[sflag:s23] =	ssyncadd.s32 $0xFFFFD8C0  }
0x219: {  	s12 =	simm.s32 $0x76C0;
	v3 =	vld [tilespmem:s0+$0x30]  }
0x21a: {  	v4 =	vld [tilespmem:s12+$0x30]  }
0x21b: {  	v2 =	vld [tilespmem:s12+$0xFFFFFFC0]  }
0x21c: {  	v5 =	vld [tilespmem:s0+$0xFFFFFFD0]  }
0x21d: {  	v6 =	vld [tilespmem:s12+$0xFFFFFFD0]  }
0x21e: {  	v7 =	vld [tilespmem:s0+$0xFFFFFFE0]  }
0x21f: {  	v8 =	vld [tilespmem:s12+$0xFFFFFFE0]  }
0x220: {  	v9 =	vld [tilespmem:s0+$0xFFFFFFF0]  }
0x221: {  	v10 =	vld [tilespmem:s12+$0xFFFFFFF0]  }
0x222: {  	v11 =	vld [tilespmem:s0+$0x0]  }
0x223: {  	v12 =	vld [tilespmem:s12+$0x0];
	v4 =	vadd.f32 v4, v3  }
0x224: {  	v6 =	vadd.f32 v6, v5;
	v3 =	vld [tilespmem:s0+$0x10]  }
0x225: {  	v7 =	vadd.f32 v8, v7;
	v5 =	vld [tilespmem:s12+$0x10];
	[tilespmem:s0+$0x30] =	vst v4  }
0x226: {  	v8 =	vadd.f32 v10, v9;
	[tilespmem:s0+$0xFFFFFFD0] =	vst v6;
	v4 =	vld [tilespmem:s0+$0x20]  }
0x227: {  	[tilespmem:s0+$0xFFFFFFE0] =	vst v7;
	v7 =	vld [tilespmem:s12+$0x20]  }
0x228: {  	s15 =	simm.s32 $0x0;
	s21 =	simm.s32 $0x4FC0;
	v6 =	vld [tilespmem:s0+$0xFFFFFFC0];
	[tilespmem:s0+$0xFFFFFFF0] =	vst v8;
	v8 =	vadd.f32 v12, v11  }
.LBB2_13:
0x229: {  	v9 =	vld [tilespmem:s21+$0x30];
	s12 =	sadd.s32 $0x80, s12  }
0x22a: {  	s15 =	sadd.s32 $0x8, s15;
	v10 =	vld [tilespmem:s12+$0x30];
	[tilespmem:s0+$0x0] =	vst v8;
	v3 =	vadd.f32 v5, v3  }
0x22b: {  	p0 =	slt.u32 s15, $0x268;
	v5 =	vld [tilespmem:s12+$0xFFFFFFC0]  }
0x22c: {  	v8 =	vld [tilespmem:s21+$0xFFFFFFD0];
	[tilespmem:s0+$0x10] =	vst v3;
	v3 =	vadd.f32 v7, v4  }
0x22d: {  	v4 =	vld [tilespmem:s12+$0xFFFFFFD0];
	v11 =	vadd.f32 v2, v6  }
0x22e: {  	v6 =	vld [tilespmem:s21+$0xFFFFFFE0];
	[tilespmem:s0+$0x20] =	vst v3  }
0x22f: {  	v3 =	vld [tilespmem:s12+$0xFFFFFFE0];
	v7 =	vadd.f32 v10, v9;
	[tilespmem:s0+$0xFFFFFFC0] =	vst v11;
	s0 =	smov.u32 s21  }
0x230: {  	v9 =	vld [tilespmem:s21+$0xFFFFFFF0];
	v2 =	vmov v5  }
0x231: {  	s22 =	simm.s32 $0x0;
	v10 =	vld [tilespmem:s12+$0xFFFFFFF0];
	[tilespmem:s21+$0x30] =	vst v7  }
0x232: {  	v4 =	vadd.f32 v4, v8;
	v8 =	vld [tilespmem:s21+$0x0]  }
0x233: {  	v11 =	vld [tilespmem:s12+$0x0]  }
.Ltmp8:
0x234: {  	[tilespmem:s21+$0xFFFFFFD0] =	vst v4;
	v4 =	vadd.f32 v3, v6;
	v3 =	vld [tilespmem:s21+$0x10];
	(pc) =	sbr.rel @p0 .LBB2_13-.Ltmp8, $4  }
0x235: {  	v5 =	vld [tilespmem:s12+$0x10]  }
0x236: {  	[tilespmem:s21+$0xFFFFFFE0] =	vst v4;
	v9 =	vadd.f32 v10, v9;
	v4 =	vld [tilespmem:s21+$0x20]  }
0x237: {  	v7 =	vld [tilespmem:s12+$0x20]  }
0x238: {  	s21 =	sadd.s32 $0x80, s21;
	v6 =	vld [tilespmem:s0+$0xFFFFFFC0];
	[tilespmem:s0+$0xFFFFFFF0] =	vst v9;
	v8 =	vadd.f32 v11, v8  }
0x239: {  	_ =	sdelay $0x1  }
0x23a: {  	v3 =	vadd.f32 v5, v3  }
0x23b: {  	[tilespmem:s0+$0x0] =	vst v8;
	v4 =	vadd.f32 v7, v4  }
0x23c: {  	[tilespmem:s0+$0x10] =	vst v3;
	v2 =	vadd.f32 v2, v6  }
0x23d: {  	[tilespmem:s0+$0x20] =	vst v4  }
0x23e: {  	[tilespmem:s0+$0xFFFFFFC0] =	vst v2  }
.LBB2_15:
0x23f: {  	s0 =	sshra.s32 s22, $0x2  }
0x240: {  	v2 =	vld [tilespmem:s0+$0x7600]  }
0x241: {  	v3 =	vld [tilespmem:s0+$0x9D80];
	_ =	sdelay $0x1  }
0x242: {  	p0 =	sne.s32 s22, $0xC0  }
.Ltmp9:
0x243: {  	_ = 	snop;
	(pc) =	sbr.rel @p0 .LBB2_15-.Ltmp9, $3  }
0x244: {  	_ = 	snop  }
0x245: {  	v2 =	vadd.f32 v3, v2;
	_ =	sdelay $0x1  }
0x246: {  	s22 =	sadd.s32 $0x40, s22;
	[tilespmem:s0+$0x7600] =	vst v2  }
0x247: {  	s0 =	rddreg [dreg:$0x15]  }
0x248: {  	[tilespmem:s24], [sflag:$0x5] =	stream.linear.gather [spmem:s0], $0x2740, $0x38;
	[tilespmem:$0x115C0] =	vst v63  }
0x249: {  	_ =	swait.ge [sflag:s23], $0x2740  }
0x24a: {  	[sflag:s23] =	ssyncset.done $0x0  }
0x24b: {  	s0 =	simm.s32 $0x4F40;
	[sflag:s23] =	ssyncadd.s32 $0xFFFFD8C0  }
0x24c: {  	s12 =	simm.s32 $0x76C0;
	v3 =	vld [tilespmem:s0+$0x30]  }
0x24d: {  	v4 =	vld [tilespmem:s12+$0x30]  }
0x24e: {  	v2 =	vld [tilespmem:s12+$0xFFFFFFC0]  }
0x24f: {  	v5 =	vld [tilespmem:s0+$0xFFFFFFD0]  }
0x250: {  	v6 =	vld [tilespmem:s12+$0xFFFFFFD0]  }
0x251: {  	v7 =	vld [tilespmem:s0+$0xFFFFFFE0]  }
0x252: {  	v8 =	vld [tilespmem:s12+$0xFFFFFFE0]  }
0x253: {  	v9 =	vld [tilespmem:s0+$0xFFFFFFF0]  }
0x254: {  	v10 =	vld [tilespmem:s12+$0xFFFFFFF0]  }
0x255: {  	v11 =	vld [tilespmem:s0+$0x0]  }
0x256: {  	v12 =	vld [tilespmem:s12+$0x0];
	v4 =	vadd.f32 v4, v3  }
0x257: {  	v6 =	vadd.f32 v6, v5;
	v3 =	vld [tilespmem:s0+$0x10]  }
0x258: {  	v7 =	vadd.f32 v8, v7;
	v5 =	vld [tilespmem:s12+$0x10];
	[tilespmem:s0+$0x30] =	vst v4  }
0x259: {  	v8 =	vadd.f32 v10, v9;
	[tilespmem:s0+$0xFFFFFFD0] =	vst v6;
	v4 =	vld [tilespmem:s0+$0x20]  }
0x25a: {  	[tilespmem:s0+$0xFFFFFFE0] =	vst v7;
	v7 =	vld [tilespmem:s12+$0x20]  }
0x25b: {  	s15 =	simm.s32 $0x0;
	s21 =	simm.s32 $0x4FC0;
	v6 =	vld [tilespmem:s0+$0xFFFFFFC0];
	[tilespmem:s0+$0xFFFFFFF0] =	vst v8;
	v8 =	vadd.f32 v12, v11  }
.LBB2_17:
0x25c: {  	v9 =	vld [tilespmem:s21+$0x30];
	s12 =	sadd.s32 $0x80, s12  }
0x25d: {  	s15 =	sadd.s32 $0x8, s15;
	v10 =	vld [tilespmem:s12+$0x30];
	[tilespmem:s0+$0x0] =	vst v8;
	v3 =	vadd.f32 v5, v3  }
0x25e: {  	p0 =	slt.u32 s15, $0x268;
	v5 =	vld [tilespmem:s12+$0xFFFFFFC0]  }
0x25f: {  	v8 =	vld [tilespmem:s21+$0xFFFFFFD0];
	[tilespmem:s0+$0x10] =	vst v3;
	v3 =	vadd.f32 v7, v4  }
0x260: {  	v4 =	vld [tilespmem:s12+$0xFFFFFFD0];
	v11 =	vadd.f32 v2, v6  }
0x261: {  	v6 =	vld [tilespmem:s21+$0xFFFFFFE0];
	[tilespmem:s0+$0x20] =	vst v3  }
0x262: {  	v3 =	vld [tilespmem:s12+$0xFFFFFFE0];
	v7 =	vadd.f32 v10, v9;
	[tilespmem:s0+$0xFFFFFFC0] =	vst v11;
	s0 =	smov.u32 s21  }
0x263: {  	v9 =	vld [tilespmem:s21+$0xFFFFFFF0];
	v2 =	vmov v5  }
0x264: {  	s22 =	simm.s32 $0x0;
	v10 =	vld [tilespmem:s12+$0xFFFFFFF0];
	[tilespmem:s21+$0x30] =	vst v7  }
0x265: {  	v4 =	vadd.f32 v4, v8;
	v8 =	vld [tilespmem:s21+$0x0]  }
0x266: {  	v11 =	vld [tilespmem:s12+$0x0]  }
.Ltmp10:
0x267: {  	[tilespmem:s21+$0xFFFFFFD0] =	vst v4;
	v4 =	vadd.f32 v3, v6;
	v3 =	vld [tilespmem:s21+$0x10];
	(pc) =	sbr.rel @p0 .LBB2_17-.Ltmp10, $4  }
0x268: {  	v5 =	vld [tilespmem:s12+$0x10]  }
0x269: {  	[tilespmem:s21+$0xFFFFFFE0] =	vst v4;
	v9 =	vadd.f32 v10, v9;
	v4 =	vld [tilespmem:s21+$0x20]  }
0x26a: {  	v7 =	vld [tilespmem:s12+$0x20]  }
0x26b: {  	s21 =	sadd.s32 $0x80, s21;
	v6 =	vld [tilespmem:s0+$0xFFFFFFC0];
	[tilespmem:s0+$0xFFFFFFF0] =	vst v9;
	v8 =	vadd.f32 v11, v8  }
0x26c: {  	_ =	sdelay $0x1  }
0x26d: {  	v3 =	vadd.f32 v5, v3  }
0x26e: {  	[tilespmem:s0+$0x0] =	vst v8;
	v4 =	vadd.f32 v7, v4  }
0x26f: {  	[tilespmem:s0+$0x10] =	vst v3;
	v2 =	vadd.f32 v2, v6  }
0x270: {  	[tilespmem:s0+$0x20] =	vst v4  }
0x271: {  	[tilespmem:s0+$0xFFFFFFC0] =	vst v2  }
.LBB2_19:
0x272: {  	s0 =	sshra.s32 s22, $0x2  }
0x273: {  	v2 =	vld [tilespmem:s0+$0x7600]  }
0x274: {  	v3 =	vld [tilespmem:s0+$0x9D80];
	_ =	sdelay $0x1  }
0x275: {  	p0 =	sne.s32 s22, $0xC0  }
.Ltmp11:
0x276: {  	_ = 	snop;
	(pc) =	sbr.rel @p0 .LBB2_19-.Ltmp11, $3  }
0x277: {  	_ = 	snop  }
0x278: {  	v2 =	vadd.f32 v3, v2;
	_ =	sdelay $0x1  }
0x279: {  	s22 =	sadd.s32 $0x40, s22;
	[tilespmem:s0+$0x7600] =	vst v2  }
0x27a: {  	s15 =	simm.s32 $0x4F40  }
0x27b: {  	v2 =	vld [tilespmem:s15+$0x30]  }
0x27c: {  	v3 =	vld [tilespmem:s15+$0xFFFFFFD0]  }
0x27d: {  	v4 =	vld [tilespmem:s15+$0xFFFFFFE0]  }
0x27e: {  	v5 =	vld [tilespmem:s15+$0xFFFFFFF0]  }
0x27f: {  	v6 =	vld [tilespmem:s15+$0x0]  }
0x280: {  	v7 =	vld [tilespmem:s15+$0x10]  }
0x281: {  	v8 =	vld [tilespmem:s15+$0x20];
	v2 =	vadd.f32 $1.000000000e-30, v2  }
0x282: {  	s12 =	simm.s32 $0x4FC0;
	v9 =	vld [tilespmem:s15+$0xFFFFFFC0];
	v3 =	vadd.f32 $1.000000000e-30, v3  }
0x283: {  	v4 =	vadd.f32 $1.000000000e-30, v4;
	(erf) = vrcp.f32 v2;
	v2 =	vld [tilespmem:s12+$0x30]  }
0x284: {  	v5 =	vadd.f32 $1.000000000e-30, v5;
	(erf) = vrcp.f32 v3;
	v3 =	vld [tilespmem:s12+$0xFFFFFFD0]  }
0x285: {  	v6 =	vadd.f32 $1.000000000e-30, v6;
	(erf) = vrcp.f32 v4;
	v4 =	vld [tilespmem:s12+$0xFFFFFFE0]  }
0x286: {  	s21 =	simm.s32 $0x5040;
	v7 =	vadd.f32 $1.000000000e-30, v7;
	(erf) = vrcp.f32 v5;
	v5 =	vld [tilespmem:s12+$0xFFFFFFF0]  }
0x287: {  	v10 =	vld [tilespmem:s21+$0x30];
	v8 =	vadd.f32 $1.000000000e-30, v8;
	(erf) = vrcp.f32 v6  }
0x288: {  	v9 =	vadd.f32 $1.000000000e-30, v9;
	v6 =	vld [tilespmem:s12+$0x0];
	(erf) = vrcp.f32 v7  }
0x289: {  	v7 =	vld [tilespmem:s12+$0x10];
	v2 =	vadd.f32 $1.000000000e-30, v2;
	(erf) = vrcp.f32 v8;
	v3 =	vadd.f32 $1.000000000e-30, v3  }
0x28a: {  	v8 =	vld [tilespmem:s12+$0x20];
	(erf) = vrcp.f32 v9  }
0x28b: {  	v9 =	vld [tilespmem:s12+$0xFFFFFFC0];
	v4 =	vadd.f32 $1.000000000e-30, v4;
	(erf) = vrcp.f32 v2;
	v2 =	vadd.f32 $1.000000000e-30, v5  }
0x28c: {  	(erf) = vrcp.f32 v3  }
0x28d: {  	v5 =	vadd.f32 $1.000000000e-30, v6;
	v3 =	vpop (erf);
	(erf) = vrcp.f32 v4  }
0x28e: {  	v11 =	vld [tilespmem:s21+$0xFFFFFFD0];
	v6 =	vadd.f32 $1.000000000e-30, v7;
	[tilespmem:s15+$0x30] =	vst v3;
	v3 =	vpop (erf);
	(erf) = vrcp.f32 v2  }
0x28f: {  	v12 =	vld [tilespmem:s21+$0xFFFFFFE0];
	v7 =	vadd.f32 $1.000000000e-30, v8;
	[tilespmem:s15+$0xFFFFFFD0] =	vst v3;
	v2 =	vpop (erf);
	(erf) = vrcp.f32 v5  }
0x290: {  	v4 =	vld [tilespmem:s21+$0xFFFFFFF0];
	v8 =	vadd.f32 $1.000000000e-30, v9;
	v9 =	vadd.f32 $1.000000000e-30, v10;
	[tilespmem:s15+$0xFFFFFFE0] =	vst v2;
	v3 =	vpop (erf);
	(erf) = vrcp.f32 v6  }
0x291: {  	v2 =	vld [tilespmem:s21+$0x0];
	[tilespmem:s15+$0xFFFFFFF0] =	vst v3;
	v5 =	vpop (erf);
	(erf) = vrcp.f32 v7  }
0x292: {  	v3 =	vld [tilespmem:s21+$0x10];
	[tilespmem:s15+$0x0] =	vst v5;
	v6 =	vpop (erf);
	(erf) = vrcp.f32 v8  }
0x293: {  	v5 =	vld [tilespmem:s21+$0x20];
	v8 =	vadd.f32 $1.000000000e-30, v11;
	[tilespmem:s15+$0x10] =	vst v6;
	v10 =	vpop (erf);
	(erf) = vrcp.f32 v9  }
0x294: {  	s0 =	simm.s32 $0x10;
	s22 =	simm.s32 $0x50C0;
	v7 =	vadd.f32 $1.000000000e-30, v12;
	v6 =	vld [tilespmem:s21+$0xFFFFFFC0];
	[tilespmem:s15+$0x20] =	vst v10;
	v9 =	vpop (erf)  }
.LBB2_21:
0x295: {  	v10 =	vld [tilespmem:s22+$0x30];
	s0 =	sadd.s32 $0x8, s0;
	v4 =	vadd.f32 $1.000000000e-30, v4;
	(erf) = vrcp.f32 v8;
	v8 =	vpop (erf);
	[tilespmem:s15+$0xFFFFFFC0] =	vst v9;
	s15 =	smov.u32 s12;
	s12 =	smov.u32 s21  }
0x296: {  	s21 =	smov.u32 s22;
	v9 =	vld [tilespmem:s22+$0xFFFFFFD0];
	p0 =	slt.u32 s0, $0x268;
	v2 =	vadd.f32 $1.000000000e-30, v2;
	(erf) = vrcp.f32 v7;
	[tilespmem:s15+$0x30] =	vst v8;
	v7 =	vpop (erf)  }
0x297: {  	v11 =	vld [tilespmem:s22+$0xFFFFFFE0];
	v3 =	vadd.f32 $1.000000000e-30, v3;
	(erf) = vrcp.f32 v4;
	[tilespmem:s15+$0xFFFFFFD0] =	vst v7;
	v7 =	vpop (erf)  }
.Ltmp12:
0x298: {  	v4 =	vld [tilespmem:s22+$0xFFFFFFF0];
	v5 =	vadd.f32 $1.000000000e-30, v5;
	(erf) = vrcp.f32 v2;
	[tilespmem:s15+$0xFFFFFFE0] =	vst v7;
	v7 =	vpop (erf);
	(pc) =	sbr.rel @p0 .LBB2_21-.Ltmp12, $4  }
0x299: {  	v2 =	vld [tilespmem:s22+$0x0];
	v6 =	vadd.f32 $1.000000000e-30, v6;
	(erf) = vrcp.f32 v3;
	[tilespmem:s15+$0xFFFFFFF0] =	vst v7;
	v7 =	vpop (erf)  }
0x29a: {  	v3 =	vld [tilespmem:s22+$0x10];
	v10 =	vadd.f32 $1.000000000e-30, v10;
	(erf) = vrcp.f32 v5;
	[tilespmem:s15+$0x0] =	vst v7;
	v7 =	vpop (erf)  }
0x29b: {  	v8 =	vadd.f32 $1.000000000e-30, v9;
	v5 =	vld [tilespmem:s22+$0x20];
	(erf) = vrcp.f32 v6;
	[tilespmem:s15+$0x10] =	vst v7;
	v9 =	vpop (erf)  }
0x29c: {  	s22 =	sadd.s32 $0x80, s22;
	v6 =	vld [tilespmem:s21+$0xFFFFFFC0];
	v7 =	vadd.f32 $1.000000000e-30, v11;
	(erf) = vrcp.f32 v10;
	[tilespmem:s15+$0x20] =	vst v9;
	v9 =	vpop (erf)  }
0x29d: {  	_ = 	snop  }
0x29e: {  	v2 =	vadd.f32 $1.000000000e-30, v2  }
0x29f: {  	v4 =	vadd.f32 $1.000000000e-30, v4;
	(erf) = vrcp.f32 v8;
	v60 =	vpop (erf);
	[tilespmem:s15+$0xFFFFFFC0] =	vst v9  }
0x2a0: {  	(erf) = vrcp.f32 v7;
	[tilespmem:s12+$0x30] =	vst v60;
	v61 =	vpop (erf)  }
0x2a1: {  	v3 =	vadd.f32 $1.000000000e-30, v3;
	(erf) = vrcp.f32 v4;
	[tilespmem:s12+$0xFFFFFFD0] =	vst v61;
	v62 =	vpop (erf)  }
0x2a2: {  	v5 =	vadd.f32 $1.000000000e-30, v5;
	(erf) = vrcp.f32 v2;
	[tilespmem:s12+$0xFFFFFFE0] =	vst v62;
	v2 =	vpop (erf)  }
0x2a3: {  	v63 =	vadd.f32 $1.000000000e-30, v6;
	(erf) = vrcp.f32 v3;
	[tilespmem:s12+$0xFFFFFFF0] =	vst v2;
	v2 =	vpop (erf)  }
0x2a4: {  	(erf) = vrcp.f32 v5;
	[tilespmem:s12+$0x0] =	vst v2;
	v2 =	vpop (erf)  }
0x2a5: {  	(erf) = vrcp.f32 v63;
	[tilespmem:s12+$0x10] =	vst v2;
	v2 =	vpop (erf)  }
0x2a6: {  	[tilespmem:s12+$0x20] =	vst v2;
	v2 =	vpop (erf)  }
0x2a7: {  	v3 =	vpop (erf);
	[tilespmem:s12+$0xFFFFFFC0] =	vst v2  }
0x2a8: {  	[tilespmem:s21+$0x30] =	vst v3;
	v2 =	vpop (erf)  }
0x2a9: {  	[tilespmem:s21+$0xFFFFFFD0] =	vst v2;
	v2 =	vpop (erf)  }
0x2aa: {  	[tilespmem:s21+$0xFFFFFFE0] =	vst v2;
	v2 =	vpop (erf)  }
0x2ab: {  	[tilespmem:s21+$0xFFFFFFF0] =	vst v2;
	v2 =	vpop (erf)  }
0x2ac: {  	[tilespmem:s21+$0x0] =	vst v2;
	v2 =	vpop (erf)  }
0x2ad: {  	[tilespmem:s21+$0x10] =	vst v2;
	v2 =	vpop (erf)  }
0x2ae: {  	[tilespmem:s21+$0x20] =	vst v2;
	v2 =	vpop (erf)  }
0x2af: {  	s0 =	simm.s32 $0x0;
	[tilespmem:s21+$0xFFFFFFC0] =	vst v2  }
.LBB2_23:
0x2b0: {  	s12 =	sshra.s32 s0, $0x2  }
0x2b1: {  	v2 =	vld [tilespmem:s12+$0x7600];
	_ =	sdelay $0x4  }
0x2b2: {  	v2 =	vadd.f32 $1.000000000e-30, v2;
	_ =	sdelay $0x1  }
0x2b3: {  	(erf) = vrcp.f32 v2;
	_ =	sdelay $0x4  }
0x2b4: {  	p0 =	sne.s32 s0, $0xC0  }
.Ltmp13:
0x2b5: {  	_ = 	snop;
	(pc) =	sbr.rel @p0 .LBB2_23-.Ltmp13, $3  }
0x2b6: {  	_ =	sdelay $0x1  }
0x2b7: {  	v2 =	vpop (erf)  }
0x2b8: {  	s0 =	sadd.s32 $0x40, s0;
	[tilespmem:s12+$0x7600] =	vst v2  }
0x2b9: {  	s15 =	simm.s32 $0x0;
	s0 =	rddreg [dreg:$0xc];
	s12 =	simm.s32 $0xBE00  }
0x2ba: {  	[tilespmem:s12], [sflag:$0x1] =	stream.linear.gather [hbm4b:s0+s15], $0x800, $0x38;
	[tilespmem:$0x115C0] =	vst v63  }
0x2bb: {  	s21 =	simm.s32 $0xAE00  }
0x2bc: {  	[tilespmem:s21], [sflag:$0x1] =	stream.linear.gather [hbm4b:s30+s15], $0x800, $0x38;
	[tilespmem:$0x115C0] =	vst v63  }
0x2bd: {  	s22 =	rddreg [dreg:$0xd]  }
0x2be: {  	[tilespmem:s14], [sflag:$0x1] =	stream.strided.gather [hbm4b:s22+s31], $0x800, s1, s31, $0x38;
	[tilespmem:$0x115C0] =	vst v63  }
0x2bf: {  	s23 =	rddreg [dreg:$0x10]  }
0x2c0: {  	[tilespmem:s26], [sflag:$0x2] =	stream.linear.gather [hbm4b:s23+s15], $0x800, $0x38;
	[tilespmem:$0x115C0] =	vst v63  }
0x2c1: {  	s24 =	rddreg [dreg:$0xf]  }
0x2c2: {  	[tilespmem:s9], [sflag:$0x2] =	stream.linear.gather [hbm4b:s24+s15], $0x800, $0x38;
	[tilespmem:$0x115C0] =	vst v63  }
0x2c3: {  	s30 =	rddreg [dreg:$0x11]  }
0x2c4: {  	[tilespmem:s20], [sflag:$0x2] =	stream.strided.gather [hbm4b:s30+s31], $0x800, s1, s31, $0x38;
	[tilespmem:$0x115C0] =	vst v63  }
.LBB2_25:
0x2c5: {  	_ =	swait.ge [sflag:s10], $0x800  }
0x2c6: {  	[sflag:s10] =	ssyncset.done $0x0  }
0x2c7: {  	[sflag:s10] =	ssyncadd.s32 $0xFFFFF800  }
0x2c8: {  	_ =	swait.ge [sflag:s10], $0x800  }
0x2c9: {  	[sflag:s10] =	ssyncset.done $0x0  }
0x2ca: {  	[sflag:s10] =	ssyncadd.s32 $0xFFFFF800  }
0x2cb: {  	_ =	swait.ge [sflag:s10], $0x800  }
0x2cc: {  	p0 =	seq.s32 s15, $0x0;
	[sflag:s10] =	ssyncset.done $0x0  }
0x2cd: {  	s0 =	simm.s32 @!p0 $0x3;
	[sflag:s10] =	ssyncadd.s32 $0xFFFFF800  }
0x2ce: {  	_ =	swait.ge @!p0 [sflag:s0], $0x800  }
0x2cf: {  	[sflag:s0] =	ssyncset.done @!p0 $0x0  }
0x2d0: {  	s23 =	simm.s32 $0xAE40;
	[sflag:s0] =	ssyncadd.s32 @!p0 $0xFFFFF800  }
0x2d1: {  	v2 =	vld [tilespmem:s23+$0x30]  }
0x2d2: {  	v3 =	vld [tilespmem:s23+$0xFFFFFFD0]  }
0x2d3: {  	v4 =	vld [tilespmem:s23+$0xFFFFFFE0]  }
0x2d4: {  	v5 =	vld [tilespmem:s23+$0xFFFFFFF0]  }
0x2d5: {  	v6 =	vld [tilespmem:s23+$0x0]  }
0x2d6: {  	s21 =	simm.s32 $0xCE40;
	v8 =	vld [tilespmem:s23+$0x10]  }
0x2d7: {  	s22 =	simm.s32 $0xBE40;
	v7 =	vld [tilespmem:s21+$0x30]  }
0x2d8: {  	v9 =	vld [tilespmem:s22+$0x30]  }
0x2d9: {  	v13 =	vld [tilespmem:s23+$0x20]  }
0x2da: {  	v10 =	vld [tilespmem:s23+$0xFFFFFFC0]  }
0x2db: {  	v12 =	vld [tilespmem:s21+$0xFFFFFFC0]  }
0x2dc: {  	v14 =	vld [tilespmem:s22+$0xFFFFFFC0]  }
0x2dd: {  	v15 =	vld [tilespmem:s21+$0xFFFFFFD0]  }
0x2de: {  	v16 =	vld [tilespmem:s22+$0xFFFFFFD0]  }
0x2df: {  	v17 =	vld [tilespmem:s21+$0xFFFFFFE0]  }
0x2e0: {  	v18 =	vld [tilespmem:s22+$0xFFFFFFE0]  }
0x2e1: {  	v19 =	vld [tilespmem:s21+$0xFFFFFFF0]  }
0x2e2: {  	v20 =	vld [tilespmem:s22+$0xFFFFFFF0]  }
0x2e3: {  	v21 =	vld [tilespmem:s21+$0x0]  }
0x2e4: {  	v22 =	vld [tilespmem:s22+$0x0]  }
0x2e5: {  	v23 =	vld [tilespmem:s21+$0x10]  }
0x2e6: {  	v24 =	vld [tilespmem:s22+$0x10]  }
0x2e7: {  	v25 =	vld [tilespmem:s21+$0x20]  }
0x2e8: {  	v2 =	vld.idx.msk [tilespmem:v2+s5+$0x0], $0xffff  }
0x2e9: {  	v26 =	vld [tilespmem:s22+$0x20]  }
0x2ea: {  	v27 =	vld.idx.msk [tilespmem:v10+s5+$0x0], $0xffff  }
0x2eb: {  	v7 =	vmul.f32 v9, v7;
	v11 =	vld.idx.msk [tilespmem:v3+s5+$0x0], $0xffff  }
0x2ec: {  	v14 =	vmul.f32 v14, v12;
	v9 =	vld.idx.msk [tilespmem:v5+s5+$0x0], $0xffff  }
0x2ed: {  	s24 =	sshll.u32 s15, $0xF;
	v3 =	vmul.f32 v18, v17;
	v28 =	vmul.f32 v7, v2;
	v7 =	vld.idx.msk [tilespmem:v4+s5+$0x0], $0xffff  }
0x2ee: {  	s0 =	sadd.s32 s13, s24;
	v10 =	vld.idx.msk [tilespmem:v6+s5+$0x0], $0xffff;
	v5 =	vmul.f32 v22, v21;
	v6 =	vmul.f32 v24, v23  }
0x2ef: {  	s12 =	sshll.u32 s15, $0xC;
	s0 =	sshrl.u32 s0, $0x3;
	s23 =	simm.s32 $0xDE40;
	v12 =	vld.idx.msk [tilespmem:v8+s5+$0x0], $0xffff;
	v8 =	vmul.f32 v26, v25;
	v2 =	vmul.f32 v16, v15  }
0x2f0: {  	s30 =	simm.s32 $0x0;
	s24 =	sadd.s32 s8, s0;
	s0 =	simm.s32 $0xAEC0;
	v13 =	vld.idx.msk [tilespmem:v13+s5+$0x0], $0xffff;
	v4 =	vmul.f32 v20, v19;
	v14 =	vmul.f32 v14, v27;
	[tilespmem:s23+$0x30] =	vst v28  }
.LBB2_26:
0x2f1: {  	v15 =	vld [tilespmem:s0+$0x30];
	s30 =	sadd.s32 $0x8, s30;
	v2 =	vmul.f32 v2, v11  }
0x2f2: {  	v3 =	vmul.f32 v3, v7;
	v11 =	vld [tilespmem:s0+$0xFFFFFFD0];
	p1 =	slt.u32 s30, $0x78;
	[tilespmem:s23+$0xFFFFFFC0] =	vst v14  }
0x2f3: {  	v7 =	vld [tilespmem:s0+$0xFFFFFFE0];
	[tilespmem:s23+$0xFFFFFFD0] =	vst v2;
	v2 =	vmul.f32 v4, v9  }
0x2f4: {  	v9 =	vld [tilespmem:s0+$0xFFFFFFF0];
	[tilespmem:s23+$0xFFFFFFE0] =	vst v3;
	v3 =	vmul.f32 v5, v10  }
0x2f5: {  	v10 =	vld [tilespmem:s0+$0x0];
	[tilespmem:s23+$0xFFFFFFF0] =	vst v2;
	v2 =	vmul.f32 v6, v12  }
0x2f6: {  	s21 =	sadd.s32 $0x80, s21;
	v12 =	vld [tilespmem:s0+$0x10];
	[tilespmem:s23+$0x0] =	vst v3;
	v3 =	vmul.f32 v8, v13  }
0x2f7: {  	s22 =	sadd.s32 $0x80, s22;
	v4 =	vld [tilespmem:s21+$0x30];
	[tilespmem:s23+$0x10] =	vst v2  }
0x2f8: {  	v2 =	vld [tilespmem:s22+$0x30];
	[tilespmem:s23+$0x20] =	vst v3  }
0x2f9: {  	v3 =	vld.idx.msk [tilespmem:v15+s5+$0x0], $0xffff  }
0x2fa: {  	v13 =	vld [tilespmem:s0+$0x20]  }
0x2fb: {  	v5 =	vld [tilespmem:s0+$0xFFFFFFC0]  }
0x2fc: {  	v6 =	vld [tilespmem:s21+$0xFFFFFFC0]  }
0x2fd: {  	v8 =	vld [tilespmem:s22+$0xFFFFFFC0];
	v2 =	vmul.f32 v2, v4  }
0x2fe: {  	v4 =	vld [tilespmem:s21+$0xFFFFFFD0]  }
0x2ff: {  	v14 =	vld [tilespmem:s22+$0xFFFFFFD0];
	v2 =	vmul.f32 v2, v3  }
0x300: {  	s23 =	sadd.s32 $0x80, s23;
	v3 =	vld [tilespmem:s21+$0xFFFFFFE0]  }
0x301: {  	v15 =	vld [tilespmem:s22+$0xFFFFFFE0];
	[tilespmem:s23+$0x30] =	vst v2  }
0x302: {  	v16 =	vmul.f32 v8, v6;
	v6 =	vld [tilespmem:s21+$0xFFFFFFF0]  }
0x303: {  	v8 =	vld [tilespmem:s22+$0xFFFFFFF0]  }
0x304: {  	v2 =	vmul.f32 v14, v4;
	v14 =	vld [tilespmem:s21+$0x0]  }
0x305: {  	v17 =	vld [tilespmem:s22+$0x0]  }
0x306: {  	v3 =	vmul.f32 v15, v3;
	v15 =	vld [tilespmem:s21+$0x10]  }
0x307: {  	v18 =	vld [tilespmem:s22+$0x10]  }
0x308: {  	v4 =	vmul.f32 v8, v6;
	v8 =	vld [tilespmem:s21+$0x20]  }
0x309: {  	v19 =	vld [tilespmem:s22+$0x20]  }
0x30a: {  	v20 =	vld.idx.msk [tilespmem:v5+s5+$0x0], $0xffff;
	v5 =	vmul.f32 v17, v14  }
0x30b: {  	v11 =	vld.idx.msk [tilespmem:v11+s5+$0x0], $0xffff  }
.Ltmp14:
0x30c: {  	v7 =	vld.idx.msk [tilespmem:v7+s5+$0x0], $0xffff;
	v6 =	vmul.f32 v18, v15;
	(pc) =	sbr.rel @p1 .LBB2_26-.Ltmp14, $4  }
0x30d: {  	v9 =	vld.idx.msk [tilespmem:v9+s5+$0x0], $0xffff  }
0x30e: {  	v10 =	vld.idx.msk [tilespmem:v10+s5+$0x0], $0xffff;
	v8 =	vmul.f32 v19, v8  }
0x30f: {  	v12 =	vld.idx.msk [tilespmem:v12+s5+$0x0], $0xffff  }
0x310: {  	s0 =	sadd.s32 $0x80, s0;
	v14 =	vmul.f32 v16, v20;
	v13 =	vld.idx.msk [tilespmem:v13+s5+$0x0], $0xffff  }
0x311: {  	v2 =	vmul.f32 v2, v11  }
0x312: {  	v3 =	vmul.f32 v3, v7;
	[tilespmem:s23+$0xFFFFFFC0] =	vst v14  }
0x313: {  	[tilespmem:s23+$0xFFFFFFD0] =	vst v2;
	v2 =	vmul.f32 v4, v9  }
0x314: {  	[tilespmem:s23+$0xFFFFFFE0] =	vst v3;
	v3 =	vmul.f32 v5, v10  }
0x315: {  	[tilespmem:s23+$0xFFFFFFF0] =	vst v2;
	v2 =	vmul.f32 v6, v12  }
0x316: {  	p1 =	seq.s32 s15, $0x14;
	[tilespmem:s23+$0x0] =	vst v3;
	v3 =	vmul.f32 v8, v13  }
0x317: {  	s0 =	sadd.s32 @!p1 s12, s16;
	[tilespmem:s23+$0x10] =	vst v2  }
0x318: {  	s21 =	sshrl.u32 @!p1 s0, $0x3;
	[tilespmem:s23+$0x20] =	vst v3  }
0x319: {  	[hbm4b:s24+s31] =	stream.strided.scatter [tilespmem:s28], [sflag:$0x3], $0x800, s1, s31, $0x38;
	[tilespmem:$0x115C0] =	vst v63  }
0x31a: {  	s22 =	sadd.s32 @!p1 s7, s21;
	s23 =	simm.s32 @!p1 $0x0;
	s24 =	simm.s32 @!p1 $0xBE00  }
0x31b: {  	[tilespmem:s24], [sflag:$0x1] =	stream.linear.gather @!p1 [hbm4b:s22+s23], $0x800, $0x38;
	[tilespmem:$0x115C0] =	vst v63  }
0x31c: {  	s0 =	sadd.s32 @!p1 s0, s25;
	s21 =	sadd.s32 @!p1 s6, s21;
	s22 =	simm.s32 @!p1 $0xAE00  }
0x31d: {  	[tilespmem:s22], [sflag:$0x1] =	stream.linear.gather @!p1 [hbm4b:s21+s23], $0x800, $0x38;
	[tilespmem:$0x115C0] =	vst v63  }
0x31e: {  	s21 =	simm.s32 @!p1 $0x80;
	s22 =	simm.s32 @!p1 $0x400;
	s23 =	simm.s32 @!p1 $0xCE00  }
0x31f: {  	[tilespmem:s23], [sflag:$0x1] =	stream.strided.gather @!p1 [hbm4b:s0+s21], $0x800, s22, s21, $0x38;
	[tilespmem:$0x115C0] =	vst v63  }
0x320: {  	_ =	swait.ge [sflag:s19], $0x800  }
0x321: {  	[sflag:s19] =	ssyncset.done $0x0  }
0x322: {  	[sflag:s19] =	ssyncadd.s32 $0xFFFFF800  }
0x323: {  	_ =	swait.ge [sflag:s19], $0x800  }
0x324: {  	[sflag:s19] =	ssyncset.done $0x0  }
0x325: {  	[sflag:s19] =	ssyncadd.s32 $0xFFFFF800  }
0x326: {  	_ =	swait.ge [sflag:s19], $0x800  }
0x327: {  	[sflag:s19] =	ssyncset.done $0x0  }
0x328: {  	s0 =	simm.s32 @!p0 $0x4;
	[sflag:s19] =	ssyncadd.s32 $0xFFFFF800  }
0x329: {  	_ =	swait.ge @!p0 [sflag:s0], $0x800  }
0x32a: {  	[sflag:s0] =	ssyncset.done @!p0 $0x0  }
0x32b: {  	s24 =	simm.s32 $0xB640;
	[sflag:s0] =	ssyncadd.s32 @!p0 $0xFFFFF800  }
0x32c: {  	v2 =	vld [tilespmem:s24+$0x30]  }
0x32d: {  	v3 =	vld [tilespmem:s24+$0xFFFFFFD0]  }
0x32e: {  	v4 =	vld [tilespmem:s24+$0xFFFFFFE0]  }
0x32f: {  	v5 =	vld [tilespmem:s24+$0xFFFFFFF0]  }
0x330: {  	v6 =	vld [tilespmem:s24+$0x0]  }
0x331: {  	s21 =	simm.s32 $0xD640;
	v7 =	vld [tilespmem:s24+$0x10]  }
0x332: {  	s22 =	simm.s32 $0xC640;
	v8 =	vld [tilespmem:s21+$0x30]  }
0x333: {  	v9 =	vld [tilespmem:s22+$0x30]  }
0x334: {  	v13 =	vld [tilespmem:s24+$0x20]  }
0x335: {  	v10 =	vld [tilespmem:s24+$0xFFFFFFC0]  }
0x336: {  	v11 =	vld [tilespmem:s21+$0xFFFFFFC0]  }
0x337: {  	v14 =	vld [tilespmem:s22+$0xFFFFFFC0]  }
0x338: {  	v15 =	vld [tilespmem:s21+$0xFFFFFFD0]  }
0x339: {  	v16 =	vld [tilespmem:s22+$0xFFFFFFD0]  }
0x33a: {  	v17 =	vld [tilespmem:s21+$0xFFFFFFE0]  }
0x33b: {  	v18 =	vld [tilespmem:s22+$0xFFFFFFE0]  }
0x33c: {  	v19 =	vld [tilespmem:s21+$0xFFFFFFF0]  }
0x33d: {  	v20 =	vld [tilespmem:s22+$0xFFFFFFF0]  }
0x33e: {  	v21 =	vld [tilespmem:s21+$0x0]  }
0x33f: {  	v22 =	vld [tilespmem:s22+$0x0]  }
0x340: {  	v23 =	vld [tilespmem:s21+$0x10]  }
0x341: {  	v24 =	vld [tilespmem:s22+$0x10]  }
0x342: {  	v25 =	vld [tilespmem:s21+$0x20]  }
0x343: {  	v26 =	vld [tilespmem:s22+$0x20]  }
0x344: {  	v2 =	vld.idx.msk [tilespmem:v2+s5+$0x0], $0xffff  }
0x345: {  	v27 =	vld.idx.msk [tilespmem:v10+s5+$0x0], $0xffff  }
0x346: {  	v12 =	vld.idx.msk [tilespmem:v3+s5+$0x0], $0xffff  }
0x347: {  	v8 =	vmul.f32 v9, v8;
	v14 =	vmul.f32 v14, v11;
	v9 =	vld.idx.msk [tilespmem:v4+s5+$0x0], $0xffff  }
0x348: {  	v10 =	vld.idx.msk [tilespmem:v5+s5+$0x0], $0xffff;
	v3 =	vmul.f32 v18, v17;
	v4 =	vmul.f32 v20, v19  }
0x349: {  	v5 =	vmul.f32 v22, v21;
	v11 =	vld.idx.msk [tilespmem:v7+s5+$0x0], $0xffff;
	v28 =	vmul.f32 v8, v2  }
0x34a: {  	s23 =	simm.s32 $0xE640;
	v7 =	vmul.f32 v26, v25;
	v2 =	vmul.f32 v16, v15;
	v8 =	vld.idx.msk [tilespmem:v6+s5+$0x0], $0xffff  }
0x34b: {  	s30 =	simm.s32 $0x0;
	s0 =	simm.s32 $0xB6C0;
	s24 =	sadd.s32 s12, s17;
	v13 =	vld.idx.msk [tilespmem:v13+s5+$0x0], $0xffff;
	v6 =	vmul.f32 v24, v23;
	v14 =	vmul.f32 v14, v27;
	[tilespmem:s23+$0x30] =	vst v28  }
.LBB2_28:
0x34c: {  	v15 =	vld [tilespmem:s0+$0x30];
	s30 =	sadd.s32 $0x8, s30;
	v2 =	vmul.f32 v2, v12  }
0x34d: {  	v3 =	vmul.f32 v3, v9;
	v12 =	vld [tilespmem:s0+$0xFFFFFFD0];
	p0 =	slt.u32 s30, $0x78;
	[tilespmem:s23+$0xFFFFFFC0] =	vst v14  }
0x34e: {  	v9 =	vld [tilespmem:s0+$0xFFFFFFE0];
	[tilespmem:s23+$0xFFFFFFD0] =	vst v2;
	v2 =	vmul.f32 v4, v10  }
0x34f: {  	v10 =	vld [tilespmem:s0+$0xFFFFFFF0];
	[tilespmem:s23+$0xFFFFFFE0] =	vst v3;
	v3 =	vmul.f32 v5, v8  }
0x350: {  	v8 =	vld [tilespmem:s0+$0x0];
	[tilespmem:s23+$0xFFFFFFF0] =	vst v2;
	v2 =	vmul.f32 v6, v11  }
0x351: {  	s21 =	sadd.s32 $0x80, s21;
	v11 =	vld [tilespmem:s0+$0x10];
	[tilespmem:s23+$0x0] =	vst v3;
	v3 =	vmul.f32 v7, v13  }
0x352: {  	s22 =	sadd.s32 $0x80, s22;
	v4 =	vld [tilespmem:s21+$0x30];
	[tilespmem:s23+$0x10] =	vst v2  }
0x353: {  	v2 =	vld [tilespmem:s22+$0x30];
	[tilespmem:s23+$0x20] =	vst v3  }
0x354: {  	v3 =	vld.idx.msk [tilespmem:v15+s5+$0x0], $0xffff  }
0x355: {  	v13 =	vld [tilespmem:s0+$0x20]  }
0x356: {  	v5 =	vld [tilespmem:s0+$0xFFFFFFC0]  }
0x357: {  	v6 =	vld [tilespmem:s21+$0xFFFFFFC0]  }
0x358: {  	v7 =	vld [tilespmem:s22+$0xFFFFFFC0];
	v2 =	vmul.f32 v2, v4  }
0x359: {  	v4 =	vld [tilespmem:s21+$0xFFFFFFD0]  }
0x35a: {  	v14 =	vld [tilespmem:s22+$0xFFFFFFD0];
	v2 =	vmul.f32 v2, v3  }
0x35b: {  	s23 =	sadd.s32 $0x80, s23;
	v3 =	vld [tilespmem:s21+$0xFFFFFFE0]  }
0x35c: {  	v15 =	vld [tilespmem:s22+$0xFFFFFFE0];
	[tilespmem:s23+$0x30] =	vst v2  }
0x35d: {  	v16 =	vmul.f32 v7, v6;
	v6 =	vld [tilespmem:s21+$0xFFFFFFF0]  }
0x35e: {  	v7 =	vld [tilespmem:s22+$0xFFFFFFF0]  }
0x35f: {  	v2 =	vmul.f32 v14, v4;
	v14 =	vld [tilespmem:s21+$0x0]  }
0x360: {  	v17 =	vld [tilespmem:s22+$0x0]  }
0x361: {  	v3 =	vmul.f32 v15, v3;
	v15 =	vld [tilespmem:s21+$0x10]  }
0x362: {  	v18 =	vld [tilespmem:s22+$0x10]  }
0x363: {  	v4 =	vmul.f32 v7, v6;
	v7 =	vld [tilespmem:s21+$0x20]  }
0x364: {  	v19 =	vld [tilespmem:s22+$0x20]  }
0x365: {  	v20 =	vld.idx.msk [tilespmem:v5+s5+$0x0], $0xffff;
	v5 =	vmul.f32 v17, v14  }
0x366: {  	v12 =	vld.idx.msk [tilespmem:v12+s5+$0x0], $0xffff  }
.Ltmp15:
0x367: {  	v9 =	vld.idx.msk [tilespmem:v9+s5+$0x0], $0xffff;
	v6 =	vmul.f32 v18, v15;
	(pc) =	sbr.rel @p0 .LBB2_28-.Ltmp15, $4  }
0x368: {  	v10 =	vld.idx.msk [tilespmem:v10+s5+$0x0], $0xffff  }
0x369: {  	v8 =	vld.idx.msk [tilespmem:v8+s5+$0x0], $0xffff;
	v7 =	vmul.f32 v19, v7  }
0x36a: {  	v11 =	vld.idx.msk [tilespmem:v11+s5+$0x0], $0xffff  }
0x36b: {  	s0 =	sadd.s32 $0x80, s0;
	v14 =	vmul.f32 v16, v20;
	v13 =	vld.idx.msk [tilespmem:v13+s5+$0x0], $0xffff  }
0x36c: {  	v2 =	vmul.f32 v2, v12  }
0x36d: {  	v3 =	vmul.f32 v3, v9;
	[tilespmem:s23+$0xFFFFFFC0] =	vst v14  }
0x36e: {  	[tilespmem:s23+$0xFFFFFFD0] =	vst v2;
	v2 =	vmul.f32 v4, v10  }
0x36f: {  	[tilespmem:s23+$0xFFFFFFE0] =	vst v3;
	v3 =	vmul.f32 v5, v8  }
.Ltmp16:
0x370: {  	[tilespmem:s23+$0xFFFFFFF0] =	vst v2;
	v2 =	vmul.f32 v6, v11;
	(pc) =	sbr.rel @p1 .LBB2_31-.Ltmp16, $4  }
0x371: {  	[tilespmem:s23+$0x0] =	vst v3;
	v3 =	vmul.f32 v7, v13  }
0x372: {  	[tilespmem:s23+$0x10] =	vst v2  }
0x373: {  	[tilespmem:s23+$0x20] =	vst v3  }
0x374: {  	[hbm4b:s24+s31] =	stream.strided.scatter [tilespmem:s29], [sflag:$0x4], $0x800, s1, s31, $0x38;
	[tilespmem:$0x115C0] =	vst v63  }
0x375: {  	s0 =	sadd.s32 s12, s18  }
0x376: {  	s12 =	sshrl.u32 s0, $0x3  }
0x377: {  	s21 =	sadd.s32 s7, s12  }
0x378: {  	[tilespmem:s26], [sflag:$0x2] =	stream.linear.gather [hbm4b:s21+s3], $0x800, $0x38;
	[tilespmem:$0x115C0] =	vst v63  }
.Ltmp17:
0x379: {  	_ = 	snop;
	(pc) =	sbr.rel .LBB2_25-.Ltmp17, $4  }
0x37a: {  	s12 =	sadd.s32 s6, s12  }
0x37b: {  	[tilespmem:s9], [sflag:$0x2] =	stream.linear.gather [hbm4b:s12+s3], $0x800, $0x38;
	[tilespmem:$0x115C0] =	vst v63  }
0x37c: {  	s15 =	sadd.s32 $0x1, s15;
	s0 =	sadd.s32 s0, s25  }
0x37d: {  	[tilespmem:s20], [sflag:$0x2] =	stream.strided.gather [hbm4b:s0+s31], $0x800, s1, s31, $0x38;
	[tilespmem:$0x115C0] =	vst v63  }
.LBB2_32:
0x37e: {  	_ =	sfence.sel $0x180000  }
0x37f: {  	[bflag:$0x0] =	sbarrier.arrive $0xFFFF  }
0x380: {  	_ =	strace $0x90000047  }
0x381: {  	s0 =	stileid.u32;
	[bflag:$0x2] =	sbarrier.arrive $0xFFFF  }
0x382: {  	p0 =	sne.s32 s0, $0x0;
	s0 =	rddreg [dreg:$0x3]  }
0x383: {  	s0 =	sadd.s32 @!p0 $0x100000, s0  }
0x384: {  	[sflag:s0] =	ssyncadd.tile.s32 @!p0 $0x1;
	_ =	shalt  }
.Lfunc_end2:
_tile_overlayer_lowered:
.L_overlay_start_2:
0x385: {  	(tag) =	ssettag $0x2  }
0x386: {  	s0 =	rddreg [dreg:$0x0];
	s2 =	stileid.u32  }
0x387: {  	s1 =	rddreg [dreg:$0x1];
	p0 =	sne.s32 s2, $0x0  }
0x388: {  	s3 =	rddreg [dreg:$0x2];
	[bflag:$0x3] =	sbarrier.arrive $0xFFFF;
	s2 =	simm.s32 @!p0 $0x1C05  }
0x389: {  	[timem:s3], [sflag:s2] =	dma.local @!p0 [hbm:s0], s1  }
0x38a: {  	s0 =	simm.s32 @!p0 $0x5  }
0x38b: {  	_ =	swait.ge @!p0 [sflag:s0], s1  }
0x38c: {  	s1 =	ssub.s32 @!p0 $0x0, s1;
	[sflag:s0] =	ssyncset.done @!p0 $0x0  }
0x38d: {  	[sflag:s0] =	ssyncadd.s32 @!p0 s1  }
0x38e: {  	[bflag:$0x3] =	sbarrier.arrive $0xFFFF  }
0x38f: {  	_ =	shalt  }

</sc_bundles>
